<compile_context>
chip_gen: v7x
topology: tpu7x:2x2x1
jax: 0.10.2.dev20260603
libtpu: 0.0.44.dev20260713+nightly
codegen_flags: <defaults>
</compile_context>

<pallas_src>
import jax
import jax.numpy as jnp
from jax import lax
from jax.experimental import pallas as pl
from jax.experimental.pallas import tpu as pltpu
from jax.experimental.pallas import tpu_sc as plsc

N_NODES = 10000
N_PAD = 10240
N_EDGES = 320000
NC, NS = 2, 16
CH = 512
CPW = 40
E_PAD = NS * CPW * CH
D_HID = 32
HF = D_HID // NC
STRIPE = N_PAD // NS


def _sc_mesh():
    return plsc.VectorSubcoreMesh(core_axis_name="c", subcore_axis_name="s")


_SC_PARAMS = pltpu.CompilerParams(use_tc_tiling_on_sc=False)



DEG_CPW = CPW // NC


def _deg_body(dst_hbm, idx_v, ones_v, z1, deg_sh, sem, out_hbm):
    c = lax.axis_index("c")
    s = lax.axis_index("s")
    z16 = jnp.zeros((16,), jnp.float32)
    one16 = jnp.full((16,), 1.0, jnp.float32)
    for i in range(STRIPE // 16):
        z1[pl.ds(i * 16, 16)] = z16
    for i in range(CH // 16):
        ones_v[pl.ds(i * 16, 16)] = one16
    pltpu.sync_copy(z1, deg_sh.at[pl.ds(s * STRIPE, STRIPE)])
    pltpu.async_copy(dst_hbm.at[s, pl.ds(c * DEG_CPW, DEG_CPW)], idx_v,
                     sem).wait()
    plsc.subcore_barrier()

    def body(j, carry):
        pltpu.sync_copy(ones_v, deg_sh.at[idx_v.at[j]], add=True)
        return carry

    lax.fori_loop(0, DEG_CPW, body, 0)
    plsc.subcore_barrier()
    pltpu.sync_copy(deg_sh.at[pl.ds(s * STRIPE, STRIPE)],
                    out_hbm.at[c, pl.ds(s * STRIPE, STRIPE)])


def _make_deg_kernel():
    def body(dst_hbm, out_hbm, idx_v, ones_v, z1, deg_sh, sem):
        _deg_body(dst_hbm, idx_v, ones_v, z1, deg_sh, sem, out_hbm)

    return pl.kernel(
        body,
        out_type=jax.ShapeDtypeStruct((NC, N_PAD), jnp.float32),
        mesh=_sc_mesh(),
        scratch_types=[
            pltpu.VMEM((DEG_CPW, CH), jnp.int32),
            pltpu.VMEM((CH,), jnp.float32),
            pltpu.VMEM((STRIPE,), jnp.float32),
            pltpu.VMEM_SHARED((N_PAD,), jnp.float32),
            pltpu.SemaphoreType.DMA,
        ],
        compiler_params=_SC_PARAMS,
    )



def _mega_body(h1h_hbm, src_hbm, dst_hbm, degp_hbm,
               out_hbm, tab1_hbm, tab2_hbm,
               sidx_v, didx_v, rows0_v, rows1_v, rows2_v, rows3_v,
               accT, hT, dsT, d2T, dT, zT,
               acc_sh,
               gsem0, gsem1, gsem2, gsem3, ssem0, ssem1, ssem2, ssem3):
    c = lax.axis_index("c")
    s = lax.axis_index("s")
    base = s * STRIPE
    bufs = (rows0_v, rows1_v, rows2_v, rows3_v)
    gsems = (gsem0, gsem1, gsem2, gsem3)
    ssems = (ssem0, ssem1, ssem2, ssem3)

    def zrow(r, carry):
        zT[r] = jnp.zeros((HF,), jnp.float32)
        return carry

    lax.fori_loop(0, STRIPE, zrow, 0)
    pltpu.async_copy(src_hbm.at[s], sidx_v, gsem0).wait()
    pltpu.async_copy(dst_hbm.at[s], didx_v, gsem0).wait()
    pltpu.sync_copy(zT, acc_sh.at[pl.ds(base, STRIPE)])
    pltpu.sync_copy(degp_hbm.at[0, pl.ds(base, STRIPE)], dsT)
    pltpu.sync_copy(degp_hbm.at[1, pl.ds(base, STRIPE)], d2T)

    def rsq(i, carry):
        v = dsT[pl.ds(i * 16, 16)] + d2T[pl.ds(i * 16, 16)] + 1.0
        yi = jnp.int32(0x5F3759DF) - (lax.bitcast_convert_type(v, jnp.int32) >> 1)
        y = lax.bitcast_convert_type(yi, jnp.float32)
        y = y * (1.5 - 0.5 * v * y * y)
        y = y * (1.5 - 0.5 * v * y * y)
        y = y * (1.5 - 0.5 * v * y * y)
        for rr in range(16):
            dT[i * 16 + rr] = jnp.broadcast_to(y[rr], (HF,))
        return carry

    lax.fori_loop(0, STRIPE // 16, rsq, 0)

    pltpu.sync_copy(h1h_hbm.at[c, pl.ds(base, STRIPE)], hT)

    def scale(r, carry):
        hT[r] = hT[r] * dT[r]
        return carry

    lax.fori_loop(0, STRIPE, scale, 0)
    pltpu.sync_copy(hT, tab1_hbm.at[c, pl.ds(base, STRIPE)])
    plsc.subcore_barrier()

    def prop(tab_view):
        def gather(j, slot):
            pltpu.async_copy(tab_view.at[sidx_v.at[j]], bufs[slot],
                             gsems[slot])

        def wait_gather(j, slot):
            pltpu.make_async_copy(tab_view.at[sidx_v.at[j]], bufs[slot],
                                  gsems[slot]).wait()

        def scatter(j, slot):
            pltpu.async_copy(bufs[slot], acc_sh.at[didx_v.at[j]],
                             ssems[slot], add=True)

        def wait_scatter(j, slot):
            pltpu.make_async_copy(bufs[slot], acc_sh.at[didx_v.at[j]],
                                  ssems[slot]).wait()

        gather(0, 0)
        gather(1, 1)
        for j in (0, 1):
            wait_gather(j, j)
            scatter(j, j)
            gather(j + 2, (j + 2) % 4)

        def body4(k, carry):
            base4 = 4 * k + 2
            for t in range(4):
                j = base4 + t
                slot = (2 + t) % 4
                wait_gather(j, slot)
                scatter(j, slot)
                wait_scatter(j - 2, (slot + 2) % 4)
                gather(j + 2, (slot + 2) % 4)
            return carry

        lax.fori_loop(0, (CPW - 4) // 4, body4, 0)

        for j in (CPW - 2, CPW - 1):
            wait_gather(j, j % 4)
            scatter(j, j % 4)
            wait_scatter(j - 2, (j - 2) % 4)
        wait_scatter(CPW - 2, (CPW - 2) % 4)
        wait_scatter(CPW - 1, (CPW - 1) % 4)

    prop(tab1_hbm.at[c])
    plsc.subcore_barrier()

    pltpu.sync_copy(acc_sh.at[pl.ds(base, STRIPE)], accT)

    def mid(r, carry):
        d = dT[r]
        t = (accT[r] + hT[r]) * d
        e = jnp.exp(2.0 * t)
        hT[r] = (1.0 - 2.0 / (e + 1.0)) * d
        return carry

    lax.fori_loop(0, STRIPE, mid, 0)
    pltpu.sync_copy(hT, tab2_hbm.at[c, pl.ds(base, STRIPE)])
    pltpu.sync_copy(zT, acc_sh.at[pl.ds(base, STRIPE)])
    plsc.subcore_barrier()

    prop(tab2_hbm.at[c])
    plsc.subcore_barrier()

    pltpu.sync_copy(acc_sh.at[pl.ds(base, STRIPE)], accT)

    def fin(r, carry):
        accT[r] = (accT[r] + hT[r]) * dT[r]
        return carry

    lax.fori_loop(0, STRIPE, fin, 0)
    pltpu.sync_copy(accT, out_hbm.at[c, pl.ds(base, STRIPE)])


def _make_mega_kernel():
    return pl.kernel(
        _mega_body,
        out_type=(jax.ShapeDtypeStruct((NC, N_PAD, HF), jnp.float32),
                  jax.ShapeDtypeStruct((NC, N_PAD, HF), jnp.float32),
                  jax.ShapeDtypeStruct((NC, N_PAD, HF), jnp.float32)),
        mesh=_sc_mesh(),
        scratch_types=[
            pltpu.VMEM((CPW, CH), jnp.int32),
            pltpu.VMEM((CPW, CH), jnp.int32),
            pltpu.VMEM((CH, HF), jnp.float32),
            pltpu.VMEM((CH, HF), jnp.float32),
            pltpu.VMEM((CH, HF), jnp.float32),
            pltpu.VMEM((CH, HF), jnp.float32),
            pltpu.VMEM((STRIPE, HF), jnp.float32),
            pltpu.VMEM((STRIPE, HF), jnp.float32),
            pltpu.VMEM((STRIPE,), jnp.float32),
            pltpu.VMEM((STRIPE,), jnp.float32),
            pltpu.VMEM((STRIPE, HF), jnp.float32),
            pltpu.VMEM((STRIPE, HF), jnp.float32),
            pltpu.VMEM_SHARED((N_PAD, HF), jnp.float32),
        ] + [pltpu.SemaphoreType.DMA] * 8,
        compiler_params=_SC_PARAMS,
    )



BRA = 1000
BRZ = 1024


def _h1_body(x_ref, w_ref, o_ref):
    o_ref[...] = jnp.dot(x_ref[...], w_ref[...],
                         preferred_element_type=jnp.float32)


def _zmat_body(p_ref, w2_ref, o_ref):
    o_ref[...] = jnp.dot(p_ref[...], w2_ref[...],
                         preferred_element_type=jnp.float32)


def _h1_call(x, W1):
    return pl.pallas_call(
        _h1_body,
        grid=(N_NODES // BRA,),
        in_specs=[pl.BlockSpec((BRA, 128), lambda i: (i, 0)),
                  pl.BlockSpec((128, D_HID), lambda i: (0, 0))],
        out_specs=pl.BlockSpec((BRA, D_HID), lambda i: (i, 0)),
        out_shape=jax.ShapeDtypeStruct((N_NODES, D_HID), jnp.float32),
    )(x, W1)


def _zmat_call(p2, W2p):
    return pl.pallas_call(
        _zmat_body,
        grid=(N_PAD // BRZ,),
        in_specs=[pl.BlockSpec((BRZ, D_HID), lambda i: (i, 0)),
                  pl.BlockSpec((D_HID, 8), lambda i: (0, 0))],
        out_specs=pl.BlockSpec((BRZ, 8), lambda i: (i, 0)),
        out_shape=jax.ShapeDtypeStruct((N_PAD, 8), jnp.float32),
    )(p2, W2p)



def kernel(x, edge_index, W1, W2):
    n = x.shape[0]
    dummy = jnp.full((E_PAD - N_EDGES,), n, dtype=jnp.int32)
    srcp = jnp.concatenate([edge_index[0], dummy]).reshape(NS, CPW, CH)
    dstp = jnp.concatenate([edge_index[1], dummy]).reshape(NS, CPW, CH)
    W2p = jnp.pad(W2, ((0, 0), (0, 8 - W2.shape[1])))

    deg_part = _make_deg_kernel()(dstp)
    h1s = _h1_call(x, W1)
    h1h = jnp.pad(h1s, ((0, N_PAD - n), (0, 0))).reshape(
        N_PAD, NC, HF).transpose(1, 0, 2)
    p2h, _tab1, _tab2 = _make_mega_kernel()(h1h, srcp, dstp, deg_part)
    p2 = p2h.transpose(1, 0, 2).reshape(N_PAD, D_HID)
    zp = _zmat_call(p2, W2p)
    z = zp[:n, :W2.shape[1]]
    return (z, z)

# --- scband reference (transcript-rebuilt; emitter-appended) ---
"""Pipeline reference for scband-gaeencoder-81870666596785 (READ-ONLY COPY).

The authoritative reference and input builder live on the scoring server;
editing this copy changes nothing except your own understanding.
"""

import jax, jax.numpy as jnp
import numpy as np

N_NODES = 10000
N_EDGES = 320000
D_FEAT = 128
D_HID = 32
D_OUT = 3


def setup_inputs(seed: int = 0) -> dict:
    key = jax.random.key(seed)
    k1, k2, k3, k4 = jax.random.split(key, 4)
    x = jax.random.normal(k1, (N_NODES, D_FEAT), dtype=jnp.float32)
    edge_index = jax.random.randint(k2, (2, N_EDGES), 0, N_NODES, dtype=jnp.int32)
    # GCNConv weights (glorot-ish init), stored as [in, out] so forward is x @ W
    W1 = jax.random.normal(k3, (D_FEAT, D_HID), dtype=jnp.float32) * np.sqrt(2.0 / (D_FEAT + D_HID))
    W2 = jax.random.normal(k4, (D_HID, D_OUT), dtype=jnp.float32) * np.sqrt(2.0 / (D_HID + D_OUT))
    return {"x": x, "edge_index": edge_index, "W1": W1, "W2": W2}


def _gcn_conv(x, edge_index, W, num_nodes):
    # PyG GCNConv (bias=False): out = D^{-1/2} (A + I) D^{-1/2} (x @ W)
    h = x @ W
    src = edge_index[0]
    dst = edge_index[1]
    loop = jnp.arange(num_nodes, dtype=src.dtype)
    src = jnp.concatenate([src, loop])
    dst = jnp.concatenate([dst, loop])
    ones = jnp.ones(src.shape[0], dtype=h.dtype)
    deg = jax.ops.segment_sum(ones, dst, num_segments=num_nodes)
    deg_inv_sqrt = jnp.where(deg > 0, jax.lax.rsqrt(jnp.maximum(deg, 1e-12)), 0.0)
    norm = deg_inv_sqrt[src] * deg_inv_sqrt[dst]
    msg = h[src] * norm[:, None]
    out = jax.ops.segment_sum(msg, dst, num_segments=num_nodes)
    return out


def reference(x, edge_index, W1, W2):
    n = x.shape[0]
    hidden1 = jnp.tanh(_gcn_conv(x, edge_index, W1, n))
    # dropout p=0.0 -> identity
    z = _gcn_conv(hidden1, edge_index, W2, n)
    # original returns (z, z, None); drop the None sentinel
    return (z, z)

if __name__ == "__main__":
    import jax
    _d = setup_inputs()
    print(jax.jit(kernel)(*tuple(_d.values())))

</pallas_src>

<mosaic_0001>
#map = affine_map<(d0, d1) -> (0, 0, 0)>
#map1 = affine_map<(d0, d1) -> (0, 0)>
module attributes {stable_mosaic.version = 14 : i64} {
  func.func @body(%arg0: i32, %arg1: i32, %arg2: memref<16x40x512xi32, #tpu.memory_space<hbm>>, %arg3: memref<2x10240xf32, #tpu.memory_space<hbm>>, %arg4: memref<20x512xi32, #tpu.memory_space<vmem>>, %arg5: memref<512xf32, #tpu.memory_space<vmem>>, %arg6: memref<640xf32, #tpu.memory_space<vmem>>, %arg7: memref<10240xf32, #tpu.memory_space<vmem_shared>>, %arg8: memref<!tpu.dma_semaphore, #tpu.memory_space<semaphore_mem>>) attributes {dimension_semantics = [#tpu.dimension_semantics<core_parallel>, #tpu.dimension_semantics<subcore_parallel>], iteration_bounds = array<i64: 2, 16>, scalar_prefetch = 0 : i64, scratch_operands = 5 : i64, tpu.core_type = #tpu.core_type<sc_vector_subcore>, window_params = [{transform_indices = #map}, {transform_indices = #map1}]} {
    %broadcast_in_dim3A = arith.constant 0.000000e+00 : f32
    %broadcast_in_dim3A_0 = vector.broadcast %broadcast_in_dim3A : f32 to vector<16xf32>
    %broadcast_in_dim3A_1 = arith.constant 1.000000e+00 : f32
    %broadcast_in_dim3A_2 = vector.broadcast %broadcast_in_dim3A_1 : f32 to vector<16xf32>
    %swap3A = arith.constant 0 : index
    %swap3A_3 = tpu.vector_load %arg6[%swap3A] {strides = array<i32>} : memref<640xf32, #tpu.memory_space<vmem>>, vector<16xf32>,
    %swap3A_4 = vector.shape_cast %swap3A_3 : vector<16xf32> to vector<16xf32>
    %swap3A_5 = vector.shape_cast %broadcast_in_dim3A_0 : vector<16xf32> to vector<16xf32>
    tpu.vector_store %arg6[%swap3A], %swap3A_5 {strides = array<i32>} : memref<640xf32, #tpu.memory_space<vmem>>, vector<16xf32>,
    %swap3A_6 = arith.constant 16 : index
    %swap3A_7 = tpu.vector_load %arg6[%swap3A_6] {strides = array<i32>} : memref<640xf32, #tpu.memory_space<vmem>>, vector<16xf32>,
    %swap3A_8 = vector.shape_cast %swap3A_7 : vector<16xf32> to vector<16xf32>
    %swap3A_9 = vector.shape_cast %broadcast_in_dim3A_0 : vector<16xf32> to vector<16xf32>
    tpu.vector_store %arg6[%swap3A_6], %swap3A_9 {strides = array<i32>} : memref<640xf32, #tpu.memory_space<vmem>>, vector<16xf32>,
    %swap3A_10 = arith.constant 32 : index
    %swap3A_11 = tpu.vector_load %arg6[%swap3A_10] {strides = array<i32>} : memref<640xf32, #tpu.memory_space<vmem>>, vector<16xf32>,
    %swap3A_12 = vector.shape_cast %swap3A_11 : vector<16xf32> to vector<16xf32>
    %swap3A_13 = vector.shape_cast %broadcast_in_dim3A_0 : vector<16xf32> to vector<16xf32>
    tpu.vector_store %arg6[%swap3A_10], %swap3A_13 {strides = array<i32>} : memref<640xf32, #tpu.memory_space<vmem>>, vector<16xf32>,
    %swap3A_14 = arith.constant 48 : index
    %swap3A_15 = tpu.vector_load %arg6[%swap3A_14] {strides = array<i32>} : memref<640xf32, #tpu.memory_space<vmem>>, vector<16xf32>,
    %swap3A_16 = vector.shape_cast %swap3A_15 : vector<16xf32> to vector<16xf32>
    %swap3A_17 = vector.shape_cast %broadcast_in_dim3A_0 : vector<16xf32> to vector<16xf32>
    tpu.vector_store %arg6[%swap3A_14], %swap3A_17 {strides = array<i32>} : memref<640xf32, #tpu.memory_space<vmem>>, vector<16xf32>,
    %swap3A_18 = arith.constant 64 : index
    %swap3A_19 = tpu.vector_load %arg6[%swap3A_18] {strides = array<i32>} : memref<640xf32, #tpu.memory_space<vmem>>, vector<16xf32>,
    %swap3A_20 = vector.shape_cast %swap3A_19 : vector<16xf32> to vector<16xf32>
    %swap3A_21 = vector.shape_cast %broadcast_in_dim3A_0 : vector<16xf32> to vector<16xf32>
    tpu.vector_store %arg6[%swap3A_18], %swap3A_21 {strides = array<i32>} : memref<640xf32, #tpu.memory_space<vmem>>, vector<16xf32>,
    %swap3A_22 = arith.constant 80 : index
    %swap3A_23 = tpu.vector_load %arg6[%swap3A_22] {strides = array<i32>} : memref<640xf32, #tpu.memory_space<vmem>>, vector<16xf32>,
    %swap3A_24 = vector.shape_cast %swap3A_23 : vector<16xf32> to vector<16xf32>
    %swap3A_25 = vector.shape_cast %broadcast_in_dim3A_0 : vector<16xf32> to vector<16xf32>
    tpu.vector_store %arg6[%swap3A_22], %swap3A_25 {strides = array<i32>} : memref<640xf32, #tpu.memory_space<vmem>>, vector<16xf32>,
    %swap3A_26 = arith.constant 96 : index
    %swap3A_27 = tpu.vector_load %arg6[%swap3A_26] {strides = array<i32>} : memref<640xf32, #tpu.memory_space<vmem>>, vector<16xf32>,
    %swap3A_28 = vector.shape_cast %swap3A_27 : vector<16xf32> to vector<16xf32>
    %swap3A_29 = vector.shape_cast %broadcast_in_dim3A_0 : vector<16xf32> to vector<16xf32>
    tpu.vector_store %arg6[%swap3A_26], %swap3A_29 {strides = array<i32>} : memref<640xf32, #tpu.memory_space<vmem>>, vector<16xf32>,
    %swap3A_30 = arith.constant 112 : index
    %swap3A_31 = tpu.vector_load %arg6[%swap3A_30] {strides = array<i32>} : memref<640xf32, #tpu.memory_space<vmem>>, vector<16xf32>,
    %swap3A_32 = vector.shape_cast %swap3A_31 : vector<16xf32> to vector<16xf32>
    %swap3A_33 = vector.shape_cast %broadcast_in_dim3A_0 : vector<16xf32> to vector<16xf32>
    tpu.vector_store %arg6[%swap3A_30], %swap3A_33 {strides = array<i32>} : memref<640xf32, #tpu.memory_space<vmem>>, vector<16xf32>,
    %swap3A_34 = arith.constant 128 : index
    %swap3A_35 = tpu.vector_load %arg6[%swap3A_34] {strides = array<i32>} : memref<640xf32, #tpu.memory_space<vmem>>, vector<16xf32>,
    %swap3A_36 = vector.shape_cast %swap3A_35 : vector<16xf32> to vector<16xf32>
    %swap3A_37 = vector.shape_cast %broadcast_in_dim3A_0 : vector<16xf32> to vector<16xf32>
    tpu.vector_store %arg6[%swap3A_34], %swap3A_37 {strides = array<i32>} : memref<640xf32, #tpu.memory_space<vmem>>, vector<16xf32>,
    %swap3A_38 = arith.constant 144 : index
    %swap3A_39 = tpu.vector_load %arg6[%swap3A_38] {strides = array<i32>} : memref<640xf32, #tpu.memory_space<vmem>>, vector<16xf32>,
    %swap3A_40 = vector.shape_cast %swap3A_39 : vector<16xf32> to vector<16xf32>
    %swap3A_41 = vector.shape_cast %broadcast_in_dim3A_0 : vector<16xf32> to vector<16xf32>
    tpu.vector_store %arg6[%swap3A_38], %swap3A_41 {strides = array<i32>} : memref<640xf32, #tpu.memory_space<vmem>>, vector<16xf32>,
    %swap3A_42 = arith.constant 160 : index
    %swap3A_43 = tpu.vector_load %arg6[%swap3A_42] {strides = array<i32>} : memref<640xf32, #tpu.memory_space<vmem>>, vector<16xf32>,
    %swap3A_44 = vector.shape_cast %swap3A_43 : vector<16xf32> to vector<16xf32>
    %swap3A_45 = vector.shape_cast %broadcast_in_dim3A_0 : vector<16xf32> to vector<16xf32>
    tpu.vector_store %arg6[%swap3A_42], %swap3A_45 {strides = array<i32>} : memref<640xf32, #tpu.memory_space<vmem>>, vector<16xf32>,
    %swap3A_46 = arith.constant 176 : index
    %swap3A_47 = tpu.vector_load %arg6[%swap3A_46] {strides = array<i32>} : memref<640xf32, #tpu.memory_space<vmem>>, vector<16xf32>,
    %swap3A_48 = vector.shape_cast %swap3A_47 : vector<16xf32> to vector<16xf32>
    %swap3A_49 = vector.shape_cast %broadcast_in_dim3A_0 : vector<16xf32> to vector<16xf32>
    tpu.vector_store %arg6[%swap3A_46], %swap3A_49 {strides = array<i32>} : memref<640xf32, #tpu.memory_space<vmem>>, vector<16xf32>,
    %swap3A_50 = arith.constant 192 : index
    %swap3A_51 = tpu.vector_load %arg6[%swap3A_50] {strides = array<i32>} : memref<640xf32, #tpu.memory_space<vmem>>, vector<16xf32>,
    %swap3A_52 = vector.shape_cast %swap3A_51 : vector<16xf32> to vector<16xf32>
    %swap3A_53 = vector.shape_cast %broadcast_in_dim3A_0 : vector<16xf32> to vector<16xf32>
    tpu.vector_store %arg6[%swap3A_50], %swap3A_53 {strides = array<i32>} : memref<640xf32, #tpu.memory_space<vmem>>, vector<16xf32>,
    %swap3A_54 = arith.constant 208 : index
    %swap3A_55 = tpu.vector_load %arg6[%swap3A_54] {strides = array<i32>} : memref<640xf32, #tpu.memory_space<vmem>>, vector<16xf32>,
    %swap3A_56 = vector.shape_cast %swap3A_55 : vector<16xf32> to vector<16xf32>
    %swap3A_57 = vector.shape_cast %broadcast_in_dim3A_0 : vector<16xf32> to vector<16xf32>
    tpu.vector_store %arg6[%swap3A_54], %swap3A_57 {strides = array<i32>} : memref<640xf32, #tpu.memory_space<vmem>>, vector<16xf32>,
    %swap3A_58 = arith.constant 224 : index
    %swap3A_59 = tpu.vector_load %arg6[%swap3A_58] {strides = array<i32>} : memref<640xf32, #tpu.memory_space<vmem>>, vector<16xf32>,
    %swap3A_60 = vector.shape_cast %swap3A_59 : vector<16xf32> to vector<16xf32>
    %swap3A_61 = vector.shape_cast %broadcast_in_dim3A_0 : vector<16xf32> to vector<16xf32>
    tpu.vector_store %arg6[%swap3A_58], %swap3A_61 {strides = array<i32>} : memref<640xf32, #tpu.memory_space<vmem>>, vector<16xf32>,
    %swap3A_62 = arith.constant 240 : index
    %swap3A_63 = tpu.vector_load %arg6[%swap3A_62] {strides = array<i32>} : memref<640xf32, #tpu.memory_space<vmem>>, vector<16xf32>,
    %swap3A_64 = vector.shape_cast %swap3A_63 : vector<16xf32> to vector<16xf32>
    %swap3A_65 = vector.shape_cast %broadcast_in_dim3A_0 : vector<16xf32> to vector<16xf32>
    tpu.vector_store %arg6[%swap3A_62], %swap3A_65 {strides = array<i32>} : memref<640xf32, #tpu.memory_space<vmem>>, vector<16xf32>,
    %swap3A_66 = arith.constant 256 : index
    %swap3A_67 = tpu.vector_load %arg6[%swap3A_66] {strides = array<i32>} : memref<640xf32, #tpu.memory_space<vmem>>, vector<16xf32>,
    %swap3A_68 = vector.shape_cast %swap3A_67 : vector<16xf32> to vector<16xf32>
    %swap3A_69 = vector.shape_cast %broadcast_in_dim3A_0 : vector<16xf32> to vector<16xf32>
    tpu.vector_store %arg6[%swap3A_66], %swap3A_69 {strides = array<i32>} : memref<640xf32, #tpu.memory_space<vmem>>, vector<16xf32>,
    %swap3A_70 = arith.constant 272 : index
    %swap3A_71 = tpu.vector_load %arg6[%swap3A_70] {strides = array<i32>} : memref<640xf32, #tpu.memory_space<vmem>>, vector<16xf32>,
    %swap3A_72 = vector.shape_cast %swap3A_71 : vector<16xf32> to vector<16xf32>
    %swap3A_73 = vector.shape_cast %broadcast_in_dim3A_0 : vector<16xf32> to vector<16xf32>
    tpu.vector_store %arg6[%swap3A_70], %swap3A_73 {strides = array<i32>} : memref<640xf32, #tpu.memory_space<vmem>>, vector<16xf32>,
    %swap3A_74 = arith.constant 288 : index
    %swap3A_75 = tpu.vector_load %arg6[%swap3A_74] {strides = array<i32>} : memref<640xf32, #tpu.memory_space<vmem>>, vector<16xf32>,
    %swap3A_76 = vector.shape_cast %swap3A_75 : vector<16xf32> to vector<16xf32>
    %swap3A_77 = vector.shape_cast %broadcast_in_dim3A_0 : vector<16xf32> to vector<16xf32>
    tpu.vector_store %arg6[%swap3A_74], %swap3A_77 {strides = array<i32>} : memref<640xf32, #tpu.memory_space<vmem>>, vector<16xf32>,
    %swap3A_78 = arith.constant 304 : index
    %swap3A_79 = tpu.vector_load %arg6[%swap3A_78] {strides = array<i32>} : memref<640xf32, #tpu.memory_space<vmem>>, vector<16xf32>,
    %swap3A_80 = vector.shape_cast %swap3A_79 : vector<16xf32> to vector<16xf32>
    %swap3A_81 = vector.shape_cast %broadcast_in_dim3A_0 : vector<16xf32> to vector<16xf32>
    tpu.vector_store %arg6[%swap3A_78], %swap3A_81 {strides = array<i32>} : memref<640xf32, #tpu.memory_space<vmem>>, vector<16xf32>,
    %swap3A_82 = arith.constant 320 : index
    %swap3A_83 = tpu.vector_load %arg6[%swap3A_82] {strides = array<i32>} : memref<640xf32, #tpu.memory_space<vmem>>, vector<16xf32>,
    %swap3A_84 = vector.shape_cast %swap3A_83 : vector<16xf32> to vector<16xf32>
    %swap3A_85 = vector.shape_cast %broadcast_in_dim3A_0 : vector<16xf32> to vector<16xf32>
    tpu.vector_store %arg6[%swap3A_82], %swap3A_85 {strides = array<i32>} : memref<640xf32, #tpu.memory_space<vmem>>, vector<16xf32>,
    %swap3A_86 = arith.constant 336 : index
    %swap3A_87 = tpu.vector_load %arg6[%swap3A_86] {strides = array<i32>} : memref<640xf32, #tpu.memory_space<vmem>>, vector<16xf32>,
    %swap3A_88 = vector.shape_cast %swap3A_87 : vector<16xf32> to vector<16xf32>
    %swap3A_89 = vector.shape_cast %broadcast_in_dim3A_0 : vector<16xf32> to vector<16xf32>
    tpu.vector_store %arg6[%swap3A_86], %swap3A_89 {strides = array<i32>} : memref<640xf32, #tpu.memory_space<vmem>>, vector<16xf32>,
    %swap3A_90 = arith.constant 352 : index
    %swap3A_91 = tpu.vector_load %arg6[%swap3A_90] {strides = array<i32>} : memref<640xf32, #tpu.memory_space<vmem>>, vector<16xf32>,
    %swap3A_92 = vector.shape_cast %swap3A_91 : vector<16xf32> to vector<16xf32>
    %swap3A_93 = vector.shape_cast %broadcast_in_dim3A_0 : vector<16xf32> to vector<16xf32>
    tpu.vector_store %arg6[%swap3A_90], %swap3A_93 {strides = array<i32>} : memref<640xf32, #tpu.memory_space<vmem>>, vector<16xf32>,
    %swap3A_94 = arith.constant 368 : index
    %swap3A_95 = tpu.vector_load %arg6[%swap3A_94] {strides = array<i32>} : memref<640xf32, #tpu.memory_space<vmem>>, vector<16xf32>,
    %swap3A_96 = vector.shape_cast %swap3A_95 : vector<16xf32> to vector<16xf32>
    %swap3A_97 = vector.shape_cast %broadcast_in_dim3A_0 : vector<16xf32> to vector<16xf32>
    tpu.vector_store %arg6[%swap3A_94], %swap3A_97 {strides = array<i32>} : memref<640xf32, #tpu.memory_space<vmem>>, vector<16xf32>,
    %swap3A_98 = arith.constant 384 : index
    %swap3A_99 = tpu.vector_load %arg6[%swap3A_98] {strides = array<i32>} : memref<640xf32, #tpu.memory_space<vmem>>, vector<16xf32>,
    %swap3A_100 = vector.shape_cast %swap3A_99 : vector<16xf32> to vector<16xf32>
    %swap3A_101 = vector.shape_cast %broadcast_in_dim3A_0 : vector<16xf32> to vector<16xf32>
    tpu.vector_store %arg6[%swap3A_98], %swap3A_101 {strides = array<i32>} : memref<640xf32, #tpu.memory_space<vmem>>, vector<16xf32>,
    %swap3A_102 = arith.constant 400 : index
    %swap3A_103 = tpu.vector_load %arg6[%swap3A_102] {strides = array<i32>} : memref<640xf32, #tpu.memory_space<vmem>>, vector<16xf32>,
    %swap3A_104 = vector.shape_cast %swap3A_103 : vector<16xf32> to vector<16xf32>
    %swap3A_105 = vector.shape_cast %broadcast_in_dim3A_0 : vector<16xf32> to vector<16xf32>
    tpu.vector_store %arg6[%swap3A_102], %swap3A_105 {strides = array<i32>} : memref<640xf32, #tpu.memory_space<vmem>>, vector<16xf32>,
    %swap3A_106 = arith.constant 416 : index
    %swap3A_107 = tpu.vector_load %arg6[%swap3A_106] {strides = array<i32>} : memref<640xf32, #tpu.memory_space<vmem>>, vector<16xf32>,
    %swap3A_108 = vector.shape_cast %swap3A_107 : vector<16xf32> to vector<16xf32>
    %swap3A_109 = vector.shape_cast %broadcast_in_dim3A_0 : vector<16xf32> to vector<16xf32>
    tpu.vector_store %arg6[%swap3A_106], %swap3A_109 {strides = array<i32>} : memref<640xf32, #tpu.memory_space<vmem>>, vector<16xf32>,
    %swap3A_110 = arith.constant 432 : index
    %swap3A_111 = tpu.vector_load %arg6[%swap3A_110] {strides = array<i32>} : memref<640xf32, #tpu.memory_space<vmem>>, vector<16xf32>,
    %swap3A_112 = vector.shape_cast %swap3A_111 : vector<16xf32> to vector<16xf32>
    %swap3A_113 = vector.shape_cast %broadcast_in_dim3A_0 : vector<16xf32> to vector<16xf32>
    tpu.vector_store %arg6[%swap3A_110], %swap3A_113 {strides = array<i32>} : memref<640xf32, #tpu.memory_space<vmem>>, vector<16xf32>,
    %swap3A_114 = arith.constant 448 : index
    %swap3A_115 = tpu.vector_load %arg6[%swap3A_114] {strides = array<i32>} : memref<640xf32, #tpu.memory_space<vmem>>, vector<16xf32>,
    %swap3A_116 = vector.shape_cast %swap3A_115 : vector<16xf32> to vector<16xf32>
    %swap3A_117 = vector.shape_cast %broadcast_in_dim3A_0 : vector<16xf32> to vector<16xf32>
    tpu.vector_store %arg6[%swap3A_114], %swap3A_117 {strides = array<i32>} : memref<640xf32, #tpu.memory_space<vmem>>, vector<16xf32>,
    %swap3A_118 = arith.constant 464 : index
    %swap3A_119 = tpu.vector_load %arg6[%swap3A_118] {strides = array<i32>} : memref<640xf32, #tpu.memory_space<vmem>>, vector<16xf32>,
    %swap3A_120 = vector.shape_cast %swap3A_119 : vector<16xf32> to vector<16xf32>
    %swap3A_121 = vector.shape_cast %broadcast_in_dim3A_0 : vector<16xf32> to vector<16xf32>
    tpu.vector_store %arg6[%swap3A_118], %swap3A_121 {strides = array<i32>} : memref<640xf32, #tpu.memory_space<vmem>>, vector<16xf32>,
    %swap3A_122 = arith.constant 480 : index
    %swap3A_123 = tpu.vector_load %arg6[%swap3A_122] {strides = array<i32>} : memref<640xf32, #tpu.memory_space<vmem>>, vector<16xf32>,
    %swap3A_124 = vector.shape_cast %swap3A_123 : vector<16xf32> to vector<16xf32>
    %swap3A_125 = vector.shape_cast %broadcast_in_dim3A_0 : vector<16xf32> to vector<16xf32>
    tpu.vector_store %arg6[%swap3A_122], %swap3A_125 {strides = array<i32>} : memref<640xf32, #tpu.memory_space<vmem>>, vector<16xf32>,
    %swap3A_126 = arith.constant 496 : index
    %swap3A_127 = tpu.vector_load %arg6[%swap3A_126] {strides = array<i32>} : memref<640xf32, #tpu.memory_space<vmem>>, vector<16xf32>,
    %swap3A_128 = vector.shape_cast %swap3A_127 : vector<16xf32> to vector<16xf32>
    %swap3A_129 = vector.shape_cast %broadcast_in_dim3A_0 : vector<16xf32> to vector<16xf32>
    tpu.vector_store %arg6[%swap3A_126], %swap3A_129 {strides = array<i32>} : memref<640xf32, #tpu.memory_space<vmem>>, vector<16xf32>,
    %swap3A_130 = arith.constant 512 : index
    %swap3A_131 = tpu.vector_load %arg6[%swap3A_130] {strides = array<i32>} : memref<640xf32, #tpu.memory_space<vmem>>, vector<16xf32>,
    %swap3A_132 = vector.shape_cast %swap3A_131 : vector<16xf32> to vector<16xf32>
    %swap3A_133 = vector.shape_cast %broadcast_in_dim3A_0 : vector<16xf32> to vector<16xf32>
    tpu.vector_store %arg6[%swap3A_130], %swap3A_133 {strides = array<i32>} : memref<640xf32, #tpu.memory_space<vmem>>, vector<16xf32>,
    %swap3A_134 = arith.constant 528 : index
    %swap3A_135 = tpu.vector_load %arg6[%swap3A_134] {strides = array<i32>} : memref<640xf32, #tpu.memory_space<vmem>>, vector<16xf32>,
    %swap3A_136 = vector.shape_cast %swap3A_135 : vector<16xf32> to vector<16xf32>
    %swap3A_137 = vector.shape_cast %broadcast_in_dim3A_0 : vector<16xf32> to vector<16xf32>
    tpu.vector_store %arg6[%swap3A_134], %swap3A_137 {strides = array<i32>} : memref<640xf32, #tpu.memory_space<vmem>>, vector<16xf32>,
    %swap3A_138 = arith.constant 544 : index
    %swap3A_139 = tpu.vector_load %arg6[%swap3A_138] {strides = array<i32>} : memref<640xf32, #tpu.memory_space<vmem>>, vector<16xf32>,
    %swap3A_140 = vector.shape_cast %swap3A_139 : vector<16xf32> to vector<16xf32>
    %swap3A_141 = vector.shape_cast %broadcast_in_dim3A_0 : vector<16xf32> to vector<16xf32>
    tpu.vector_store %arg6[%swap3A_138], %swap3A_141 {strides = array<i32>} : memref<640xf32, #tpu.memory_space<vmem>>, vector<16xf32>,
    %swap3A_142 = arith.constant 560 : index
    %swap3A_143 = tpu.vector_load %arg6[%swap3A_142] {strides = array<i32>} : memref<640xf32, #tpu.memory_space<vmem>>, vector<16xf32>,
    %swap3A_144 = vector.shape_cast %swap3A_143 : vector<16xf32> to vector<16xf32>
    %swap3A_145 = vector.shape_cast %broadcast_in_dim3A_0 : vector<16xf32> to vector<16xf32>
    tpu.vector_store %arg6[%swap3A_142], %swap3A_145 {strides = array<i32>} : memref<640xf32, #tpu.memory_space<vmem>>, vector<16xf32>,
    %swap3A_146 = arith.constant 576 : index
    %swap3A_147 = tpu.vector_load %arg6[%swap3A_146] {strides = array<i32>} : memref<640xf32, #tpu.memory_space<vmem>>, vector<16xf32>,
    %swap3A_148 = vector.shape_cast %swap3A_147 : vector<16xf32> to vector<16xf32>
    %swap3A_149 = vector.shape_cast %broadcast_in_dim3A_0 : vector<16xf32> to vector<16xf32>
    tpu.vector_store %arg6[%swap3A_146], %swap3A_149 {strides = array<i32>} : memref<640xf32, #tpu.memory_space<vmem>>, vector<16xf32>,
    %swap3A_150 = arith.constant 592 : index
    %swap3A_151 = tpu.vector_load %arg6[%swap3A_150] {strides = array<i32>} : memref<640xf32, #tpu.memory_space<vmem>>, vector<16xf32>,
    %swap3A_152 = vector.shape_cast %swap3A_151 : vector<16xf32> to vector<16xf32>
    %swap3A_153 = vector.shape_cast %broadcast_in_dim3A_0 : vector<16xf32> to vector<16xf32>
    tpu.vector_store %arg6[%swap3A_150], %swap3A_153 {strides = array<i32>} : memref<640xf32, #tpu.memory_space<vmem>>, vector<16xf32>,
    %swap3A_154 = arith.constant 608 : index
    %swap3A_155 = tpu.vector_load %arg6[%swap3A_154] {strides = array<i32>} : memref<640xf32, #tpu.memory_space<vmem>>, vector<16xf32>,
    %swap3A_156 = vector.shape_cast %swap3A_155 : vector<16xf32> to vector<16xf32>
    %swap3A_157 = vector.shape_cast %broadcast_in_dim3A_0 : vector<16xf32> to vector<16xf32>
    tpu.vector_store %arg6[%swap3A_154], %swap3A_157 {strides = array<i32>} : memref<640xf32, #tpu.memory_space<vmem>>, vector<16xf32>,
    %swap3A_158 = arith.constant 624 : index
    %swap3A_159 = tpu.vector_load %arg6[%swap3A_158] {strides = array<i32>} : memref<640xf32, #tpu.memory_space<vmem>>, vector<16xf32>,
    %swap3A_160 = vector.shape_cast %swap3A_159 : vector<16xf32> to vector<16xf32>
    %swap3A_161 = vector.shape_cast %broadcast_in_dim3A_0 : vector<16xf32> to vector<16xf32>
    tpu.vector_store %arg6[%swap3A_158], %swap3A_161 {strides = array<i32>} : memref<640xf32, #tpu.memory_space<vmem>>, vector<16xf32>,
    %swap3A_162 = arith.constant 0 : index
    %swap3A_163 = tpu.vector_load %arg5[%swap3A_162] {strides = array<i32>} : memref<512xf32, #tpu.memory_space<vmem>>, vector<16xf32>,
    %swap3A_164 = vector.shape_cast %swap3A_163 : vector<16xf32> to vector<16xf32>
    %swap3A_165 = vector.shape_cast %broadcast_in_dim3A_2 : vector<16xf32> to vector<16xf32>
    tpu.vector_store %arg5[%swap3A_162], %swap3A_165 {strides = array<i32>} : memref<512xf32, #tpu.memory_space<vmem>>, vector<16xf32>,
    %swap3A_166 = arith.constant 16 : index
    %swap3A_167 = tpu.vector_load %arg5[%swap3A_166] {strides = array<i32>} : memref<512xf32, #tpu.memory_space<vmem>>, vector<16xf32>,
    %swap3A_168 = vector.shape_cast %swap3A_167 : vector<16xf32> to vector<16xf32>
    %swap3A_169 = vector.shape_cast %broadcast_in_dim3A_2 : vector<16xf32> to vector<16xf32>
    tpu.vector_store %arg5[%swap3A_166], %swap3A_169 {strides = array<i32>} : memref<512xf32, #tpu.memory_space<vmem>>, vector<16xf32>,
    %swap3A_170 = arith.constant 32 : index
    %swap3A_171 = tpu.vector_load %arg5[%swap3A_170] {strides = array<i32>} : memref<512xf32, #tpu.memory_space<vmem>>, vector<16xf32>,
    %swap3A_172 = vector.shape_cast %swap3A_171 : vector<16xf32> to vector<16xf32>
    %swap3A_173 = vector.shape_cast %broadcast_in_dim3A_2 : vector<16xf32> to vector<16xf32>
    tpu.vector_store %arg5[%swap3A_170], %swap3A_173 {strides = array<i32>} : memref<512xf32, #tpu.memory_space<vmem>>, vector<16xf32>,
    %swap3A_174 = arith.constant 48 : index
    %swap3A_175 = tpu.vector_load %arg5[%swap3A_174] {strides = array<i32>} : memref<512xf32, #tpu.memory_space<vmem>>, vector<16xf32>,
    %swap3A_176 = vector.shape_cast %swap3A_175 : vector<16xf32> to vector<16xf32>
    %swap3A_177 = vector.shape_cast %broadcast_in_dim3A_2 : vector<16xf32> to vector<16xf32>
    tpu.vector_store %arg5[%swap3A_174], %swap3A_177 {strides = array<i32>} : memref<512xf32, #tpu.memory_space<vmem>>, vector<16xf32>,
    %swap3A_178 = arith.constant 64 : index
    %swap3A_179 = tpu.vector_load %arg5[%swap3A_178] {strides = array<i32>} : memref<512xf32, #tpu.memory_space<vmem>>, vector<16xf32>,
    %swap3A_180 = vector.shape_cast %swap3A_179 : vector<16xf32> to vector<16xf32>
    %swap3A_181 = vector.shape_cast %broadcast_in_dim3A_2 : vector<16xf32> to vector<16xf32>
    tpu.vector_store %arg5[%swap3A_178], %swap3A_181 {strides = array<i32>} : memref<512xf32, #tpu.memory_space<vmem>>, vector<16xf32>,
    %swap3A_182 = arith.constant 80 : index
    %swap3A_183 = tpu.vector_load %arg5[%swap3A_182] {strides = array<i32>} : memref<512xf32, #tpu.memory_space<vmem>>, vector<16xf32>,
    %swap3A_184 = vector.shape_cast %swap3A_183 : vector<16xf32> to vector<16xf32>
    %swap3A_185 = vector.shape_cast %broadcast_in_dim3A_2 : vector<16xf32> to vector<16xf32>
    tpu.vector_store %arg5[%swap3A_182], %swap3A_185 {strides = array<i32>} : memref<512xf32, #tpu.memory_space<vmem>>, vector<16xf32>,
    %swap3A_186 = arith.constant 96 : index
    %swap3A_187 = tpu.vector_load %arg5[%swap3A_186] {strides = array<i32>} : memref<512xf32, #tpu.memory_space<vmem>>, vector<16xf32>,
    %swap3A_188 = vector.shape_cast %swap3A_187 : vector<16xf32> to vector<16xf32>
    %swap3A_189 = vector.shape_cast %broadcast_in_dim3A_2 : vector<16xf32> to vector<16xf32>
    tpu.vector_store %arg5[%swap3A_186], %swap3A_189 {strides = array<i32>} : memref<512xf32, #tpu.memory_space<vmem>>, vector<16xf32>,
    %swap3A_190 = arith.constant 112 : index
    %swap3A_191 = tpu.vector_load %arg5[%swap3A_190] {strides = array<i32>} : memref<512xf32, #tpu.memory_space<vmem>>, vector<16xf32>,
    %swap3A_192 = vector.shape_cast %swap3A_191 : vector<16xf32> to vector<16xf32>
    %swap3A_193 = vector.shape_cast %broadcast_in_dim3A_2 : vector<16xf32> to vector<16xf32>
    tpu.vector_store %arg5[%swap3A_190], %swap3A_193 {strides = array<i32>} : memref<512xf32, #tpu.memory_space<vmem>>, vector<16xf32>,
    %swap3A_194 = arith.constant 128 : index
    %swap3A_195 = tpu.vector_load %arg5[%swap3A_194] {strides = array<i32>} : memref<512xf32, #tpu.memory_space<vmem>>, vector<16xf32>,
    %swap3A_196 = vector.shape_cast %swap3A_195 : vector<16xf32> to vector<16xf32>
    %swap3A_197 = vector.shape_cast %broadcast_in_dim3A_2 : vector<16xf32> to vector<16xf32>
    tpu.vector_store %arg5[%swap3A_194], %swap3A_197 {strides = array<i32>} : memref<512xf32, #tpu.memory_space<vmem>>, vector<16xf32>,
    %swap3A_198 = arith.constant 144 : index
    %swap3A_199 = tpu.vector_load %arg5[%swap3A_198] {strides = array<i32>} : memref<512xf32, #tpu.memory_space<vmem>>, vector<16xf32>,
    %swap3A_200 = vector.shape_cast %swap3A_199 : vector<16xf32> to vector<16xf32>
    %swap3A_201 = vector.shape_cast %broadcast_in_dim3A_2 : vector<16xf32> to vector<16xf32>
    tpu.vector_store %arg5[%swap3A_198], %swap3A_201 {strides = array<i32>} : memref<512xf32, #tpu.memory_space<vmem>>, vector<16xf32>,
    %swap3A_202 = arith.constant 160 : index
    %swap3A_203 = tpu.vector_load %arg5[%swap3A_202] {strides = array<i32>} : memref<512xf32, #tpu.memory_space<vmem>>, vector<16xf32>,
    %swap3A_204 = vector.shape_cast %swap3A_203 : vector<16xf32> to vector<16xf32>
    %swap3A_205 = vector.shape_cast %broadcast_in_dim3A_2 : vector<16xf32> to vector<16xf32>
    tpu.vector_store %arg5[%swap3A_202], %swap3A_205 {strides = array<i32>} : memref<512xf32, #tpu.memory_space<vmem>>, vector<16xf32>,
    %swap3A_206 = arith.constant 176 : index
    %swap3A_207 = tpu.vector_load %arg5[%swap3A_206] {strides = array<i32>} : memref<512xf32, #tpu.memory_space<vmem>>, vector<16xf32>,
    %swap3A_208 = vector.shape_cast %swap3A_207 : vector<16xf32> to vector<16xf32>
    %swap3A_209 = vector.shape_cast %broadcast_in_dim3A_2 : vector<16xf32> to vector<16xf32>
    tpu.vector_store %arg5[%swap3A_206], %swap3A_209 {strides = array<i32>} : memref<512xf32, #tpu.memory_space<vmem>>, vector<16xf32>,
    %swap3A_210 = arith.constant 192 : index
    %swap3A_211 = tpu.vector_load %arg5[%swap3A_210] {strides = array<i32>} : memref<512xf32, #tpu.memory_space<vmem>>, vector<16xf32>,
    %swap3A_212 = vector.shape_cast %swap3A_211 : vector<16xf32> to vector<16xf32>
    %swap3A_213 = vector.shape_cast %broadcast_in_dim3A_2 : vector<16xf32> to vector<16xf32>
    tpu.vector_store %arg5[%swap3A_210], %swap3A_213 {strides = array<i32>} : memref<512xf32, #tpu.memory_space<vmem>>, vector<16xf32>,
    %swap3A_214 = arith.constant 208 : index
    %swap3A_215 = tpu.vector_load %arg5[%swap3A_214] {strides = array<i32>} : memref<512xf32, #tpu.memory_space<vmem>>, vector<16xf32>,
    %swap3A_216 = vector.shape_cast %swap3A_215 : vector<16xf32> to vector<16xf32>
    %swap3A_217 = vector.shape_cast %broadcast_in_dim3A_2 : vector<16xf32> to vector<16xf32>
    tpu.vector_store %arg5[%swap3A_214], %swap3A_217 {strides = array<i32>} : memref<512xf32, #tpu.memory_space<vmem>>, vector<16xf32>,
    %swap3A_218 = arith.constant 224 : index
    %swap3A_219 = tpu.vector_load %arg5[%swap3A_218] {strides = array<i32>} : memref<512xf32, #tpu.memory_space<vmem>>, vector<16xf32>,
    %swap3A_220 = vector.shape_cast %swap3A_219 : vector<16xf32> to vector<16xf32>
    %swap3A_221 = vector.shape_cast %broadcast_in_dim3A_2 : vector<16xf32> to vector<16xf32>
    tpu.vector_store %arg5[%swap3A_218], %swap3A_221 {strides = array<i32>} : memref<512xf32, #tpu.memory_space<vmem>>, vector<16xf32>,
    %swap3A_222 = arith.constant 240 : index
    %swap3A_223 = tpu.vector_load %arg5[%swap3A_222] {strides = array<i32>} : memref<512xf32, #tpu.memory_space<vmem>>, vector<16xf32>,
    %swap3A_224 = vector.shape_cast %swap3A_223 : vector<16xf32> to vector<16xf32>
    %swap3A_225 = vector.shape_cast %broadcast_in_dim3A_2 : vector<16xf32> to vector<16xf32>
    tpu.vector_store %arg5[%swap3A_222], %swap3A_225 {strides = array<i32>} : memref<512xf32, #tpu.memory_space<vmem>>, vector<16xf32>,
    %swap3A_226 = arith.constant 256 : index
    %swap3A_227 = tpu.vector_load %arg5[%swap3A_226] {strides = array<i32>} : memref<512xf32, #tpu.memory_space<vmem>>, vector<16xf32>,
    %swap3A_228 = vector.shape_cast %swap3A_227 : vector<16xf32> to vector<16xf32>
    %swap3A_229 = vector.shape_cast %broadcast_in_dim3A_2 : vector<16xf32> to vector<16xf32>
    tpu.vector_store %arg5[%swap3A_226], %swap3A_229 {strides = array<i32>} : memref<512xf32, #tpu.memory_space<vmem>>, vector<16xf32>,
    %swap3A_230 = arith.constant 272 : index
    %swap3A_231 = tpu.vector_load %arg5[%swap3A_230] {strides = array<i32>} : memref<512xf32, #tpu.memory_space<vmem>>, vector<16xf32>,
    %swap3A_232 = vector.shape_cast %swap3A_231 : vector<16xf32> to vector<16xf32>
    %swap3A_233 = vector.shape_cast %broadcast_in_dim3A_2 : vector<16xf32> to vector<16xf32>
    tpu.vector_store %arg5[%swap3A_230], %swap3A_233 {strides = array<i32>} : memref<512xf32, #tpu.memory_space<vmem>>, vector<16xf32>,
    %swap3A_234 = arith.constant 288 : index
    %swap3A_235 = tpu.vector_load %arg5[%swap3A_234] {strides = array<i32>} : memref<512xf32, #tpu.memory_space<vmem>>, vector<16xf32>,
    %swap3A_236 = vector.shape_cast %swap3A_235 : vector<16xf32> to vector<16xf32>
    %swap3A_237 = vector.shape_cast %broadcast_in_dim3A_2 : vector<16xf32> to vector<16xf32>
    tpu.vector_store %arg5[%swap3A_234], %swap3A_237 {strides = array<i32>} : memref<512xf32, #tpu.memory_space<vmem>>, vector<16xf32>,
    %swap3A_238 = arith.constant 304 : index
    %swap3A_239 = tpu.vector_load %arg5[%swap3A_238] {strides = array<i32>} : memref<512xf32, #tpu.memory_space<vmem>>, vector<16xf32>,
    %swap3A_240 = vector.shape_cast %swap3A_239 : vector<16xf32> to vector<16xf32>
    %swap3A_241 = vector.shape_cast %broadcast_in_dim3A_2 : vector<16xf32> to vector<16xf32>
    tpu.vector_store %arg5[%swap3A_238], %swap3A_241 {strides = array<i32>} : memref<512xf32, #tpu.memory_space<vmem>>, vector<16xf32>,
    %swap3A_242 = arith.constant 320 : index
    %swap3A_243 = tpu.vector_load %arg5[%swap3A_242] {strides = array<i32>} : memref<512xf32, #tpu.memory_space<vmem>>, vector<16xf32>,
    %swap3A_244 = vector.shape_cast %swap3A_243 : vector<16xf32> to vector<16xf32>
    %swap3A_245 = vector.shape_cast %broadcast_in_dim3A_2 : vector<16xf32> to vector<16xf32>
    tpu.vector_store %arg5[%swap3A_242], %swap3A_245 {strides = array<i32>} : memref<512xf32, #tpu.memory_space<vmem>>, vector<16xf32>,
    %swap3A_246 = arith.constant 336 : index
    %swap3A_247 = tpu.vector_load %arg5[%swap3A_246] {strides = array<i32>} : memref<512xf32, #tpu.memory_space<vmem>>, vector<16xf32>,
    %swap3A_248 = vector.shape_cast %swap3A_247 : vector<16xf32> to vector<16xf32>
    %swap3A_249 = vector.shape_cast %broadcast_in_dim3A_2 : vector<16xf32> to vector<16xf32>
    tpu.vector_store %arg5[%swap3A_246], %swap3A_249 {strides = array<i32>} : memref<512xf32, #tpu.memory_space<vmem>>, vector<16xf32>,
    %swap3A_250 = arith.constant 352 : index
    %swap3A_251 = tpu.vector_load %arg5[%swap3A_250] {strides = array<i32>} : memref<512xf32, #tpu.memory_space<vmem>>, vector<16xf32>,
    %swap3A_252 = vector.shape_cast %swap3A_251 : vector<16xf32> to vector<16xf32>
    %swap3A_253 = vector.shape_cast %broadcast_in_dim3A_2 : vector<16xf32> to vector<16xf32>
    tpu.vector_store %arg5[%swap3A_250], %swap3A_253 {strides = array<i32>} : memref<512xf32, #tpu.memory_space<vmem>>, vector<16xf32>,
    %swap3A_254 = arith.constant 368 : index
    %swap3A_255 = tpu.vector_load %arg5[%swap3A_254] {strides = array<i32>} : memref<512xf32, #tpu.memory_space<vmem>>, vector<16xf32>,
    %swap3A_256 = vector.shape_cast %swap3A_255 : vector<16xf32> to vector<16xf32>
    %swap3A_257 = vector.shape_cast %broadcast_in_dim3A_2 : vector<16xf32> to vector<16xf32>
    tpu.vector_store %arg5[%swap3A_254], %swap3A_257 {strides = array<i32>} : memref<512xf32, #tpu.memory_space<vmem>>, vector<16xf32>,
    %swap3A_258 = arith.constant 384 : index
    %swap3A_259 = tpu.vector_load %arg5[%swap3A_258] {strides = array<i32>} : memref<512xf32, #tpu.memory_space<vmem>>, vector<16xf32>,
    %swap3A_260 = vector.shape_cast %swap3A_259 : vector<16xf32> to vector<16xf32>
    %swap3A_261 = vector.shape_cast %broadcast_in_dim3A_2 : vector<16xf32> to vector<16xf32>
    tpu.vector_store %arg5[%swap3A_258], %swap3A_261 {strides = array<i32>} : memref<512xf32, #tpu.memory_space<vmem>>, vector<16xf32>,
    %swap3A_262 = arith.constant 400 : index
    %swap3A_263 = tpu.vector_load %arg5[%swap3A_262] {strides = array<i32>} : memref<512xf32, #tpu.memory_space<vmem>>, vector<16xf32>,
    %swap3A_264 = vector.shape_cast %swap3A_263 : vector<16xf32> to vector<16xf32>
    %swap3A_265 = vector.shape_cast %broadcast_in_dim3A_2 : vector<16xf32> to vector<16xf32>
    tpu.vector_store %arg5[%swap3A_262], %swap3A_265 {strides = array<i32>} : memref<512xf32, #tpu.memory_space<vmem>>, vector<16xf32>,
    %swap3A_266 = arith.constant 416 : index
    %swap3A_267 = tpu.vector_load %arg5[%swap3A_266] {strides = array<i32>} : memref<512xf32, #tpu.memory_space<vmem>>, vector<16xf32>,
    %swap3A_268 = vector.shape_cast %swap3A_267 : vector<16xf32> to vector<16xf32>
    %swap3A_269 = vector.shape_cast %broadcast_in_dim3A_2 : vector<16xf32> to vector<16xf32>
    tpu.vector_store %arg5[%swap3A_266], %swap3A_269 {strides = array<i32>} : memref<512xf32, #tpu.memory_space<vmem>>, vector<16xf32>,
    %swap3A_270 = arith.constant 432 : index
    %swap3A_271 = tpu.vector_load %arg5[%swap3A_270] {strides = array<i32>} : memref<512xf32, #tpu.memory_space<vmem>>, vector<16xf32>,
    %swap3A_272 = vector.shape_cast %swap3A_271 : vector<16xf32> to vector<16xf32>
    %swap3A_273 = vector.shape_cast %broadcast_in_dim3A_2 : vector<16xf32> to vector<16xf32>
    tpu.vector_store %arg5[%swap3A_270], %swap3A_273 {strides = array<i32>} : memref<512xf32, #tpu.memory_space<vmem>>, vector<16xf32>,
    %swap3A_274 = arith.constant 448 : index
    %swap3A_275 = tpu.vector_load %arg5[%swap3A_274] {strides = array<i32>} : memref<512xf32, #tpu.memory_space<vmem>>, vector<16xf32>,
    %swap3A_276 = vector.shape_cast %swap3A_275 : vector<16xf32> to vector<16xf32>
    %swap3A_277 = vector.shape_cast %broadcast_in_dim3A_2 : vector<16xf32> to vector<16xf32>
    tpu.vector_store %arg5[%swap3A_274], %swap3A_277 {strides = array<i32>} : memref<512xf32, #tpu.memory_space<vmem>>, vector<16xf32>,
    %swap3A_278 = arith.constant 464 : index
    %swap3A_279 = tpu.vector_load %arg5[%swap3A_278] {strides = array<i32>} : memref<512xf32, #tpu.memory_space<vmem>>, vector<16xf32>,
    %swap3A_280 = vector.shape_cast %swap3A_279 : vector<16xf32> to vector<16xf32>
    %swap3A_281 = vector.shape_cast %broadcast_in_dim3A_2 : vector<16xf32> to vector<16xf32>
    tpu.vector_store %arg5[%swap3A_278], %swap3A_281 {strides = array<i32>} : memref<512xf32, #tpu.memory_space<vmem>>, vector<16xf32>,
    %swap3A_282 = arith.constant 480 : index
    %swap3A_283 = tpu.vector_load %arg5[%swap3A_282] {strides = array<i32>} : memref<512xf32, #tpu.memory_space<vmem>>, vector<16xf32>,
    %swap3A_284 = vector.shape_cast %swap3A_283 : vector<16xf32> to vector<16xf32>
    %swap3A_285 = vector.shape_cast %broadcast_in_dim3A_2 : vector<16xf32> to vector<16xf32>
    tpu.vector_store %arg5[%swap3A_282], %swap3A_285 {strides = array<i32>} : memref<512xf32, #tpu.memory_space<vmem>>, vector<16xf32>,
    %swap3A_286 = arith.constant 496 : index
    %swap3A_287 = tpu.vector_load %arg5[%swap3A_286] {strides = array<i32>} : memref<512xf32, #tpu.memory_space<vmem>>, vector<16xf32>,
    %swap3A_288 = vector.shape_cast %swap3A_287 : vector<16xf32> to vector<16xf32>
    %swap3A_289 = vector.shape_cast %broadcast_in_dim3A_2 : vector<16xf32> to vector<16xf32>
    tpu.vector_store %arg5[%swap3A_286], %swap3A_289 {strides = array<i32>} : memref<512xf32, #tpu.memory_space<vmem>>, vector<16xf32>,
    %mul3A = arith.constant 640 : i32
    %mul3A_290 = arith.muli %arg1, %mul3A : i32
    "tpu.region"() ({
      %run_scoped3A = tpu.sem_alloc : memref<!tpu.dma_semaphore, #tpu.memory_space<semaphore_mem>>
      %dma_start3A_313 = tpu.memref_slice %arg7[%mul3A_290] : memref<10240xf32, #tpu.memory_space<vmem_shared>> -> memref<640xf32, #tpu.memory_space<vmem_shared>>
      %dma_start3A_314 = tpu.memref_slice %arg7[%mul3A_290] : memref<10240xf32, #tpu.memory_space<vmem_shared>> -> memref<640xf32, #tpu.memory_space<vmem_shared>>
      tpu.enqueue_dma source(%arg6 : memref<640xf32, #tpu.memory_space<vmem>>) target(%dma_start3A_314 : memref<640xf32, #tpu.memory_space<vmem_shared>>) target_semaphore(%run_scoped3A : memref<!tpu.dma_semaphore, #tpu.memory_space<semaphore_mem>>)
      %dma_wait3A_315 = tpu.memref_slice %arg7[%mul3A_290] : memref<10240xf32, #tpu.memory_space<vmem_shared>> -> memref<640xf32, #tpu.memory_space<vmem_shared>>
      %dma_wait3A_316 = tpu.memref_slice %arg7[%mul3A_290] : memref<10240xf32, #tpu.memory_space<vmem_shared>> -> memref<640xf32, #tpu.memory_space<vmem_shared>>
      tpu.wait_dma2 semaphore(%run_scoped3A : memref<!tpu.dma_semaphore, #tpu.memory_space<semaphore_mem>>) src(%arg6 : memref<640xf32, #tpu.memory_space<vmem>>) dst(%dma_wait3A_316 : memref<640xf32, #tpu.memory_space<vmem_shared>>)
      tpu.yield
    }) : () -> ()
    %mul3A_291 = arith.constant 20 : i32
    %mul3A_292 = arith.muli %arg0, %mul3A_291 : i32
    %dma_start3A = arith.constant 0 : i32
    %dma_start3A_293 = tpu.memref_slice %arg2[%arg1, %mul3A_292, %dma_start3A] : memref<16x40x512xi32, #tpu.memory_space<hbm>> -> memref<1x20x512xi32, #tpu.memory_space<hbm>>
    %dma_start3A_294 = tpu.memref_squeeze %dma_start3A_293 : memref<1x20x512xi32, #tpu.memory_space<hbm>> -> memref<20x512xi32, #tpu.memory_space<hbm>>
    %dma_start3A_295 = arith.constant 0 : i32
    %dma_start3A_296 = tpu.memref_slice %arg2[%arg1, %mul3A_292, %dma_start3A_295] : memref<16x40x512xi32, #tpu.memory_space<hbm>> -> memref<1x20x512xi32, #tpu.memory_space<hbm>>
    %dma_start3A_297 = tpu.memref_squeeze %dma_start3A_296 : memref<1x20x512xi32, #tpu.memory_space<hbm>> -> memref<20x512xi32, #tpu.memory_space<hbm>>
    tpu.enqueue_dma source(%dma_start3A_297 : memref<20x512xi32, #tpu.memory_space<hbm>>) target(%arg4 : memref<20x512xi32, #tpu.memory_space<vmem>>) target_semaphore(%arg8 : memref<!tpu.dma_semaphore, #tpu.memory_space<semaphore_mem>>)
    %dma_wait3A = arith.constant 0 : i32
    %dma_wait3A_298 = tpu.memref_slice %arg2[%arg1, %mul3A_292, %dma_wait3A] : memref<16x40x512xi32, #tpu.memory_space<hbm>> -> memref<1x20x512xi32, #tpu.memory_space<hbm>>
    %dma_wait3A_299 = tpu.memref_squeeze %dma_wait3A_298 : memref<1x20x512xi32, #tpu.memory_space<hbm>> -> memref<20x512xi32, #tpu.memory_space<hbm>>
    %dma_wait3A_300 = arith.constant 0 : i32
    %dma_wait3A_301 = tpu.memref_slice %arg2[%arg1, %mul3A_292, %dma_wait3A_300] : memref<16x40x512xi32, #tpu.memory_space<hbm>> -> memref<1x20x512xi32, #tpu.memory_space<hbm>>
    %dma_wait3A_302 = tpu.memref_squeeze %dma_wait3A_301 : memref<1x20x512xi32, #tpu.memory_space<hbm>> -> memref<20x512xi32, #tpu.memory_space<hbm>>
    tpu.wait_dma2 semaphore(%arg8 : memref<!tpu.dma_semaphore, #tpu.memory_space<semaphore_mem>>) src(%dma_wait3A_302 : memref<20x512xi32, #tpu.memory_space<hbm>>) dst(%arg4 : memref<20x512xi32, #tpu.memory_space<vmem>>)
    %barrier3A = arith.constant 0 : index
    tpu.barrier barrier_id(%barrier3A)
    %scan3A = arith.constant 0 : i32
    %scan3A_303 = arith.constant 0 : i32
    %scan3A_304 = arith.constant 20 : i32
    %scan3A_305 = arith.addi %scan3A_303, %scan3A_304 : i32
    %scan3A_306 = arith.constant 1 : i32
    scf.for %scan3A_313 = %scan3A_303 to %scan3A_305 step %scan3A_306  : i32 {
      "tpu.region"() ({
        %run_scoped3A = tpu.sem_alloc : memref<!tpu.dma_semaphore, #tpu.memory_space<semaphore_mem>>
        %dma_start3A_314 = arith.constant 0 : i32
        %dma_start3A_315 = tpu.memref_slice %arg4[%scan3A_313, %dma_start3A_314] : memref<20x512xi32, #tpu.memory_space<vmem>> -> memref<1x512xi32, #tpu.memory_space<vmem>>
        %dma_start3A_316 = tpu.memref_squeeze %dma_start3A_315 : memref<1x512xi32, #tpu.memory_space<vmem>> -> memref<512xi32, #tpu.memory_space<vmem>>
        %dma_start3A_317 = arith.constant 0 : i32
        %dma_start3A_318 = tpu.memref_slice %arg7[%dma_start3A_317] : memref<10240xf32, #tpu.memory_space<vmem_shared>> -> memref<10240xf32, #tpu.memory_space<vmem_shared>>
        tpu.enqueue_indirect_dma source(%arg5 : memref<512xf32, #tpu.memory_space<vmem>>) target(%dma_start3A_318 : memref<10240xf32, #tpu.memory_space<vmem_shared>>) offsets(%dma_start3A_316 : memref<512xi32, #tpu.memory_space<vmem>>) semaphore(%run_scoped3A : memref<!tpu.dma_semaphore, #tpu.memory_space<semaphore_mem>>) {add = true}
        %dma_wait3A_319 = arith.constant 0 : i32
        %dma_wait3A_320 = tpu.memref_slice %arg4[%scan3A_313, %dma_wait3A_319] : memref<20x512xi32, #tpu.memory_space<vmem>> -> memref<1x512xi32, #tpu.memory_space<vmem>>
        %dma_wait3A_321 = tpu.memref_squeeze %dma_wait3A_320 : memref<1x512xi32, #tpu.memory_space<vmem>> -> memref<512xi32, #tpu.memory_space<vmem>>
        %dma_wait3A_322 = arith.constant 0 : i32
        %dma_wait3A_323 = tpu.memref_slice %arg7[%dma_wait3A_322] : memref<10240xf32, #tpu.memory_space<vmem_shared>> -> memref<10240xf32, #tpu.memory_space<vmem_shared>>
        tpu.wait_indirect_dma semaphore(%run_scoped3A : memref<!tpu.dma_semaphore, #tpu.memory_space<semaphore_mem>>) src(%arg5 : memref<512xf32, #tpu.memory_space<vmem>>) dst(%dma_wait3A_323 : memref<10240xf32, #tpu.memory_space<vmem_shared>>)
        tpu.yield
      }) : () -> ()
    }
    %scan3A_307 = arith.constant 20 : i32
    %barrier3A_308 = arith.constant 0 : index
    tpu.barrier barrier_id(%barrier3A_308)
    %mul3A_309 = arith.constant 640 : i32
    %mul3A_310 = arith.muli %arg1, %mul3A_309 : i32
    %mul3A_311 = arith.constant 640 : i32
    %mul3A_312 = arith.muli %arg1, %mul3A_311 : i32
    "tpu.region"() ({
      %run_scoped3A = tpu.sem_alloc : memref<!tpu.dma_semaphore, #tpu.memory_space<semaphore_mem>>
      %dma_start3A_313 = tpu.memref_slice %arg3[%arg0, %mul3A_312] : memref<2x10240xf32, #tpu.memory_space<hbm>> -> memref<1x640xf32, #tpu.memory_space<hbm>>
      %dma_start3A_314 = tpu.memref_squeeze %dma_start3A_313 : memref<1x640xf32, #tpu.memory_space<hbm>> -> memref<640xf32, #tpu.memory_space<hbm>>
      %dma_start3A_315 = tpu.memref_slice %arg7[%mul3A_310] : memref<10240xf32, #tpu.memory_space<vmem_shared>> -> memref<640xf32, #tpu.memory_space<vmem_shared>>
      tpu.enqueue_dma source(%dma_start3A_315 : memref<640xf32, #tpu.memory_space<vmem_shared>>) target(%dma_start3A_314 : memref<640xf32, #tpu.memory_space<hbm>>) target_semaphore(%run_scoped3A : memref<!tpu.dma_semaphore, #tpu.memory_space<semaphore_mem>>)
      %dma_wait3A_316 = tpu.memref_slice %arg3[%arg0, %mul3A_312] : memref<2x10240xf32, #tpu.memory_space<hbm>> -> memref<1x640xf32, #tpu.memory_space<hbm>>
      %dma_wait3A_317 = tpu.memref_squeeze %dma_wait3A_316 : memref<1x640xf32, #tpu.memory_space<hbm>> -> memref<640xf32, #tpu.memory_space<hbm>>
      %dma_wait3A_318 = tpu.memref_slice %arg7[%mul3A_310] : memref<10240xf32, #tpu.memory_space<vmem_shared>> -> memref<640xf32, #tpu.memory_space<vmem_shared>>
      tpu.wait_dma2 semaphore(%run_scoped3A : memref<!tpu.dma_semaphore, #tpu.memory_space<semaphore_mem>>) src(%dma_wait3A_318 : memref<640xf32, #tpu.memory_space<vmem_shared>>) dst(%dma_wait3A_317 : memref<640xf32, #tpu.memory_space<hbm>>)
      tpu.yield
    }) : () -> ()
    return
  }
}

#map = affine_map<(d0, d1) -> (0, 0, 0)>
#map1 = affine_map<(d0, d1) -> (0, 0)>
module attributes {stable_mosaic.version = 14 : i64} {
  func.func @_mega_body(%arg0: i32, %arg1: i32, %arg2: memref<2x10240x16xf32, #tpu.memory_space<hbm>>, %arg3: memref<16x40x512xi32, #tpu.memory_space<hbm>>, %arg4: memref<16x40x512xi32, #tpu.memory_space<hbm>>, %arg5: memref<2x10240xf32, #tpu.memory_space<hbm>>, %arg6: memref<2x10240x16xf32, #tpu.memory_space<hbm>>, %arg7: memref<2x10240x16xf32, #tpu.memory_space<hbm>>, %arg8: memref<2x10240x16xf32, #tpu.memory_space<hbm>>, %arg9: memref<40x512xi32, #tpu.memory_space<vmem>>, %arg10: memref<40x512xi32, #tpu.memory_space<vmem>>, %arg11: memref<512x16xf32, #tpu.memory_space<vmem>>, %arg12: memref<512x16xf32, #tpu.memory_space<vmem>>, %arg13: memref<512x16xf32, #tpu.memory_space<vmem>>, %arg14: memref<512x16xf32, #tpu.memory_space<vmem>>, %arg15: memref<640x16xf32, #tpu.memory_space<vmem>>, %arg16: memref<640x16xf32, #tpu.memory_space<vmem>>, %arg17: memref<640xf32, #tpu.memory_space<vmem>>, %arg18: memref<640xf32, #tpu.memory_space<vmem>>, %arg19: memref<640x16xf32, #tpu.memory_space<vmem>>, %arg20: memref<640x16xf32, #tpu.memory_space<vmem>>, %arg21: memref<10240x16xf32, #tpu.memory_space<vmem_shared>>, %arg22: memref<!tpu.dma_semaphore, #tpu.memory_space<semaphore_mem>>, %arg23: memref<!tpu.dma_semaphore, #tpu.memory_space<semaphore_mem>>, %arg24: memref<!tpu.dma_semaphore, #tpu.memory_space<semaphore_mem>>, %arg25: memref<!tpu.dma_semaphore, #tpu.memory_space<semaphore_mem>>, %arg26: memref<!tpu.dma_semaphore, #tpu.memory_space<semaphore_mem>>, %arg27: memref<!tpu.dma_semaphore, #tpu.memory_space<semaphore_mem>>, %arg28: memref<!tpu.dma_semaphore, #tpu.memory_space<semaphore_mem>>, %arg29: memref<!tpu.dma_semaphore, #tpu.memory_space<semaphore_mem>>) attributes {dimension_semantics = [#tpu.dimension_semantics<core_parallel>, #tpu.dimension_semantics<subcore_parallel>], iteration_bounds = array<i64: 2, 16>, scalar_prefetch = 0 : i64, scratch_operands = 21 : i64, tpu.core_type = #tpu.core_type<sc_vector_subcore>, window_params = [{transform_indices = #map}, {transform_indices = #map}, {transform_indices = #map}, {transform_indices = #map1}, {transform_indices = #map}, {transform_indices = #map}, {transform_indices = #map}]} {
    %mul3A = arith.constant 640 : i32
    %mul3A_0 = arith.muli %arg1, %mul3A : i32
    %scan3A = arith.constant 0 : i32
    %scan3A_1 = arith.constant 0 : i32
    %scan3A_2 = arith.constant 640 : i32
    %scan3A_3 = arith.addi %scan3A_1, %scan3A_2 : i32
    %scan3A_4 = arith.constant 1 : i32
    scf.for %scan3A_364 = %scan3A_1 to %scan3A_3 step %scan3A_4  : i32 {
      %broadcast_in_dim3A = arith.constant 0.000000e+00 : f32
      %broadcast_in_dim3A_365 = vector.broadcast %broadcast_in_dim3A : f32 to vector<16xf32>
      %swap3A = arith.index_cast %scan3A_364 : i32 to index
      %swap3A_366 = arith.constant 0 : index
      %swap3A_367 = tpu.vector_load %arg20[%swap3A, %swap3A_366] {strides = array<i32>} : memref<640x16xf32, #tpu.memory_space<vmem>>, vector<1x16xf32>,
      %swap3A_368 = vector.shape_cast %swap3A_367 : vector<1x16xf32> to vector<16xf32>
      %swap3A_369 = vector.shape_cast %broadcast_in_dim3A_365 : vector<16xf32> to vector<1x16xf32>
      tpu.vector_store %arg20[%swap3A, %swap3A_366], %swap3A_369 {strides = array<i32>} : memref<640x16xf32, #tpu.memory_space<vmem>>, vector<1x16xf32>,
    }
    %scan3A_5 = arith.constant 640 : i32
    %dma_start3A = arith.constant 0 : i32
    %dma_start3A_6 = arith.constant 0 : i32
    %dma_start3A_7 = tpu.memref_slice %arg3[%arg1, %dma_start3A, %dma_start3A_6] : memref<16x40x512xi32, #tpu.memory_space<hbm>> -> memref<1x40x512xi32, #tpu.memory_space<hbm>>
    %dma_start3A_8 = tpu.memref_squeeze %dma_start3A_7 : memref<1x40x512xi32, #tpu.memory_space<hbm>> -> memref<40x512xi32, #tpu.memory_space<hbm>>
    %dma_start3A_9 = arith.constant 0 : i32
    %dma_start3A_10 = arith.constant 0 : i32
    %dma_start3A_11 = tpu.memref_slice %arg3[%arg1, %dma_start3A_9, %dma_start3A_10] : memref<16x40x512xi32, #tpu.memory_space<hbm>> -> memref<1x40x512xi32, #tpu.memory_space<hbm>>
    %dma_start3A_12 = tpu.memref_squeeze %dma_start3A_11 : memref<1x40x512xi32, #tpu.memory_space<hbm>> -> memref<40x512xi32, #tpu.memory_space<hbm>>
    tpu.enqueue_dma source(%dma_start3A_12 : memref<40x512xi32, #tpu.memory_space<hbm>>) target(%arg9 : memref<40x512xi32, #tpu.memory_space<vmem>>) target_semaphore(%arg22 : memref<!tpu.dma_semaphore, #tpu.memory_space<semaphore_mem>>)
    %dma_wait3A = arith.constant 0 : i32
    %dma_wait3A_13 = arith.constant 0 : i32
    %dma_wait3A_14 = tpu.memref_slice %arg3[%arg1, %dma_wait3A, %dma_wait3A_13] : memref<16x40x512xi32, #tpu.memory_space<hbm>> -> memref<1x40x512xi32, #tpu.memory_space<hbm>>
    %dma_wait3A_15 = tpu.memref_squeeze %dma_wait3A_14 : memref<1x40x512xi32, #tpu.memory_space<hbm>> -> memref<40x512xi32, #tpu.memory_space<hbm>>
    %dma_wait3A_16 = arith.constant 0 : i32
    %dma_wait3A_17 = arith.constant 0 : i32
    %dma_wait3A_18 = tpu.memref_slice %arg3[%arg1, %dma_wait3A_16, %dma_wait3A_17] : memref<16x40x512xi32, #tpu.memory_space<hbm>> -> memref<1x40x512xi32, #tpu.memory_space<hbm>>
    %dma_wait3A_19 = tpu.memref_squeeze %dma_wait3A_18 : memref<1x40x512xi32, #tpu.memory_space<hbm>> -> memref<40x512xi32, #tpu.memory_space<hbm>>
    tpu.wait_dma2 semaphore(%arg22 : memref<!tpu.dma_semaphore, #tpu.memory_space<semaphore_mem>>) src(%dma_wait3A_19 : memref<40x512xi32, #tpu.memory_space<hbm>>) dst(%arg9 : memref<40x512xi32, #tpu.memory_space<vmem>>)
    %dma_start3A_20 = arith.constant 0 : i32
    %dma_start3A_21 = arith.constant 0 : i32
    %dma_start3A_22 = tpu.memref_slice %arg4[%arg1, %dma_start3A_20, %dma_start3A_21] : memref<16x40x512xi32, #tpu.memory_space<hbm>> -> memref<1x40x512xi32, #tpu.memory_space<hbm>>
    %dma_start3A_23 = tpu.memref_squeeze %dma_start3A_22 : memref<1x40x512xi32, #tpu.memory_space<hbm>> -> memref<40x512xi32, #tpu.memory_space<hbm>>
    %dma_start3A_24 = arith.constant 0 : i32
    %dma_start3A_25 = arith.constant 0 : i32
    %dma_start3A_26 = tpu.memref_slice %arg4[%arg1, %dma_start3A_24, %dma_start3A_25] : memref<16x40x512xi32, #tpu.memory_space<hbm>> -> memref<1x40x512xi32, #tpu.memory_space<hbm>>
    %dma_start3A_27 = tpu.memref_squeeze %dma_start3A_26 : memref<1x40x512xi32, #tpu.memory_space<hbm>> -> memref<40x512xi32, #tpu.memory_space<hbm>>
    tpu.enqueue_dma source(%dma_start3A_27 : memref<40x512xi32, #tpu.memory_space<hbm>>) target(%arg10 : memref<40x512xi32, #tpu.memory_space<vmem>>) target_semaphore(%arg22 : memref<!tpu.dma_semaphore, #tpu.memory_space<semaphore_mem>>)
    %dma_wait3A_28 = arith.constant 0 : i32
    %dma_wait3A_29 = arith.constant 0 : i32
    %dma_wait3A_30 = tpu.memref_slice %arg4[%arg1, %dma_wait3A_28, %dma_wait3A_29] : memref<16x40x512xi32, #tpu.memory_space<hbm>> -> memref<1x40x512xi32, #tpu.memory_space<hbm>>
    %dma_wait3A_31 = tpu.memref_squeeze %dma_wait3A_30 : memref<1x40x512xi32, #tpu.memory_space<hbm>> -> memref<40x512xi32, #tpu.memory_space<hbm>>
    %dma_wait3A_32 = arith.constant 0 : i32
    %dma_wait3A_33 = arith.constant 0 : i32
    %dma_wait3A_34 = tpu.memref_slice %arg4[%arg1, %dma_wait3A_32, %dma_wait3A_33] : memref<16x40x512xi32, #tpu.memory_space<hbm>> -> memref<1x40x512xi32, #tpu.memory_space<hbm>>
    %dma_wait3A_35 = tpu.memref_squeeze %dma_wait3A_34 : memref<1x40x512xi32, #tpu.memory_space<hbm>> -> memref<40x512xi32, #tpu.memory_space<hbm>>
    tpu.wait_dma2 semaphore(%arg22 : memref<!tpu.dma_semaphore, #tpu.memory_space<semaphore_mem>>) src(%dma_wait3A_35 : memref<40x512xi32, #tpu.memory_space<hbm>>) dst(%arg10 : memref<40x512xi32, #tpu.memory_space<vmem>>)
    "tpu.region"() ({
      %run_scoped3A_364 = tpu.sem_alloc : memref<!tpu.dma_semaphore, #tpu.memory_space<semaphore_mem>>
      %dma_start3A_365 = arith.constant 0 : i32
      %dma_start3A_366 = tpu.memref_slice %arg21[%mul3A_0, %dma_start3A_365] : memref<10240x16xf32, #tpu.memory_space<vmem_shared>> -> memref<640x16xf32, #tpu.memory_space<vmem_shared>>
      %dma_start3A_367 = arith.constant 0 : i32
      %dma_start3A_368 = tpu.memref_slice %arg21[%mul3A_0, %dma_start3A_367] : memref<10240x16xf32, #tpu.memory_space<vmem_shared>> -> memref<640x16xf32, #tpu.memory_space<vmem_shared>>
      tpu.enqueue_dma source(%arg20 : memref<640x16xf32, #tpu.memory_space<vmem>>) target(%dma_start3A_368 : memref<640x16xf32, #tpu.memory_space<vmem_shared>>) target_semaphore(%run_scoped3A_364 : memref<!tpu.dma_semaphore, #tpu.memory_space<semaphore_mem>>)
      %dma_wait3A_369 = arith.constant 0 : i32
      %dma_wait3A_370 = tpu.memref_slice %arg21[%mul3A_0, %dma_wait3A_369] : memref<10240x16xf32, #tpu.memory_space<vmem_shared>> -> memref<640x16xf32, #tpu.memory_space<vmem_shared>>
      %dma_wait3A_371 = arith.constant 0 : i32
      %dma_wait3A_372 = tpu.memref_slice %arg21[%mul3A_0, %dma_wait3A_371] : memref<10240x16xf32, #tpu.memory_space<vmem_shared>> -> memref<640x16xf32, #tpu.memory_space<vmem_shared>>
      tpu.wait_dma2 semaphore(%run_scoped3A_364 : memref<!tpu.dma_semaphore, #tpu.memory_space<semaphore_mem>>) src(%arg20 : memref<640x16xf32, #tpu.memory_space<vmem>>) dst(%dma_wait3A_372 : memref<640x16xf32, #tpu.memory_space<vmem_shared>>)
      tpu.yield
    }) : () -> ()
    %run_scoped3A = arith.constant 0 : i32
    "tpu.region"() ({
      %run_scoped3A_364 = tpu.sem_alloc : memref<!tpu.dma_semaphore, #tpu.memory_space<semaphore_mem>>
      %dma_start3A_365 = tpu.memref_slice %arg5[%run_scoped3A, %mul3A_0] : memref<2x10240xf32, #tpu.memory_space<hbm>> -> memref<1x640xf32, #tpu.memory_space<hbm>>
      %dma_start3A_366 = tpu.memref_squeeze %dma_start3A_365 : memref<1x640xf32, #tpu.memory_space<hbm>> -> memref<640xf32, #tpu.memory_space<hbm>>
      %dma_start3A_367 = tpu.memref_slice %arg5[%run_scoped3A, %mul3A_0] : memref<2x10240xf32, #tpu.memory_space<hbm>> -> memref<1x640xf32, #tpu.memory_space<hbm>>
      %dma_start3A_368 = tpu.memref_squeeze %dma_start3A_367 : memref<1x640xf32, #tpu.memory_space<hbm>> -> memref<640xf32, #tpu.memory_space<hbm>>
      tpu.enqueue_dma source(%dma_start3A_368 : memref<640xf32, #tpu.memory_space<hbm>>) target(%arg17 : memref<640xf32, #tpu.memory_space<vmem>>) target_semaphore(%run_scoped3A_364 : memref<!tpu.dma_semaphore, #tpu.memory_space<semaphore_mem>>)
      %dma_wait3A_369 = tpu.memref_slice %arg5[%run_scoped3A, %mul3A_0] : memref<2x10240xf32, #tpu.memory_space<hbm>> -> memref<1x640xf32, #tpu.memory_space<hbm>>
      %dma_wait3A_370 = tpu.memref_squeeze %dma_wait3A_369 : memref<1x640xf32, #tpu.memory_space<hbm>> -> memref<640xf32, #tpu.memory_space<hbm>>
      %dma_wait3A_371 = tpu.memref_slice %arg5[%run_scoped3A, %mul3A_0] : memref<2x10240xf32, #tpu.memory_space<hbm>> -> memref<1x640xf32, #tpu.memory_space<hbm>>
      %dma_wait3A_372 = tpu.memref_squeeze %dma_wait3A_371 : memref<1x640xf32, #tpu.memory_space<hbm>> -> memref<640xf32, #tpu.memory_space<hbm>>
      tpu.wait_dma2 semaphore(%run_scoped3A_364 : memref<!tpu.dma_semaphore, #tpu.memory_space<semaphore_mem>>) src(%dma_wait3A_372 : memref<640xf32, #tpu.memory_space<hbm>>) dst(%arg17 : memref<640xf32, #tpu.memory_space<vmem>>)
      tpu.yield
    }) : () -> ()
    %run_scoped3A_36 = arith.constant 1 : i32
    "tpu.region"() ({
      %run_scoped3A_364 = tpu.sem_alloc : memref<!tpu.dma_semaphore, #tpu.memory_space<semaphore_mem>>
      %dma_start3A_365 = tpu.memref_slice %arg5[%run_scoped3A_36, %mul3A_0] : memref<2x10240xf32, #tpu.memory_space<hbm>> -> memref<1x640xf32, #tpu.memory_space<hbm>>
      %dma_start3A_366 = tpu.memref_squeeze %dma_start3A_365 : memref<1x640xf32, #tpu.memory_space<hbm>> -> memref<640xf32, #tpu.memory_space<hbm>>
      %dma_start3A_367 = tpu.memref_slice %arg5[%run_scoped3A_36, %mul3A_0] : memref<2x10240xf32, #tpu.memory_space<hbm>> -> memref<1x640xf32, #tpu.memory_space<hbm>>
      %dma_start3A_368 = tpu.memref_squeeze %dma_start3A_367 : memref<1x640xf32, #tpu.memory_space<hbm>> -> memref<640xf32, #tpu.memory_space<hbm>>
      tpu.enqueue_dma source(%dma_start3A_368 : memref<640xf32, #tpu.memory_space<hbm>>) target(%arg18 : memref<640xf32, #tpu.memory_space<vmem>>) target_semaphore(%run_scoped3A_364 : memref<!tpu.dma_semaphore, #tpu.memory_space<semaphore_mem>>)
      %dma_wait3A_369 = tpu.memref_slice %arg5[%run_scoped3A_36, %mul3A_0] : memref<2x10240xf32, #tpu.memory_space<hbm>> -> memref<1x640xf32, #tpu.memory_space<hbm>>
      %dma_wait3A_370 = tpu.memref_squeeze %dma_wait3A_369 : memref<1x640xf32, #tpu.memory_space<hbm>> -> memref<640xf32, #tpu.memory_space<hbm>>
      %dma_wait3A_371 = tpu.memref_slice %arg5[%run_scoped3A_36, %mul3A_0] : memref<2x10240xf32, #tpu.memory_space<hbm>> -> memref<1x640xf32, #tpu.memory_space<hbm>>
      %dma_wait3A_372 = tpu.memref_squeeze %dma_wait3A_371 : memref<1x640xf32, #tpu.memory_space<hbm>> -> memref<640xf32, #tpu.memory_space<hbm>>
      tpu.wait_dma2 semaphore(%run_scoped3A_364 : memref<!tpu.dma_semaphore, #tpu.memory_space<semaphore_mem>>) src(%dma_wait3A_372 : memref<640xf32, #tpu.memory_space<hbm>>) dst(%arg18 : memref<640xf32, #tpu.memory_space<vmem>>)
      tpu.yield
    }) : () -> ()
    %scan3A_37 = arith.constant 0 : i32
    %scan3A_38 = arith.constant 0 : i32
    %scan3A_39 = arith.constant 40 : i32
    %scan3A_40 = arith.addi %scan3A_38, %scan3A_39 : i32
    %scan3A_41 = arith.constant 1 : i32
    scf.for %scan3A_364 = %scan3A_38 to %scan3A_40 step %scan3A_41  : i32 {
      %mul3A_365 = arith.constant 16 : i32
      %mul3A_366 = arith.muli %scan3A_364, %mul3A_365 : i32
      %get3A = arith.index_cast %mul3A_366 : i32 to index
      %get3A_367 = tpu.vector_load %arg17[%get3A] {strides = array<i32>} : memref<640xf32, #tpu.memory_space<vmem>>, vector<16xf32>,
      %get3A_368 = vector.shape_cast %get3A_367 : vector<16xf32> to vector<16xf32>
      %mul3A_369 = arith.constant 16 : i32
      %mul3A_370 = arith.muli %scan3A_364, %mul3A_369 : i32
      %get3A_371 = arith.index_cast %mul3A_370 : i32 to index
      %get3A_372 = tpu.vector_load %arg18[%get3A_371] {strides = array<i32>} : memref<640xf32, #tpu.memory_space<vmem>>, vector<16xf32>,
      %get3A_373 = vector.shape_cast %get3A_372 : vector<16xf32> to vector<16xf32>
      %add3A = arith.addf %get3A_368, %get3A_373 : vector<16xf32>
      %add3A_374 = arith.constant 1.000000e+00 : f32
      %add3A_375 = vector.broadcast %add3A_374 : f32 to vector<16xf32>
      %add3A_376 = arith.addf %add3A, %add3A_375 : vector<16xf32>
      %bitcast_convert_type3A = tpu.bitcast %add3A_376 : vector<16xf32> -> vector<16xi32>
      %shift_right_arithmetic3A = arith.constant 1 : i32
      %shift_right_arithmetic3A_377 = vector.broadcast %shift_right_arithmetic3A : i32 to vector<16xi32>
      %shift_right_arithmetic3A_378 = arith.shrsi %bitcast_convert_type3A, %shift_right_arithmetic3A_377 : vector<16xi32>
      %sub3A = arith.constant 1597463007 : i32
      %sub3A_379 = vector.broadcast %sub3A : i32 to vector<16xi32>
      %sub3A_380 = arith.subi %sub3A_379, %shift_right_arithmetic3A_378 : vector<16xi32>
      %bitcast_convert_type3A_381 = tpu.bitcast %sub3A_380 : vector<16xi32> -> vector<16xf32>
      %mul3A_382 = arith.constant 5.000000e-01 : f32
      %mul3A_383 = vector.broadcast %mul3A_382 : f32 to vector<16xf32>
      %mul3A_384 = arith.mulf %mul3A_383, %add3A_376 : vector<16xf32>
      %mul3A_385 = arith.mulf %mul3A_384, %bitcast_convert_type3A_381 : vector<16xf32>
      %mul3A_386 = arith.mulf %mul3A_385, %bitcast_convert_type3A_381 : vector<16xf32>
      %sub3A_387 = arith.constant 1.500000e+00 : f32
      %sub3A_388 = vector.broadcast %sub3A_387 : f32 to vector<16xf32>
      %sub3A_389 = arith.subf %sub3A_388, %mul3A_386 : vector<16xf32>
      %mul3A_390 = arith.mulf %bitcast_convert_type3A_381, %sub3A_389 : vector<16xf32>
      %mul3A_391 = arith.constant 5.000000e-01 : f32
      %mul3A_392 = vector.broadcast %mul3A_391 : f32 to vector<16xf32>
      %mul3A_393 = arith.mulf %mul3A_392, %add3A_376 : vector<16xf32>
      %mul3A_394 = arith.mulf %mul3A_393, %mul3A_390 : vector<16xf32>
      %mul3A_395 = arith.mulf %mul3A_394, %mul3A_390 : vector<16xf32>
      %sub3A_396 = arith.constant 1.500000e+00 : f32
      %sub3A_397 = vector.broadcast %sub3A_396 : f32 to vector<16xf32>
      %sub3A_398 = arith.subf %sub3A_397, %mul3A_395 : vector<16xf32>
      %mul3A_399 = arith.mulf %mul3A_390, %sub3A_398 : vector<16xf32>
      %mul3A_400 = arith.constant 5.000000e-01 : f32
      %mul3A_401 = vector.broadcast %mul3A_400 : f32 to vector<16xf32>
      %mul3A_402 = arith.mulf %mul3A_401, %add3A_376 : vector<16xf32>
      %mul3A_403 = arith.mulf %mul3A_402, %mul3A_399 : vector<16xf32>
      %mul3A_404 = arith.mulf %mul3A_403, %mul3A_399 : vector<16xf32>
      %sub3A_405 = arith.constant 1.500000e+00 : f32
      %sub3A_406 = vector.broadcast %sub3A_405 : f32 to vector<16xf32>
      %sub3A_407 = arith.subf %sub3A_406, %mul3A_404 : vector<16xf32>
      %mul3A_408 = arith.mulf %mul3A_399, %sub3A_407 : vector<16xf32>
      %slice3A = vector.extract_strided_slice %mul3A_408 {offsets = [0], sizes = [1], strides = [1]} : vector<16xf32> to vector<1xf32>
      %squeeze3A = vector.extract %slice3A[0] : f32 from vector<1xf32>
      %broadcast_in_dim3A = vector.broadcast %squeeze3A : f32 to vector<16xf32>
      %mul3A_409 = arith.constant 16 : i32
      %mul3A_410 = arith.muli %scan3A_364, %mul3A_409 : i32
      %add3A_411 = arith.constant 0 : i32
      %add3A_412 = arith.addi %mul3A_410, %add3A_411 : i32
      %swap3A = arith.index_cast %add3A_412 : i32 to index
      %swap3A_413 = arith.constant 0 : index
      %swap3A_414 = tpu.vector_load %arg19[%swap3A, %swap3A_413] {strides = array<i32>} : memref<640x16xf32, #tpu.memory_space<vmem>>, vector<1x16xf32>,
      %swap3A_415 = vector.shape_cast %swap3A_414 : vector<1x16xf32> to vector<16xf32>
      %swap3A_416 = vector.shape_cast %broadcast_in_dim3A : vector<16xf32> to vector<1x16xf32>
      tpu.vector_store %arg19[%swap3A, %swap3A_413], %swap3A_416 {strides = array<i32>} : memref<640x16xf32, #tpu.memory_space<vmem>>, vector<1x16xf32>,
      %slice3A_417 = vector.extract_strided_slice %mul3A_408 {offsets = [1], sizes = [1], strides = [1]} : vector<16xf32> to vector<1xf32>
      %squeeze3A_418 = vector.extract %slice3A_417[0] : f32 from vector<1xf32>
      %broadcast_in_dim3A_419 = vector.broadcast %squeeze3A_418 : f32 to vector<16xf32>
      %mul3A_420 = arith.constant 16 : i32
      %mul3A_421 = arith.muli %scan3A_364, %mul3A_420 : i32
      %add3A_422 = arith.constant 1 : i32
      %add3A_423 = arith.addi %mul3A_421, %add3A_422 : i32
      %swap3A_424 = arith.index_cast %add3A_423 : i32 to index
      %swap3A_425 = arith.constant 0 : index
      %swap3A_426 = tpu.vector_load %arg19[%swap3A_424, %swap3A_425] {strides = array<i32>} : memref<640x16xf32, #tpu.memory_space<vmem>>, vector<1x16xf32>,
      %swap3A_427 = vector.shape_cast %swap3A_426 : vector<1x16xf32> to vector<16xf32>
      %swap3A_428 = vector.shape_cast %broadcast_in_dim3A_419 : vector<16xf32> to vector<1x16xf32>
      tpu.vector_store %arg19[%swap3A_424, %swap3A_425], %swap3A_428 {strides = array<i32>} : memref<640x16xf32, #tpu.memory_space<vmem>>, vector<1x16xf32>,
      %slice3A_429 = vector.extract_strided_slice %mul3A_408 {offsets = [2], sizes = [1], strides = [1]} : vector<16xf32> to vector<1xf32>
      %squeeze3A_430 = vector.extract %slice3A_429[0] : f32 from vector<1xf32>
      %broadcast_in_dim3A_431 = vector.broadcast %squeeze3A_430 : f32 to vector<16xf32>
      %mul3A_432 = arith.constant 16 : i32
      %mul3A_433 = arith.muli %scan3A_364, %mul3A_432 : i32
      %add3A_434 = arith.constant 2 : i32
      %add3A_435 = arith.addi %mul3A_433, %add3A_434 : i32
      %swap3A_436 = arith.index_cast %add3A_435 : i32 to index
      %swap3A_437 = arith.constant 0 : index
      %swap3A_438 = tpu.vector_load %arg19[%swap3A_436, %swap3A_437] {strides = array<i32>} : memref<640x16xf32, #tpu.memory_space<vmem>>, vector<1x16xf32>,
      %swap3A_439 = vector.shape_cast %swap3A_438 : vector<1x16xf32> to vector<16xf32>
      %swap3A_440 = vector.shape_cast %broadcast_in_dim3A_431 : vector<16xf32> to vector<1x16xf32>
      tpu.vector_store %arg19[%swap3A_436, %swap3A_437], %swap3A_440 {strides = array<i32>} : memref<640x16xf32, #tpu.memory_space<vmem>>, vector<1x16xf32>,
      %slice3A_441 = vector.extract_strided_slice %mul3A_408 {offsets = [3], sizes = [1], strides = [1]} : vector<16xf32> to vector<1xf32>
      %squeeze3A_442 = vector.extract %slice3A_441[0] : f32 from vector<1xf32>
      %broadcast_in_dim3A_443 = vector.broadcast %squeeze3A_442 : f32 to vector<16xf32>
      %mul3A_444 = arith.constant 16 : i32
      %mul3A_445 = arith.muli %scan3A_364, %mul3A_444 : i32
      %add3A_446 = arith.constant 3 : i32
      %add3A_447 = arith.addi %mul3A_445, %add3A_446 : i32
      %swap3A_448 = arith.index_cast %add3A_447 : i32 to index
      %swap3A_449 = arith.constant 0 : index
      %swap3A_450 = tpu.vector_load %arg19[%swap3A_448, %swap3A_449] {strides = array<i32>} : memref<640x16xf32, #tpu.memory_space<vmem>>, vector<1x16xf32>,
      %swap3A_451 = vector.shape_cast %swap3A_450 : vector<1x16xf32> to vector<16xf32>
      %swap3A_452 = vector.shape_cast %broadcast_in_dim3A_443 : vector<16xf32> to vector<1x16xf32>
      tpu.vector_store %arg19[%swap3A_448, %swap3A_449], %swap3A_452 {strides = array<i32>} : memref<640x16xf32, #tpu.memory_space<vmem>>, vector<1x16xf32>,
      %slice3A_453 = vector.extract_strided_slice %mul3A_408 {offsets = [4], sizes = [1], strides = [1]} : vector<16xf32> to vector<1xf32>
      %squeeze3A_454 = vector.extract %slice3A_453[0] : f32 from vector<1xf32>
      %broadcast_in_dim3A_455 = vector.broadcast %squeeze3A_454 : f32 to vector<16xf32>
      %mul3A_456 = arith.constant 16 : i32
      %mul3A_457 = arith.muli %scan3A_364, %mul3A_456 : i32
      %add3A_458 = arith.constant 4 : i32
      %add3A_459 = arith.addi %mul3A_457, %add3A_458 : i32
      %swap3A_460 = arith.index_cast %add3A_459 : i32 to index
      %swap3A_461 = arith.constant 0 : index
      %swap3A_462 = tpu.vector_load %arg19[%swap3A_460, %swap3A_461] {strides = array<i32>} : memref<640x16xf32, #tpu.memory_space<vmem>>, vector<1x16xf32>,
      %swap3A_463 = vector.shape_cast %swap3A_462 : vector<1x16xf32> to vector<16xf32>
      %swap3A_464 = vector.shape_cast %broadcast_in_dim3A_455 : vector<16xf32> to vector<1x16xf32>
      tpu.vector_store %arg19[%swap3A_460, %swap3A_461], %swap3A_464 {strides = array<i32>} : memref<640x16xf32, #tpu.memory_space<vmem>>, vector<1x16xf32>,
      %slice3A_465 = vector.extract_strided_slice %mul3A_408 {offsets = [5], sizes = [1], strides = [1]} : vector<16xf32> to vector<1xf32>
      %squeeze3A_466 = vector.extract %slice3A_465[0] : f32 from vector<1xf32>
      %broadcast_in_dim3A_467 = vector.broadcast %squeeze3A_466 : f32 to vector<16xf32>
      %mul3A_468 = arith.constant 16 : i32
      %mul3A_469 = arith.muli %scan3A_364, %mul3A_468 : i32
      %add3A_470 = arith.constant 5 : i32
      %add3A_471 = arith.addi %mul3A_469, %add3A_470 : i32
      %swap3A_472 = arith.index_cast %add3A_471 : i32 to index
      %swap3A_473 = arith.constant 0 : index
      %swap3A_474 = tpu.vector_load %arg19[%swap3A_472, %swap3A_473] {strides = array<i32>} : memref<640x16xf32, #tpu.memory_space<vmem>>, vector<1x16xf32>,
      %swap3A_475 = vector.shape_cast %swap3A_474 : vector<1x16xf32> to vector<16xf32>
      %swap3A_476 = vector.shape_cast %broadcast_in_dim3A_467 : vector<16xf32> to vector<1x16xf32>
      tpu.vector_store %arg19[%swap3A_472, %swap3A_473], %swap3A_476 {strides = array<i32>} : memref<640x16xf32, #tpu.memory_space<vmem>>, vector<1x16xf32>,
      %slice3A_477 = vector.extract_strided_slice %mul3A_408 {offsets = [6], sizes = [1], strides = [1]} : vector<16xf32> to vector<1xf32>
      %squeeze3A_478 = vector.extract %slice3A_477[0] : f32 from vector<1xf32>
      %broadcast_in_dim3A_479 = vector.broadcast %squeeze3A_478 : f32 to vector<16xf32>
      %mul3A_480 = arith.constant 16 : i32
      %mul3A_481 = arith.muli %scan3A_364, %mul3A_480 : i32
      %add3A_482 = arith.constant 6 : i32
      %add3A_483 = arith.addi %mul3A_481, %add3A_482 : i32
      %swap3A_484 = arith.index_cast %add3A_483 : i32 to index
      %swap3A_485 = arith.constant 0 : index
      %swap3A_486 = tpu.vector_load %arg19[%swap3A_484, %swap3A_485] {strides = array<i32>} : memref<640x16xf32, #tpu.memory_space<vmem>>, vector<1x16xf32>,
      %swap3A_487 = vector.shape_cast %swap3A_486 : vector<1x16xf32> to vector<16xf32>
      %swap3A_488 = vector.shape_cast %broadcast_in_dim3A_479 : vector<16xf32> to vector<1x16xf32>
      tpu.vector_store %arg19[%swap3A_484, %swap3A_485], %swap3A_488 {strides = array<i32>} : memref<640x16xf32, #tpu.memory_space<vmem>>, vector<1x16xf32>,
      %slice3A_489 = vector.extract_strided_slice %mul3A_408 {offsets = [7], sizes = [1], strides = [1]} : vector<16xf32> to vector<1xf32>
      %squeeze3A_490 = vector.extract %slice3A_489[0] : f32 from vector<1xf32>
      %broadcast_in_dim3A_491 = vector.broadcast %squeeze3A_490 : f32 to vector<16xf32>
      %mul3A_492 = arith.constant 16 : i32
      %mul3A_493 = arith.muli %scan3A_364, %mul3A_492 : i32
      %add3A_494 = arith.constant 7 : i32
      %add3A_495 = arith.addi %mul3A_493, %add3A_494 : i32
      %swap3A_496 = arith.index_cast %add3A_495 : i32 to index
      %swap3A_497 = arith.constant 0 : index
      %swap3A_498 = tpu.vector_load %arg19[%swap3A_496, %swap3A_497] {strides = array<i32>} : memref<640x16xf32, #tpu.memory_space<vmem>>, vector<1x16xf32>,
      %swap3A_499 = vector.shape_cast %swap3A_498 : vector<1x16xf32> to vector<16xf32>
      %swap3A_500 = vector.shape_cast %broadcast_in_dim3A_491 : vector<16xf32> to vector<1x16xf32>
      tpu.vector_store %arg19[%swap3A_496, %swap3A_497], %swap3A_500 {strides = array<i32>} : memref<640x16xf32, #tpu.memory_space<vmem>>, vector<1x16xf32>,
      %slice3A_501 = vector.extract_strided_slice %mul3A_408 {offsets = [8], sizes = [1], strides = [1]} : vector<16xf32> to vector<1xf32>
      %squeeze3A_502 = vector.extract %slice3A_501[0] : f32 from vector<1xf32>
      %broadcast_in_dim3A_503 = vector.broadcast %squeeze3A_502 : f32 to vector<16xf32>
      %mul3A_504 = arith.constant 16 : i32
      %mul3A_505 = arith.muli %scan3A_364, %mul3A_504 : i32
      %add3A_506 = arith.constant 8 : i32
      %add3A_507 = arith.addi %mul3A_505, %add3A_506 : i32
      %swap3A_508 = arith.index_cast %add3A_507 : i32 to index
      %swap3A_509 = arith.constant 0 : index
      %swap3A_510 = tpu.vector_load %arg19[%swap3A_508, %swap3A_509] {strides = array<i32>} : memref<640x16xf32, #tpu.memory_space<vmem>>, vector<1x16xf32>,
      %swap3A_511 = vector.shape_cast %swap3A_510 : vector<1x16xf32> to vector<16xf32>
      %swap3A_512 = vector.shape_cast %broadcast_in_dim3A_503 : vector<16xf32> to vector<1x16xf32>
      tpu.vector_store %arg19[%swap3A_508, %swap3A_509], %swap3A_512 {strides = array<i32>} : memref<640x16xf32, #tpu.memory_space<vmem>>, vector<1x16xf32>,
      %slice3A_513 = vector.extract_strided_slice %mul3A_408 {offsets = [9], sizes = [1], strides = [1]} : vector<16xf32> to vector<1xf32>
      %squeeze3A_514 = vector.extract %slice3A_513[0] : f32 from vector<1xf32>
      %broadcast_in_dim3A_515 = vector.broadcast %squeeze3A_514 : f32 to vector<16xf32>
      %mul3A_516 = arith.constant 16 : i32
      %mul3A_517 = arith.muli %scan3A_364, %mul3A_516 : i32
      %add3A_518 = arith.constant 9 : i32
      %add3A_519 = arith.addi %mul3A_517, %add3A_518 : i32
      %swap3A_520 = arith.index_cast %add3A_519 : i32 to index
      %swap3A_521 = arith.constant 0 : index
      %swap3A_522 = tpu.vector_load %arg19[%swap3A_520, %swap3A_521] {strides = array<i32>} : memref<640x16xf32, #tpu.memory_space<vmem>>, vector<1x16xf32>,
      %swap3A_523 = vector.shape_cast %swap3A_522 : vector<1x16xf32> to vector<16xf32>
      %swap3A_524 = vector.shape_cast %broadcast_in_dim3A_515 : vector<16xf32> to vector<1x16xf32>
      tpu.vector_store %arg19[%swap3A_520, %swap3A_521], %swap3A_524 {strides = array<i32>} : memref<640x16xf32, #tpu.memory_space<vmem>>, vector<1x16xf32>,
      %slice3A_525 = vector.extract_strided_slice %mul3A_408 {offsets = [10], sizes = [1], strides = [1]} : vector<16xf32> to vector<1xf32>
      %squeeze3A_526 = vector.extract %slice3A_525[0] : f32 from vector<1xf32>
      %broadcast_in_dim3A_527 = vector.broadcast %squeeze3A_526 : f32 to vector<16xf32>
      %mul3A_528 = arith.constant 16 : i32
      %mul3A_529 = arith.muli %scan3A_364, %mul3A_528 : i32
      %add3A_530 = arith.constant 10 : i32
      %add3A_531 = arith.addi %mul3A_529, %add3A_530 : i32
      %swap3A_532 = arith.index_cast %add3A_531 : i32 to index
      %swap3A_533 = arith.constant 0 : index
      %swap3A_534 = tpu.vector_load %arg19[%swap3A_532, %swap3A_533] {strides = array<i32>} : memref<640x16xf32, #tpu.memory_space<vmem>>, vector<1x16xf32>,
      %swap3A_535 = vector.shape_cast %swap3A_534 : vector<1x16xf32> to vector<16xf32>
      %swap3A_536 = vector.shape_cast %broadcast_in_dim3A_527 : vector<16xf32> to vector<1x16xf32>
      tpu.vector_store %arg19[%swap3A_532, %swap3A_533], %swap3A_536 {strides = array<i32>} : memref<640x16xf32, #tpu.memory_space<vmem>>, vector<1x16xf32>,
      %slice3A_537 = vector.extract_strided_slice %mul3A_408 {offsets = [11], sizes = [1], strides = [1]} : vector<16xf32> to vector<1xf32>
      %squeeze3A_538 = vector.extract %slice3A_537[0] : f32 from vector<1xf32>
      %broadcast_in_dim3A_539 = vector.broadcast %squeeze3A_538 : f32 to vector<16xf32>
      %mul3A_540 = arith.constant 16 : i32
      %mul3A_541 = arith.muli %scan3A_364, %mul3A_540 : i32
      %add3A_542 = arith.constant 11 : i32
      %add3A_543 = arith.addi %mul3A_541, %add3A_542 : i32
      %swap3A_544 = arith.index_cast %add3A_543 : i32 to index
      %swap3A_545 = arith.constant 0 : index
      %swap3A_546 = tpu.vector_load %arg19[%swap3A_544, %swap3A_545] {strides = array<i32>} : memref<640x16xf32, #tpu.memory_space<vmem>>, vector<1x16xf32>,
      %swap3A_547 = vector.shape_cast %swap3A_546 : vector<1x16xf32> to vector<16xf32>
      %swap3A_548 = vector.shape_cast %broadcast_in_dim3A_539 : vector<16xf32> to vector<1x16xf32>
      tpu.vector_store %arg19[%swap3A_544, %swap3A_545], %swap3A_548 {strides = array<i32>} : memref<640x16xf32, #tpu.memory_space<vmem>>, vector<1x16xf32>,
      %slice3A_549 = vector.extract_strided_slice %mul3A_408 {offsets = [12], sizes = [1], strides = [1]} : vector<16xf32> to vector<1xf32>
      %squeeze3A_550 = vector.extract %slice3A_549[0] : f32 from vector<1xf32>
      %broadcast_in_dim3A_551 = vector.broadcast %squeeze3A_550 : f32 to vector<16xf32>
      %mul3A_552 = arith.constant 16 : i32
      %mul3A_553 = arith.muli %scan3A_364, %mul3A_552 : i32
      %add3A_554 = arith.constant 12 : i32
      %add3A_555 = arith.addi %mul3A_553, %add3A_554 : i32
      %swap3A_556 = arith.index_cast %add3A_555 : i32 to index
      %swap3A_557 = arith.constant 0 : index
      %swap3A_558 = tpu.vector_load %arg19[%swap3A_556, %swap3A_557] {strides = array<i32>} : memref<640x16xf32, #tpu.memory_space<vmem>>, vector<1x16xf32>,
      %swap3A_559 = vector.shape_cast %swap3A_558 : vector<1x16xf32> to vector<16xf32>
      %swap3A_560 = vector.shape_cast %broadcast_in_dim3A_551 : vector<16xf32> to vector<1x16xf32>
      tpu.vector_store %arg19[%swap3A_556, %swap3A_557], %swap3A_560 {strides = array<i32>} : memref<640x16xf32, #tpu.memory_space<vmem>>, vector<1x16xf32>,
      %slice3A_561 = vector.extract_strided_slice %mul3A_408 {offsets = [13], sizes = [1], strides = [1]} : vector<16xf32> to vector<1xf32>
      %squeeze3A_562 = vector.extract %slice3A_561[0] : f32 from vector<1xf32>
      %broadcast_in_dim3A_563 = vector.broadcast %squeeze3A_562 : f32 to vector<16xf32>
      %mul3A_564 = arith.constant 16 : i32
      %mul3A_565 = arith.muli %scan3A_364, %mul3A_564 : i32
      %add3A_566 = arith.constant 13 : i32
      %add3A_567 = arith.addi %mul3A_565, %add3A_566 : i32
      %swap3A_568 = arith.index_cast %add3A_567 : i32 to index
      %swap3A_569 = arith.constant 0 : index
      %swap3A_570 = tpu.vector_load %arg19[%swap3A_568, %swap3A_569] {strides = array<i32>} : memref<640x16xf32, #tpu.memory_space<vmem>>, vector<1x16xf32>,
      %swap3A_571 = vector.shape_cast %swap3A_570 : vector<1x16xf32> to vector<16xf32>
      %swap3A_572 = vector.shape_cast %broadcast_in_dim3A_563 : vector<16xf32> to vector<1x16xf32>
      tpu.vector_store %arg19[%swap3A_568, %swap3A_569], %swap3A_572 {strides = array<i32>} : memref<640x16xf32, #tpu.memory_space<vmem>>, vector<1x16xf32>,
      %slice3A_573 = vector.extract_strided_slice %mul3A_408 {offsets = [14], sizes = [1], strides = [1]} : vector<16xf32> to vector<1xf32>
      %squeeze3A_574 = vector.extract %slice3A_573[0] : f32 from vector<1xf32>
      %broadcast_in_dim3A_575 = vector.broadcast %squeeze3A_574 : f32 to vector<16xf32>
      %mul3A_576 = arith.constant 16 : i32
      %mul3A_577 = arith.muli %scan3A_364, %mul3A_576 : i32
      %add3A_578 = arith.constant 14 : i32
      %add3A_579 = arith.addi %mul3A_577, %add3A_578 : i32
      %swap3A_580 = arith.index_cast %add3A_579 : i32 to index
      %swap3A_581 = arith.constant 0 : index
      %swap3A_582 = tpu.vector_load %arg19[%swap3A_580, %swap3A_581] {strides = array<i32>} : memref<640x16xf32, #tpu.memory_space<vmem>>, vector<1x16xf32>,
      %swap3A_583 = vector.shape_cast %swap3A_582 : vector<1x16xf32> to vector<16xf32>
      %swap3A_584 = vector.shape_cast %broadcast_in_dim3A_575 : vector<16xf32> to vector<1x16xf32>
      tpu.vector_store %arg19[%swap3A_580, %swap3A_581], %swap3A_584 {strides = array<i32>} : memref<640x16xf32, #tpu.memory_space<vmem>>, vector<1x16xf32>,
      %slice3A_585 = vector.extract_strided_slice %mul3A_408 {offsets = [15], sizes = [1], strides = [1]} : vector<16xf32> to vector<1xf32>
      %squeeze3A_586 = vector.extract %slice3A_585[0] : f32 from vector<1xf32>
      %broadcast_in_dim3A_587 = vector.broadcast %squeeze3A_586 : f32 to vector<16xf32>
      %mul3A_588 = arith.constant 16 : i32
      %mul3A_589 = arith.muli %scan3A_364, %mul3A_588 : i32
      %add3A_590 = arith.constant 15 : i32
      %add3A_591 = arith.addi %mul3A_589, %add3A_590 : i32
      %swap3A_592 = arith.index_cast %add3A_591 : i32 to index
      %swap3A_593 = arith.constant 0 : index
      %swap3A_594 = tpu.vector_load %arg19[%swap3A_592, %swap3A_593] {strides = array<i32>} : memref<640x16xf32, #tpu.memory_space<vmem>>, vector<1x16xf32>,
      %swap3A_595 = vector.shape_cast %swap3A_594 : vector<1x16xf32> to vector<16xf32>
      %swap3A_596 = vector.shape_cast %broadcast_in_dim3A_587 : vector<16xf32> to vector<1x16xf32>
      tpu.vector_store %arg19[%swap3A_592, %swap3A_593], %swap3A_596 {strides = array<i32>} : memref<640x16xf32, #tpu.memory_space<vmem>>, vector<1x16xf32>,
    }
    %scan3A_42 = arith.constant 40 : i32
    "tpu.region"() ({
      %run_scoped3A_364 = tpu.sem_alloc : memref<!tpu.dma_semaphore, #tpu.memory_space<semaphore_mem>>
      %dma_start3A_365 = arith.constant 0 : i32
      %dma_start3A_366 = tpu.memref_slice %arg2[%arg0, %mul3A_0, %dma_start3A_365] : memref<2x10240x16xf32, #tpu.memory_space<hbm>> -> memref<1x640x16xf32, #tpu.memory_space<hbm>>
      %dma_start3A_367 = tpu.memref_squeeze %dma_start3A_366 : memref<1x640x16xf32, #tpu.memory_space<hbm>> -> memref<640x16xf32, #tpu.memory_space<hbm>>
      %dma_start3A_368 = arith.constant 0 : i32
      %dma_start3A_369 = tpu.memref_slice %arg2[%arg0, %mul3A_0, %dma_start3A_368] : memref<2x10240x16xf32, #tpu.memory_space<hbm>> -> memref<1x640x16xf32, #tpu.memory_space<hbm>>
      %dma_start3A_370 = tpu.memref_squeeze %dma_start3A_369 : memref<1x640x16xf32, #tpu.memory_space<hbm>> -> memref<640x16xf32, #tpu.memory_space<hbm>>
      tpu.enqueue_dma source(%dma_start3A_370 : memref<640x16xf32, #tpu.memory_space<hbm>>) target(%arg16 : memref<640x16xf32, #tpu.memory_space<vmem>>) target_semaphore(%run_scoped3A_364 : memref<!tpu.dma_semaphore, #tpu.memory_space<semaphore_mem>>)
      %dma_wait3A_371 = arith.constant 0 : i32
      %dma_wait3A_372 = tpu.memref_slice %arg2[%arg0, %mul3A_0, %dma_wait3A_371] : memref<2x10240x16xf32, #tpu.memory_space<hbm>> -> memref<1x640x16xf32, #tpu.memory_space<hbm>>
      %dma_wait3A_373 = tpu.memref_squeeze %dma_wait3A_372 : memref<1x640x16xf32, #tpu.memory_space<hbm>> -> memref<640x16xf32, #tpu.memory_space<hbm>>
      %dma_wait3A_374 = arith.constant 0 : i32
      %dma_wait3A_375 = tpu.memref_slice %arg2[%arg0, %mul3A_0, %dma_wait3A_374] : memref<2x10240x16xf32, #tpu.memory_space<hbm>> -> memref<1x640x16xf32, #tpu.memory_space<hbm>>
      %dma_wait3A_376 = tpu.memref_squeeze %dma_wait3A_375 : memref<1x640x16xf32, #tpu.memory_space<hbm>> -> memref<640x16xf32, #tpu.memory_space<hbm>>
      tpu.wait_dma2 semaphore(%run_scoped3A_364 : memref<!tpu.dma_semaphore, #tpu.memory_space<semaphore_mem>>) src(%dma_wait3A_376 : memref<640x16xf32, #tpu.memory_space<hbm>>) dst(%arg16 : memref<640x16xf32, #tpu.memory_space<vmem>>)
      tpu.yield
    }) : () -> ()
    %scan3A_43 = arith.constant 0 : i32
    %scan3A_44 = arith.constant 0 : i32
    %scan3A_45 = arith.constant 640 : i32
    %scan3A_46 = arith.addi %scan3A_44, %scan3A_45 : i32
    %scan3A_47 = arith.constant 1 : i32
    scf.for %scan3A_364 = %scan3A_44 to %scan3A_46 step %scan3A_47  : i32 {
      %get3A = arith.index_cast %scan3A_364 : i32 to index
      %get3A_365 = arith.constant 0 : index
      %get3A_366 = tpu.vector_load %arg16[%get3A, %get3A_365] {strides = array<i32>} : memref<640x16xf32, #tpu.memory_space<vmem>>, vector<1x16xf32>,
      %get3A_367 = vector.shape_cast %get3A_366 : vector<1x16xf32> to vector<16xf32>
      %get3A_368 = arith.index_cast %scan3A_364 : i32 to index
      %get3A_369 = arith.constant 0 : index
      %get3A_370 = tpu.vector_load %arg19[%get3A_368, %get3A_369] {strides = array<i32>} : memref<640x16xf32, #tpu.memory_space<vmem>>, vector<1x16xf32>,
      %get3A_371 = vector.shape_cast %get3A_370 : vector<1x16xf32> to vector<16xf32>
      %mul3A_372 = arith.mulf %get3A_367, %get3A_371 : vector<16xf32>
      %swap3A = arith.index_cast %scan3A_364 : i32 to index
      %swap3A_373 = arith.constant 0 : index
      %swap3A_374 = tpu.vector_load %arg16[%swap3A, %swap3A_373] {strides = array<i32>} : memref<640x16xf32, #tpu.memory_space<vmem>>, vector<1x16xf32>,
      %swap3A_375 = vector.shape_cast %swap3A_374 : vector<1x16xf32> to vector<16xf32>
      %swap3A_376 = vector.shape_cast %mul3A_372 : vector<16xf32> to vector<1x16xf32>
      tpu.vector_store %arg16[%swap3A, %swap3A_373], %swap3A_376 {strides = array<i32>} : memref<640x16xf32, #tpu.memory_space<vmem>>, vector<1x16xf32>,
    }
    %scan3A_48 = arith.constant 640 : i32
    "tpu.region"() ({
      %run_scoped3A_364 = tpu.sem_alloc : memref<!tpu.dma_semaphore, #tpu.memory_space<semaphore_mem>>
      %dma_start3A_365 = arith.constant 0 : i32
      %dma_start3A_366 = tpu.memref_slice %arg7[%arg0, %mul3A_0, %dma_start3A_365] : memref<2x10240x16xf32, #tpu.memory_space<hbm>> -> memref<1x640x16xf32, #tpu.memory_space<hbm>>
      %dma_start3A_367 = tpu.memref_squeeze %dma_start3A_366 : memref<1x640x16xf32, #tpu.memory_space<hbm>> -> memref<640x16xf32, #tpu.memory_space<hbm>>
      %dma_start3A_368 = arith.constant 0 : i32
      %dma_start3A_369 = tpu.memref_slice %arg7[%arg0, %mul3A_0, %dma_start3A_368] : memref<2x10240x16xf32, #tpu.memory_space<hbm>> -> memref<1x640x16xf32, #tpu.memory_space<hbm>>
      %dma_start3A_370 = tpu.memref_squeeze %dma_start3A_369 : memref<1x640x16xf32, #tpu.memory_space<hbm>> -> memref<640x16xf32, #tpu.memory_space<hbm>>
      tpu.enqueue_dma source(%arg16 : memref<640x16xf32, #tpu.memory_space<vmem>>) target(%dma_start3A_370 : memref<640x16xf32, #tpu.memory_space<hbm>>) target_semaphore(%run_scoped3A_364 : memref<!tpu.dma_semaphore, #tpu.memory_space<semaphore_mem>>)
      %dma_wait3A_371 = arith.constant 0 : i32
      %dma_wait3A_372 = tpu.memref_slice %arg7[%arg0, %mul3A_0, %dma_wait3A_371] : memref<2x10240x16xf32, #tpu.memory_space<hbm>> -> memref<1x640x16xf32, #tpu.memory_space<hbm>>
      %dma_wait3A_373 = tpu.memref_squeeze %dma_wait3A_372 : memref<1x640x16xf32, #tpu.memory_space<hbm>> -> memref<640x16xf32, #tpu.memory_space<hbm>>
      %dma_wait3A_374 = arith.constant 0 : i32
      %dma_wait3A_375 = tpu.memref_slice %arg7[%arg0, %mul3A_0, %dma_wait3A_374] : memref<2x10240x16xf32, #tpu.memory_space<hbm>> -> memref<1x640x16xf32, #tpu.memory_space<hbm>>
      %dma_wait3A_376 = tpu.memref_squeeze %dma_wait3A_375 : memref<1x640x16xf32, #tpu.memory_space<hbm>> -> memref<640x16xf32, #tpu.memory_space<hbm>>
      tpu.wait_dma2 semaphore(%run_scoped3A_364 : memref<!tpu.dma_semaphore, #tpu.memory_space<semaphore_mem>>) src(%arg16 : memref<640x16xf32, #tpu.memory_space<vmem>>) dst(%dma_wait3A_376 : memref<640x16xf32, #tpu.memory_space<hbm>>)
      tpu.yield
    }) : () -> ()
    %barrier3A = arith.constant 0 : index
    tpu.barrier barrier_id(%barrier3A)
    %dma_start3A_49 = arith.constant 0 : i32
    %dma_start3A_50 = arith.constant 0 : i32
    %dma_start3A_51 = tpu.memref_slice %arg9[%dma_start3A_49, %dma_start3A_50] : memref<40x512xi32, #tpu.memory_space<vmem>> -> memref<1x512xi32, #tpu.memory_space<vmem>>
    %dma_start3A_52 = tpu.memref_squeeze %dma_start3A_51 : memref<1x512xi32, #tpu.memory_space<vmem>> -> memref<512xi32, #tpu.memory_space<vmem>>
    %dma_start3A_53 = arith.constant 0 : i32
    %dma_start3A_54 = arith.constant 0 : i32
    %dma_start3A_55 = tpu.memref_slice %arg7[%arg0, %dma_start3A_53, %dma_start3A_54] : memref<2x10240x16xf32, #tpu.memory_space<hbm>> -> memref<1x10240x16xf32, #tpu.memory_space<hbm>>
    %dma_start3A_56 = tpu.memref_squeeze %dma_start3A_55 : memref<1x10240x16xf32, #tpu.memory_space<hbm>> -> memref<10240x16xf32, #tpu.memory_space<hbm>>
    %dma_start3A_57 = arith.constant 0 : i32
    %dma_start3A_58 = arith.constant 0 : i32
    %dma_start3A_59 = tpu.memref_slice %dma_start3A_56[%dma_start3A_57, %dma_start3A_58] : memref<10240x16xf32, #tpu.memory_space<hbm>> -> memref<10240x16xf32, #tpu.memory_space<hbm>>
    tpu.enqueue_indirect_dma source(%dma_start3A_59 : memref<10240x16xf32, #tpu.memory_space<hbm>>) target(%arg11 : memref<512x16xf32, #tpu.memory_space<vmem>>) offsets(%dma_start3A_52 : memref<512xi32, #tpu.memory_space<vmem>>) semaphore(%arg22 : memref<!tpu.dma_semaphore, #tpu.memory_space<semaphore_mem>>)
    %dma_start3A_60 = arith.constant 1 : i32
    %dma_start3A_61 = arith.constant 0 : i32
    %dma_start3A_62 = tpu.memref_slice %arg9[%dma_start3A_60, %dma_start3A_61] : memref<40x512xi32, #tpu.memory_space<vmem>> -> memref<1x512xi32, #tpu.memory_space<vmem>>
    %dma_start3A_63 = tpu.memref_squeeze %dma_start3A_62 : memref<1x512xi32, #tpu.memory_space<vmem>> -> memref<512xi32, #tpu.memory_space<vmem>>
    %dma_start3A_64 = arith.constant 0 : i32
    %dma_start3A_65 = arith.constant 0 : i32
    %dma_start3A_66 = tpu.memref_slice %arg7[%arg0, %dma_start3A_64, %dma_start3A_65] : memref<2x10240x16xf32, #tpu.memory_space<hbm>> -> memref<1x10240x16xf32, #tpu.memory_space<hbm>>
    %dma_start3A_67 = tpu.memref_squeeze %dma_start3A_66 : memref<1x10240x16xf32, #tpu.memory_space<hbm>> -> memref<10240x16xf32, #tpu.memory_space<hbm>>
    %dma_start3A_68 = arith.constant 0 : i32
    %dma_start3A_69 = arith.constant 0 : i32
    %dma_start3A_70 = tpu.memref_slice %dma_start3A_67[%dma_start3A_68, %dma_start3A_69] : memref<10240x16xf32, #tpu.memory_space<hbm>> -> memref<10240x16xf32, #tpu.memory_space<hbm>>
    tpu.enqueue_indirect_dma source(%dma_start3A_70 : memref<10240x16xf32, #tpu.memory_space<hbm>>) target(%arg12 : memref<512x16xf32, #tpu.memory_space<vmem>>) offsets(%dma_start3A_63 : memref<512xi32, #tpu.memory_space<vmem>>) semaphore(%arg23 : memref<!tpu.dma_semaphore, #tpu.memory_space<semaphore_mem>>)
    %dma_wait3A_71 = arith.constant 0 : i32
    %dma_wait3A_72 = arith.constant 0 : i32
    %dma_wait3A_73 = tpu.memref_slice %arg9[%dma_wait3A_71, %dma_wait3A_72] : memref<40x512xi32, #tpu.memory_space<vmem>> -> memref<1x512xi32, #tpu.memory_space<vmem>>
    %dma_wait3A_74 = tpu.memref_squeeze %dma_wait3A_73 : memref<1x512xi32, #tpu.memory_space<vmem>> -> memref<512xi32, #tpu.memory_space<vmem>>
    %dma_wait3A_75 = arith.constant 0 : i32
    %dma_wait3A_76 = arith.constant 0 : i32
    %dma_wait3A_77 = tpu.memref_slice %arg7[%arg0, %dma_wait3A_75, %dma_wait3A_76] : memref<2x10240x16xf32, #tpu.memory_space<hbm>> -> memref<1x10240x16xf32, #tpu.memory_space<hbm>>
    %dma_wait3A_78 = tpu.memref_squeeze %dma_wait3A_77 : memref<1x10240x16xf32, #tpu.memory_space<hbm>> -> memref<10240x16xf32, #tpu.memory_space<hbm>>
    %dma_wait3A_79 = arith.constant 0 : i32
    %dma_wait3A_80 = arith.constant 0 : i32
    %dma_wait3A_81 = tpu.memref_slice %dma_wait3A_78[%dma_wait3A_79, %dma_wait3A_80] : memref<10240x16xf32, #tpu.memory_space<hbm>> -> memref<10240x16xf32, #tpu.memory_space<hbm>>
    tpu.wait_indirect_dma semaphore(%arg22 : memref<!tpu.dma_semaphore, #tpu.memory_space<semaphore_mem>>) src(%dma_wait3A_81 : memref<10240x16xf32, #tpu.memory_space<hbm>>) dst(%arg11 : memref<512x16xf32, #tpu.memory_space<vmem>>)
    %dma_start3A_82 = arith.constant 0 : i32
    %dma_start3A_83 = arith.constant 0 : i32
    %dma_start3A_84 = tpu.memref_slice %arg10[%dma_start3A_82, %dma_start3A_83] : memref<40x512xi32, #tpu.memory_space<vmem>> -> memref<1x512xi32, #tpu.memory_space<vmem>>
    %dma_start3A_85 = tpu.memref_squeeze %dma_start3A_84 : memref<1x512xi32, #tpu.memory_space<vmem>> -> memref<512xi32, #tpu.memory_space<vmem>>
    %dma_start3A_86 = arith.constant 0 : i32
    %dma_start3A_87 = arith.constant 0 : i32
    %dma_start3A_88 = tpu.memref_slice %arg21[%dma_start3A_86, %dma_start3A_87] : memref<10240x16xf32, #tpu.memory_space<vmem_shared>> -> memref<10240x16xf32, #tpu.memory_space<vmem_shared>>
    tpu.enqueue_indirect_dma source(%arg11 : memref<512x16xf32, #tpu.memory_space<vmem>>) target(%dma_start3A_88 : memref<10240x16xf32, #tpu.memory_space<vmem_shared>>) offsets(%dma_start3A_85 : memref<512xi32, #tpu.memory_space<vmem>>) semaphore(%arg26 : memref<!tpu.dma_semaphore, #tpu.memory_space<semaphore_mem>>) {add = true}
    %dma_start3A_89 = arith.constant 2 : i32
    %dma_start3A_90 = arith.constant 0 : i32
    %dma_start3A_91 = tpu.memref_slice %arg9[%dma_start3A_89, %dma_start3A_90] : memref<40x512xi32, #tpu.memory_space<vmem>> -> memref<1x512xi32, #tpu.memory_space<vmem>>
    %dma_start3A_92 = tpu.memref_squeeze %dma_start3A_91 : memref<1x512xi32, #tpu.memory_space<vmem>> -> memref<512xi32, #tpu.memory_space<vmem>>
    %dma_start3A_93 = arith.constant 0 : i32
    %dma_start3A_94 = arith.constant 0 : i32
    %dma_start3A_95 = tpu.memref_slice %arg7[%arg0, %dma_start3A_93, %dma_start3A_94] : memref<2x10240x16xf32, #tpu.memory_space<hbm>> -> memref<1x10240x16xf32, #tpu.memory_space<hbm>>
    %dma_start3A_96 = tpu.memref_squeeze %dma_start3A_95 : memref<1x10240x16xf32, #tpu.memory_space<hbm>> -> memref<10240x16xf32, #tpu.memory_space<hbm>>
    %dma_start3A_97 = arith.constant 0 : i32
    %dma_start3A_98 = arith.constant 0 : i32
    %dma_start3A_99 = tpu.memref_slice %dma_start3A_96[%dma_start3A_97, %dma_start3A_98] : memref<10240x16xf32, #tpu.memory_space<hbm>> -> memref<10240x16xf32, #tpu.memory_space<hbm>>
    tpu.enqueue_indirect_dma source(%dma_start3A_99 : memref<10240x16xf32, #tpu.memory_space<hbm>>) target(%arg13 : memref<512x16xf32, #tpu.memory_space<vmem>>) offsets(%dma_start3A_92 : memref<512xi32, #tpu.memory_space<vmem>>) semaphore(%arg24 : memref<!tpu.dma_semaphore, #tpu.memory_space<semaphore_mem>>)
    %dma_wait3A_100 = arith.constant 1 : i32
    %dma_wait3A_101 = arith.constant 0 : i32
    %dma_wait3A_102 = tpu.memref_slice %arg9[%dma_wait3A_100, %dma_wait3A_101] : memref<40x512xi32, #tpu.memory_space<vmem>> -> memref<1x512xi32, #tpu.memory_space<vmem>>
    %dma_wait3A_103 = tpu.memref_squeeze %dma_wait3A_102 : memref<1x512xi32, #tpu.memory_space<vmem>> -> memref<512xi32, #tpu.memory_space<vmem>>
    %dma_wait3A_104 = arith.constant 0 : i32
    %dma_wait3A_105 = arith.constant 0 : i32
    %dma_wait3A_106 = tpu.memref_slice %arg7[%arg0, %dma_wait3A_104, %dma_wait3A_105] : memref<2x10240x16xf32, #tpu.memory_space<hbm>> -> memref<1x10240x16xf32, #tpu.memory_space<hbm>>
    %dma_wait3A_107 = tpu.memref_squeeze %dma_wait3A_106 : memref<1x10240x16xf32, #tpu.memory_space<hbm>> -> memref<10240x16xf32, #tpu.memory_space<hbm>>
    %dma_wait3A_108 = arith.constant 0 : i32
    %dma_wait3A_109 = arith.constant 0 : i32
    %dma_wait3A_110 = tpu.memref_slice %dma_wait3A_107[%dma_wait3A_108, %dma_wait3A_109] : memref<10240x16xf32, #tpu.memory_space<hbm>> -> memref<10240x16xf32, #tpu.memory_space<hbm>>
    tpu.wait_indirect_dma semaphore(%arg23 : memref<!tpu.dma_semaphore, #tpu.memory_space<semaphore_mem>>) src(%dma_wait3A_110 : memref<10240x16xf32, #tpu.memory_space<hbm>>) dst(%arg12 : memref<512x16xf32, #tpu.memory_space<vmem>>)
    %dma_start3A_111 = arith.constant 1 : i32
    %dma_start3A_112 = arith.constant 0 : i32
    %dma_start3A_113 = tpu.memref_slice %arg10[%dma_start3A_111, %dma_start3A_112] : memref<40x512xi32, #tpu.memory_space<vmem>> -> memref<1x512xi32, #tpu.memory_space<vmem>>
    %dma_start3A_114 = tpu.memref_squeeze %dma_start3A_113 : memref<1x512xi32, #tpu.memory_space<vmem>> -> memref<512xi32, #tpu.memory_space<vmem>>
    %dma_start3A_115 = arith.constant 0 : i32
    %dma_start3A_116 = arith.constant 0 : i32
    %dma_start3A_117 = tpu.memref_slice %arg21[%dma_start3A_115, %dma_start3A_116] : memref<10240x16xf32, #tpu.memory_space<vmem_shared>> -> memref<10240x16xf32, #tpu.memory_space<vmem_shared>>
    tpu.enqueue_indirect_dma source(%arg12 : memref<512x16xf32, #tpu.memory_space<vmem>>) target(%dma_start3A_117 : memref<10240x16xf32, #tpu.memory_space<vmem_shared>>) offsets(%dma_start3A_114 : memref<512xi32, #tpu.memory_space<vmem>>) semaphore(%arg27 : memref<!tpu.dma_semaphore, #tpu.memory_space<semaphore_mem>>) {add = true}
    %dma_start3A_118 = arith.constant 3 : i32
    %dma_start3A_119 = arith.constant 0 : i32
    %dma_start3A_120 = tpu.memref_slice %arg9[%dma_start3A_118, %dma_start3A_119] : memref<40x512xi32, #tpu.memory_space<vmem>> -> memref<1x512xi32, #tpu.memory_space<vmem>>
    %dma_start3A_121 = tpu.memref_squeeze %dma_start3A_120 : memref<1x512xi32, #tpu.memory_space<vmem>> -> memref<512xi32, #tpu.memory_space<vmem>>
    %dma_start3A_122 = arith.constant 0 : i32
    %dma_start3A_123 = arith.constant 0 : i32
    %dma_start3A_124 = tpu.memref_slice %arg7[%arg0, %dma_start3A_122, %dma_start3A_123] : memref<2x10240x16xf32, #tpu.memory_space<hbm>> -> memref<1x10240x16xf32, #tpu.memory_space<hbm>>
    %dma_start3A_125 = tpu.memref_squeeze %dma_start3A_124 : memref<1x10240x16xf32, #tpu.memory_space<hbm>> -> memref<10240x16xf32, #tpu.memory_space<hbm>>
    %dma_start3A_126 = arith.constant 0 : i32
    %dma_start3A_127 = arith.constant 0 : i32
    %dma_start3A_128 = tpu.memref_slice %dma_start3A_125[%dma_start3A_126, %dma_start3A_127] : memref<10240x16xf32, #tpu.memory_space<hbm>> -> memref<10240x16xf32, #tpu.memory_space<hbm>>
    tpu.enqueue_indirect_dma source(%dma_start3A_128 : memref<10240x16xf32, #tpu.memory_space<hbm>>) target(%arg14 : memref<512x16xf32, #tpu.memory_space<vmem>>) offsets(%dma_start3A_121 : memref<512xi32, #tpu.memory_space<vmem>>) semaphore(%arg25 : memref<!tpu.dma_semaphore, #tpu.memory_space<semaphore_mem>>)
    %scan3A_129 = arith.constant 0 : i32
    %scan3A_130 = arith.constant 0 : i32
    %scan3A_131 = arith.constant 9 : i32
    %scan3A_132 = arith.addi %scan3A_130, %scan3A_131 : i32
    %scan3A_133 = arith.constant 1 : i32
    scf.for %scan3A_364 = %scan3A_130 to %scan3A_132 step %scan3A_133  : i32 {
      %mul3A_365 = arith.constant 4 : i32
      %mul3A_366 = arith.muli %mul3A_365, %scan3A_364 : i32
      %add3A = arith.constant 2 : i32
      %add3A_367 = arith.addi %mul3A_366, %add3A : i32
      %add3A_368 = arith.constant 0 : i32
      %add3A_369 = arith.addi %add3A_367, %add3A_368 : i32
      %dma_wait3A_370 = arith.constant 0 : i32
      %dma_wait3A_371 = tpu.memref_slice %arg9[%add3A_369, %dma_wait3A_370] : memref<40x512xi32, #tpu.memory_space<vmem>> -> memref<1x512xi32, #tpu.memory_space<vmem>>
      %dma_wait3A_372 = tpu.memref_squeeze %dma_wait3A_371 : memref<1x512xi32, #tpu.memory_space<vmem>> -> memref<512xi32, #tpu.memory_space<vmem>>
      %dma_wait3A_373 = arith.constant 0 : i32
      %dma_wait3A_374 = arith.constant 0 : i32
      %dma_wait3A_375 = tpu.memref_slice %arg7[%arg0, %dma_wait3A_373, %dma_wait3A_374] : memref<2x10240x16xf32, #tpu.memory_space<hbm>> -> memref<1x10240x16xf32, #tpu.memory_space<hbm>>
      %dma_wait3A_376 = tpu.memref_squeeze %dma_wait3A_375 : memref<1x10240x16xf32, #tpu.memory_space<hbm>> -> memref<10240x16xf32, #tpu.memory_space<hbm>>
      %dma_wait3A_377 = arith.constant 0 : i32
      %dma_wait3A_378 = arith.constant 0 : i32
      %dma_wait3A_379 = tpu.memref_slice %dma_wait3A_376[%dma_wait3A_377, %dma_wait3A_378] : memref<10240x16xf32, #tpu.memory_space<hbm>> -> memref<10240x16xf32, #tpu.memory_space<hbm>>
      tpu.wait_indirect_dma semaphore(%arg24 : memref<!tpu.dma_semaphore, #tpu.memory_space<semaphore_mem>>) src(%dma_wait3A_379 : memref<10240x16xf32, #tpu.memory_space<hbm>>) dst(%arg13 : memref<512x16xf32, #tpu.memory_space<vmem>>)
      %dma_start3A_380 = arith.constant 0 : i32
      %dma_start3A_381 = tpu.memref_slice %arg10[%add3A_369, %dma_start3A_380] : memref<40x512xi32, #tpu.memory_space<vmem>> -> memref<1x512xi32, #tpu.memory_space<vmem>>
      %dma_start3A_382 = tpu.memref_squeeze %dma_start3A_381 : memref<1x512xi32, #tpu.memory_space<vmem>> -> memref<512xi32, #tpu.memory_space<vmem>>
      %dma_start3A_383 = arith.constant 0 : i32
      %dma_start3A_384 = arith.constant 0 : i32
      %dma_start3A_385 = tpu.memref_slice %arg21[%dma_start3A_383, %dma_start3A_384] : memref<10240x16xf32, #tpu.memory_space<vmem_shared>> -> memref<10240x16xf32, #tpu.memory_space<vmem_shared>>
      tpu.enqueue_indirect_dma source(%arg13 : memref<512x16xf32, #tpu.memory_space<vmem>>) target(%dma_start3A_385 : memref<10240x16xf32, #tpu.memory_space<vmem_shared>>) offsets(%dma_start3A_382 : memref<512xi32, #tpu.memory_space<vmem>>) semaphore(%arg28 : memref<!tpu.dma_semaphore, #tpu.memory_space<semaphore_mem>>) {add = true}
      %sub3A = arith.constant 2 : i32
      %sub3A_386 = arith.subi %add3A_369, %sub3A : i32
      %dma_wait3A_387 = arith.constant 0 : i32
      %dma_wait3A_388 = tpu.memref_slice %arg10[%sub3A_386, %dma_wait3A_387] : memref<40x512xi32, #tpu.memory_space<vmem>> -> memref<1x512xi32, #tpu.memory_space<vmem>>
      %dma_wait3A_389 = tpu.memref_squeeze %dma_wait3A_388 : memref<1x512xi32, #tpu.memory_space<vmem>> -> memref<512xi32, #tpu.memory_space<vmem>>
      %dma_wait3A_390 = arith.constant 0 : i32
      %dma_wait3A_391 = arith.constant 0 : i32
      %dma_wait3A_392 = tpu.memref_slice %arg21[%dma_wait3A_390, %dma_wait3A_391] : memref<10240x16xf32, #tpu.memory_space<vmem_shared>> -> memref<10240x16xf32, #tpu.memory_space<vmem_shared>>
      tpu.wait_indirect_dma semaphore(%arg26 : memref<!tpu.dma_semaphore, #tpu.memory_space<semaphore_mem>>) src(%arg11 : memref<512x16xf32, #tpu.memory_space<vmem>>) dst(%dma_wait3A_392 : memref<10240x16xf32, #tpu.memory_space<vmem_shared>>)
      %add3A_393 = arith.constant 2 : i32
      %add3A_394 = arith.addi %add3A_369, %add3A_393 : i32
      %dma_start3A_395 = arith.constant 0 : i32
      %dma_start3A_396 = tpu.memref_slice %arg9[%add3A_394, %dma_start3A_395] : memref<40x512xi32, #tpu.memory_space<vmem>> -> memref<1x512xi32, #tpu.memory_space<vmem>>
      %dma_start3A_397 = tpu.memref_squeeze %dma_start3A_396 : memref<1x512xi32, #tpu.memory_space<vmem>> -> memref<512xi32, #tpu.memory_space<vmem>>
      %dma_start3A_398 = arith.constant 0 : i32
      %dma_start3A_399 = arith.constant 0 : i32
      %dma_start3A_400 = tpu.memref_slice %arg7[%arg0, %dma_start3A_398, %dma_start3A_399] : memref<2x10240x16xf32, #tpu.memory_space<hbm>> -> memref<1x10240x16xf32, #tpu.memory_space<hbm>>
      %dma_start3A_401 = tpu.memref_squeeze %dma_start3A_400 : memref<1x10240x16xf32, #tpu.memory_space<hbm>> -> memref<10240x16xf32, #tpu.memory_space<hbm>>
      %dma_start3A_402 = arith.constant 0 : i32
      %dma_start3A_403 = arith.constant 0 : i32
      %dma_start3A_404 = tpu.memref_slice %dma_start3A_401[%dma_start3A_402, %dma_start3A_403] : memref<10240x16xf32, #tpu.memory_space<hbm>> -> memref<10240x16xf32, #tpu.memory_space<hbm>>
      tpu.enqueue_indirect_dma source(%dma_start3A_404 : memref<10240x16xf32, #tpu.memory_space<hbm>>) target(%arg11 : memref<512x16xf32, #tpu.memory_space<vmem>>) offsets(%dma_start3A_397 : memref<512xi32, #tpu.memory_space<vmem>>) semaphore(%arg22 : memref<!tpu.dma_semaphore, #tpu.memory_space<semaphore_mem>>)
      %add3A_405 = arith.constant 1 : i32
      %add3A_406 = arith.addi %add3A_367, %add3A_405 : i32
      %dma_wait3A_407 = arith.constant 0 : i32
      %dma_wait3A_408 = tpu.memref_slice %arg9[%add3A_406, %dma_wait3A_407] : memref<40x512xi32, #tpu.memory_space<vmem>> -> memref<1x512xi32, #tpu.memory_space<vmem>>
      %dma_wait3A_409 = tpu.memref_squeeze %dma_wait3A_408 : memref<1x512xi32, #tpu.memory_space<vmem>> -> memref<512xi32, #tpu.memory_space<vmem>>
      %dma_wait3A_410 = arith.constant 0 : i32
      %dma_wait3A_411 = arith.constant 0 : i32
      %dma_wait3A_412 = tpu.memref_slice %arg7[%arg0, %dma_wait3A_410, %dma_wait3A_411] : memref<2x10240x16xf32, #tpu.memory_space<hbm>> -> memref<1x10240x16xf32, #tpu.memory_space<hbm>>
      %dma_wait3A_413 = tpu.memref_squeeze %dma_wait3A_412 : memref<1x10240x16xf32, #tpu.memory_space<hbm>> -> memref<10240x16xf32, #tpu.memory_space<hbm>>
      %dma_wait3A_414 = arith.constant 0 : i32
      %dma_wait3A_415 = arith.constant 0 : i32
      %dma_wait3A_416 = tpu.memref_slice %dma_wait3A_413[%dma_wait3A_414, %dma_wait3A_415] : memref<10240x16xf32, #tpu.memory_space<hbm>> -> memref<10240x16xf32, #tpu.memory_space<hbm>>
      tpu.wait_indirect_dma semaphore(%arg25 : memref<!tpu.dma_semaphore, #tpu.memory_space<semaphore_mem>>) src(%dma_wait3A_416 : memref<10240x16xf32, #tpu.memory_space<hbm>>) dst(%arg14 : memref<512x16xf32, #tpu.memory_space<vmem>>)
      %dma_start3A_417 = arith.constant 0 : i32
      %dma_start3A_418 = tpu.memref_slice %arg10[%add3A_406, %dma_start3A_417] : memref<40x512xi32, #tpu.memory_space<vmem>> -> memref<1x512xi32, #tpu.memory_space<vmem>>
      %dma_start3A_419 = tpu.memref_squeeze %dma_start3A_418 : memref<1x512xi32, #tpu.memory_space<vmem>> -> memref<512xi32, #tpu.memory_space<vmem>>
      %dma_start3A_420 = arith.constant 0 : i32
      %dma_start3A_421 = arith.constant 0 : i32
      %dma_start3A_422 = tpu.memref_slice %arg21[%dma_start3A_420, %dma_start3A_421] : memref<10240x16xf32, #tpu.memory_space<vmem_shared>> -> memref<10240x16xf32, #tpu.memory_space<vmem_shared>>
      tpu.enqueue_indirect_dma source(%arg14 : memref<512x16xf32, #tpu.memory_space<vmem>>) target(%dma_start3A_422 : memref<10240x16xf32, #tpu.memory_space<vmem_shared>>) offsets(%dma_start3A_419 : memref<512xi32, #tpu.memory_space<vmem>>) semaphore(%arg29 : memref<!tpu.dma_semaphore, #tpu.memory_space<semaphore_mem>>) {add = true}
      %sub3A_423 = arith.constant 2 : i32
      %sub3A_424 = arith.subi %add3A_406, %sub3A_423 : i32
      %dma_wait3A_425 = arith.constant 0 : i32
      %dma_wait3A_426 = tpu.memref_slice %arg10[%sub3A_424, %dma_wait3A_425] : memref<40x512xi32, #tpu.memory_space<vmem>> -> memref<1x512xi32, #tpu.memory_space<vmem>>
      %dma_wait3A_427 = tpu.memref_squeeze %dma_wait3A_426 : memref<1x512xi32, #tpu.memory_space<vmem>> -> memref<512xi32, #tpu.memory_space<vmem>>
      %dma_wait3A_428 = arith.constant 0 : i32
      %dma_wait3A_429 = arith.constant 0 : i32
      %dma_wait3A_430 = tpu.memref_slice %arg21[%dma_wait3A_428, %dma_wait3A_429] : memref<10240x16xf32, #tpu.memory_space<vmem_shared>> -> memref<10240x16xf32, #tpu.memory_space<vmem_shared>>
      tpu.wait_indirect_dma semaphore(%arg27 : memref<!tpu.dma_semaphore, #tpu.memory_space<semaphore_mem>>) src(%arg12 : memref<512x16xf32, #tpu.memory_space<vmem>>) dst(%dma_wait3A_430 : memref<10240x16xf32, #tpu.memory_space<vmem_shared>>)
      %add3A_431 = arith.constant 2 : i32
      %add3A_432 = arith.addi %add3A_406, %add3A_431 : i32
      %dma_start3A_433 = arith.constant 0 : i32
      %dma_start3A_434 = tpu.memref_slice %arg9[%add3A_432, %dma_start3A_433] : memref<40x512xi32, #tpu.memory_space<vmem>> -> memref<1x512xi32, #tpu.memory_space<vmem>>
      %dma_start3A_435 = tpu.memref_squeeze %dma_start3A_434 : memref<1x512xi32, #tpu.memory_space<vmem>> -> memref<512xi32, #tpu.memory_space<vmem>>
      %dma_start3A_436 = arith.constant 0 : i32
      %dma_start3A_437 = arith.constant 0 : i32
      %dma_start3A_438 = tpu.memref_slice %arg7[%arg0, %dma_start3A_436, %dma_start3A_437] : memref<2x10240x16xf32, #tpu.memory_space<hbm>> -> memref<1x10240x16xf32, #tpu.memory_space<hbm>>
      %dma_start3A_439 = tpu.memref_squeeze %dma_start3A_438 : memref<1x10240x16xf32, #tpu.memory_space<hbm>> -> memref<10240x16xf32, #tpu.memory_space<hbm>>
      %dma_start3A_440 = arith.constant 0 : i32
      %dma_start3A_441 = arith.constant 0 : i32
      %dma_start3A_442 = tpu.memref_slice %dma_start3A_439[%dma_start3A_440, %dma_start3A_441] : memref<10240x16xf32, #tpu.memory_space<hbm>> -> memref<10240x16xf32, #tpu.memory_space<hbm>>
      tpu.enqueue_indirect_dma source(%dma_start3A_442 : memref<10240x16xf32, #tpu.memory_space<hbm>>) target(%arg12 : memref<512x16xf32, #tpu.memory_space<vmem>>) offsets(%dma_start3A_435 : memref<512xi32, #tpu.memory_space<vmem>>) semaphore(%arg23 : memref<!tpu.dma_semaphore, #tpu.memory_space<semaphore_mem>>)
      %add3A_443 = arith.constant 2 : i32
      %add3A_444 = arith.addi %add3A_367, %add3A_443 : i32
      %dma_wait3A_445 = arith.constant 0 : i32
      %dma_wait3A_446 = tpu.memref_slice %arg9[%add3A_444, %dma_wait3A_445] : memref<40x512xi32, #tpu.memory_space<vmem>> -> memref<1x512xi32, #tpu.memory_space<vmem>>
      %dma_wait3A_447 = tpu.memref_squeeze %dma_wait3A_446 : memref<1x512xi32, #tpu.memory_space<vmem>> -> memref<512xi32, #tpu.memory_space<vmem>>
      %dma_wait3A_448 = arith.constant 0 : i32
      %dma_wait3A_449 = arith.constant 0 : i32
      %dma_wait3A_450 = tpu.memref_slice %arg7[%arg0, %dma_wait3A_448, %dma_wait3A_449] : memref<2x10240x16xf32, #tpu.memory_space<hbm>> -> memref<1x10240x16xf32, #tpu.memory_space<hbm>>
      %dma_wait3A_451 = tpu.memref_squeeze %dma_wait3A_450 : memref<1x10240x16xf32, #tpu.memory_space<hbm>> -> memref<10240x16xf32, #tpu.memory_space<hbm>>
      %dma_wait3A_452 = arith.constant 0 : i32
      %dma_wait3A_453 = arith.constant 0 : i32
      %dma_wait3A_454 = tpu.memref_slice %dma_wait3A_451[%dma_wait3A_452, %dma_wait3A_453] : memref<10240x16xf32, #tpu.memory_space<hbm>> -> memref<10240x16xf32, #tpu.memory_space<hbm>>
      tpu.wait_indirect_dma semaphore(%arg22 : memref<!tpu.dma_semaphore, #tpu.memory_space<semaphore_mem>>) src(%dma_wait3A_454 : memref<10240x16xf32, #tpu.memory_space<hbm>>) dst(%arg11 : memref<512x16xf32, #tpu.memory_space<vmem>>)
      %dma_start3A_455 = arith.constant 0 : i32
      %dma_start3A_456 = tpu.memref_slice %arg10[%add3A_444, %dma_start3A_455] : memref<40x512xi32, #tpu.memory_space<vmem>> -> memref<1x512xi32, #tpu.memory_space<vmem>>
      %dma_start3A_457 = tpu.memref_squeeze %dma_start3A_456 : memref<1x512xi32, #tpu.memory_space<vmem>> -> memref<512xi32, #tpu.memory_space<vmem>>
      %dma_start3A_458 = arith.constant 0 : i32
      %dma_start3A_459 = arith.constant 0 : i32
      %dma_start3A_460 = tpu.memref_slice %arg21[%dma_start3A_458, %dma_start3A_459] : memref<10240x16xf32, #tpu.memory_space<vmem_shared>> -> memref<10240x16xf32, #tpu.memory_space<vmem_shared>>
      tpu.enqueue_indirect_dma source(%arg11 : memref<512x16xf32, #tpu.memory_space<vmem>>) target(%dma_start3A_460 : memref<10240x16xf32, #tpu.memory_space<vmem_shared>>) offsets(%dma_start3A_457 : memref<512xi32, #tpu.memory_space<vmem>>) semaphore(%arg26 : memref<!tpu.dma_semaphore, #tpu.memory_space<semaphore_mem>>) {add = true}
      %sub3A_461 = arith.constant 2 : i32
      %sub3A_462 = arith.subi %add3A_444, %sub3A_461 : i32
      %dma_wait3A_463 = arith.constant 0 : i32
      %dma_wait3A_464 = tpu.memref_slice %arg10[%sub3A_462, %dma_wait3A_463] : memref<40x512xi32, #tpu.memory_space<vmem>> -> memref<1x512xi32, #tpu.memory_space<vmem>>
      %dma_wait3A_465 = tpu.memref_squeeze %dma_wait3A_464 : memref<1x512xi32, #tpu.memory_space<vmem>> -> memref<512xi32, #tpu.memory_space<vmem>>
      %dma_wait3A_466 = arith.constant 0 : i32
      %dma_wait3A_467 = arith.constant 0 : i32
      %dma_wait3A_468 = tpu.memref_slice %arg21[%dma_wait3A_466, %dma_wait3A_467] : memref<10240x16xf32, #tpu.memory_space<vmem_shared>> -> memref<10240x16xf32, #tpu.memory_space<vmem_shared>>
      tpu.wait_indirect_dma semaphore(%arg28 : memref<!tpu.dma_semaphore, #tpu.memory_space<semaphore_mem>>) src(%arg13 : memref<512x16xf32, #tpu.memory_space<vmem>>) dst(%dma_wait3A_468 : memref<10240x16xf32, #tpu.memory_space<vmem_shared>>)
      %add3A_469 = arith.constant 2 : i32
      %add3A_470 = arith.addi %add3A_444, %add3A_469 : i32
      %dma_start3A_471 = arith.constant 0 : i32
      %dma_start3A_472 = tpu.memref_slice %arg9[%add3A_470, %dma_start3A_471] : memref<40x512xi32, #tpu.memory_space<vmem>> -> memref<1x512xi32, #tpu.memory_space<vmem>>
      %dma_start3A_473 = tpu.memref_squeeze %dma_start3A_472 : memref<1x512xi32, #tpu.memory_space<vmem>> -> memref<512xi32, #tpu.memory_space<vmem>>
      %dma_start3A_474 = arith.constant 0 : i32
      %dma_start3A_475 = arith.constant 0 : i32
      %dma_start3A_476 = tpu.memref_slice %arg7[%arg0, %dma_start3A_474, %dma_start3A_475] : memref<2x10240x16xf32, #tpu.memory_space<hbm>> -> memref<1x10240x16xf32, #tpu.memory_space<hbm>>
      %dma_start3A_477 = tpu.memref_squeeze %dma_start3A_476 : memref<1x10240x16xf32, #tpu.memory_space<hbm>> -> memref<10240x16xf32, #tpu.memory_space<hbm>>
      %dma_start3A_478 = arith.constant 0 : i32
      %dma_start3A_479 = arith.constant 0 : i32
      %dma_start3A_480 = tpu.memref_slice %dma_start3A_477[%dma_start3A_478, %dma_start3A_479] : memref<10240x16xf32, #tpu.memory_space<hbm>> -> memref<10240x16xf32, #tpu.memory_space<hbm>>
      tpu.enqueue_indirect_dma source(%dma_start3A_480 : memref<10240x16xf32, #tpu.memory_space<hbm>>) target(%arg13 : memref<512x16xf32, #tpu.memory_space<vmem>>) offsets(%dma_start3A_473 : memref<512xi32, #tpu.memory_space<vmem>>) semaphore(%arg24 : memref<!tpu.dma_semaphore, #tpu.memory_space<semaphore_mem>>)
      %add3A_481 = arith.constant 3 : i32
      %add3A_482 = arith.addi %add3A_367, %add3A_481 : i32
      %dma_wait3A_483 = arith.constant 0 : i32
      %dma_wait3A_484 = tpu.memref_slice %arg9[%add3A_482, %dma_wait3A_483] : memref<40x512xi32, #tpu.memory_space<vmem>> -> memref<1x512xi32, #tpu.memory_space<vmem>>
      %dma_wait3A_485 = tpu.memref_squeeze %dma_wait3A_484 : memref<1x512xi32, #tpu.memory_space<vmem>> -> memref<512xi32, #tpu.memory_space<vmem>>
      %dma_wait3A_486 = arith.constant 0 : i32
      %dma_wait3A_487 = arith.constant 0 : i32
      %dma_wait3A_488 = tpu.memref_slice %arg7[%arg0, %dma_wait3A_486, %dma_wait3A_487] : memref<2x10240x16xf32, #tpu.memory_space<hbm>> -> memref<1x10240x16xf32, #tpu.memory_space<hbm>>
      %dma_wait3A_489 = tpu.memref_squeeze %dma_wait3A_488 : memref<1x10240x16xf32, #tpu.memory_space<hbm>> -> memref<10240x16xf32, #tpu.memory_space<hbm>>
      %dma_wait3A_490 = arith.constant 0 : i32
      %dma_wait3A_491 = arith.constant 0 : i32
      %dma_wait3A_492 = tpu.memref_slice %dma_wait3A_489[%dma_wait3A_490, %dma_wait3A_491] : memref<10240x16xf32, #tpu.memory_space<hbm>> -> memref<10240x16xf32, #tpu.memory_space<hbm>>
      tpu.wait_indirect_dma semaphore(%arg23 : memref<!tpu.dma_semaphore, #tpu.memory_space<semaphore_mem>>) src(%dma_wait3A_492 : memref<10240x16xf32, #tpu.memory_space<hbm>>) dst(%arg12 : memref<512x16xf32, #tpu.memory_space<vmem>>)
      %dma_start3A_493 = arith.constant 0 : i32
      %dma_start3A_494 = tpu.memref_slice %arg10[%add3A_482, %dma_start3A_493] : memref<40x512xi32, #tpu.memory_space<vmem>> -> memref<1x512xi32, #tpu.memory_space<vmem>>
      %dma_start3A_495 = tpu.memref_squeeze %dma_start3A_494 : memref<1x512xi32, #tpu.memory_space<vmem>> -> memref<512xi32, #tpu.memory_space<vmem>>
      %dma_start3A_496 = arith.constant 0 : i32
      %dma_start3A_497 = arith.constant 0 : i32
      %dma_start3A_498 = tpu.memref_slice %arg21[%dma_start3A_496, %dma_start3A_497] : memref<10240x16xf32, #tpu.memory_space<vmem_shared>> -> memref<10240x16xf32, #tpu.memory_space<vmem_shared>>
      tpu.enqueue_indirect_dma source(%arg12 : memref<512x16xf32, #tpu.memory_space<vmem>>) target(%dma_start3A_498 : memref<10240x16xf32, #tpu.memory_space<vmem_shared>>) offsets(%dma_start3A_495 : memref<512xi32, #tpu.memory_space<vmem>>) semaphore(%arg27 : memref<!tpu.dma_semaphore, #tpu.memory_space<semaphore_mem>>) {add = true}
      %sub3A_499 = arith.constant 2 : i32
      %sub3A_500 = arith.subi %add3A_482, %sub3A_499 : i32
      %dma_wait3A_501 = arith.constant 0 : i32
      %dma_wait3A_502 = tpu.memref_slice %arg10[%sub3A_500, %dma_wait3A_501] : memref<40x512xi32, #tpu.memory_space<vmem>> -> memref<1x512xi32, #tpu.memory_space<vmem>>
      %dma_wait3A_503 = tpu.memref_squeeze %dma_wait3A_502 : memref<1x512xi32, #tpu.memory_space<vmem>> -> memref<512xi32, #tpu.memory_space<vmem>>
      %dma_wait3A_504 = arith.constant 0 : i32
      %dma_wait3A_505 = arith.constant 0 : i32
      %dma_wait3A_506 = tpu.memref_slice %arg21[%dma_wait3A_504, %dma_wait3A_505] : memref<10240x16xf32, #tpu.memory_space<vmem_shared>> -> memref<10240x16xf32, #tpu.memory_space<vmem_shared>>
      tpu.wait_indirect_dma semaphore(%arg29 : memref<!tpu.dma_semaphore, #tpu.memory_space<semaphore_mem>>) src(%arg14 : memref<512x16xf32, #tpu.memory_space<vmem>>) dst(%dma_wait3A_506 : memref<10240x16xf32, #tpu.memory_space<vmem_shared>>)
      %add3A_507 = arith.constant 2 : i32
      %add3A_508 = arith.addi %add3A_482, %add3A_507 : i32
      %dma_start3A_509 = arith.constant 0 : i32
      %dma_start3A_510 = tpu.memref_slice %arg9[%add3A_508, %dma_start3A_509] : memref<40x512xi32, #tpu.memory_space<vmem>> -> memref<1x512xi32, #tpu.memory_space<vmem>>
      %dma_start3A_511 = tpu.memref_squeeze %dma_start3A_510 : memref<1x512xi32, #tpu.memory_space<vmem>> -> memref<512xi32, #tpu.memory_space<vmem>>
      %dma_start3A_512 = arith.constant 0 : i32
      %dma_start3A_513 = arith.constant 0 : i32
      %dma_start3A_514 = tpu.memref_slice %arg7[%arg0, %dma_start3A_512, %dma_start3A_513] : memref<2x10240x16xf32, #tpu.memory_space<hbm>> -> memref<1x10240x16xf32, #tpu.memory_space<hbm>>
      %dma_start3A_515 = tpu.memref_squeeze %dma_start3A_514 : memref<1x10240x16xf32, #tpu.memory_space<hbm>> -> memref<10240x16xf32, #tpu.memory_space<hbm>>
      %dma_start3A_516 = arith.constant 0 : i32
      %dma_start3A_517 = arith.constant 0 : i32
      %dma_start3A_518 = tpu.memref_slice %dma_start3A_515[%dma_start3A_516, %dma_start3A_517] : memref<10240x16xf32, #tpu.memory_space<hbm>> -> memref<10240x16xf32, #tpu.memory_space<hbm>>
      tpu.enqueue_indirect_dma source(%dma_start3A_518 : memref<10240x16xf32, #tpu.memory_space<hbm>>) target(%arg14 : memref<512x16xf32, #tpu.memory_space<vmem>>) offsets(%dma_start3A_511 : memref<512xi32, #tpu.memory_space<vmem>>) semaphore(%arg25 : memref<!tpu.dma_semaphore, #tpu.memory_space<semaphore_mem>>)
    }
    %scan3A_134 = arith.constant 9 : i32
    %dma_wait3A_135 = arith.constant 38 : i32
    %dma_wait3A_136 = arith.constant 0 : i32
    %dma_wait3A_137 = tpu.memref_slice %arg9[%dma_wait3A_135, %dma_wait3A_136] : memref<40x512xi32, #tpu.memory_space<vmem>> -> memref<1x512xi32, #tpu.memory_space<vmem>>
    %dma_wait3A_138 = tpu.memref_squeeze %dma_wait3A_137 : memref<1x512xi32, #tpu.memory_space<vmem>> -> memref<512xi32, #tpu.memory_space<vmem>>
    %dma_wait3A_139 = arith.constant 0 : i32
    %dma_wait3A_140 = arith.constant 0 : i32
    %dma_wait3A_141 = tpu.memref_slice %arg7[%arg0, %dma_wait3A_139, %dma_wait3A_140] : memref<2x10240x16xf32, #tpu.memory_space<hbm>> -> memref<1x10240x16xf32, #tpu.memory_space<hbm>>
    %dma_wait3A_142 = tpu.memref_squeeze %dma_wait3A_141 : memref<1x10240x16xf32, #tpu.memory_space<hbm>> -> memref<10240x16xf32, #tpu.memory_space<hbm>>
    %dma_wait3A_143 = arith.constant 0 : i32
    %dma_wait3A_144 = arith.constant 0 : i32
    %dma_wait3A_145 = tpu.memref_slice %dma_wait3A_142[%dma_wait3A_143, %dma_wait3A_144] : memref<10240x16xf32, #tpu.memory_space<hbm>> -> memref<10240x16xf32, #tpu.memory_space<hbm>>
    tpu.wait_indirect_dma semaphore(%arg24 : memref<!tpu.dma_semaphore, #tpu.memory_space<semaphore_mem>>) src(%dma_wait3A_145 : memref<10240x16xf32, #tpu.memory_space<hbm>>) dst(%arg13 : memref<512x16xf32, #tpu.memory_space<vmem>>)
    %dma_start3A_146 = arith.constant 38 : i32
    %dma_start3A_147 = arith.constant 0 : i32
    %dma_start3A_148 = tpu.memref_slice %arg10[%dma_start3A_146, %dma_start3A_147] : memref<40x512xi32, #tpu.memory_space<vmem>> -> memref<1x512xi32, #tpu.memory_space<vmem>>
    %dma_start3A_149 = tpu.memref_squeeze %dma_start3A_148 : memref<1x512xi32, #tpu.memory_space<vmem>> -> memref<512xi32, #tpu.memory_space<vmem>>
    %dma_start3A_150 = arith.constant 0 : i32
    %dma_start3A_151 = arith.constant 0 : i32
    %dma_start3A_152 = tpu.memref_slice %arg21[%dma_start3A_150, %dma_start3A_151] : memref<10240x16xf32, #tpu.memory_space<vmem_shared>> -> memref<10240x16xf32, #tpu.memory_space<vmem_shared>>
    tpu.enqueue_indirect_dma source(%arg13 : memref<512x16xf32, #tpu.memory_space<vmem>>) target(%dma_start3A_152 : memref<10240x16xf32, #tpu.memory_space<vmem_shared>>) offsets(%dma_start3A_149 : memref<512xi32, #tpu.memory_space<vmem>>) semaphore(%arg28 : memref<!tpu.dma_semaphore, #tpu.memory_space<semaphore_mem>>) {add = true}
    %dma_wait3A_153 = arith.constant 36 : i32
    %dma_wait3A_154 = arith.constant 0 : i32
    %dma_wait3A_155 = tpu.memref_slice %arg10[%dma_wait3A_153, %dma_wait3A_154] : memref<40x512xi32, #tpu.memory_space<vmem>> -> memref<1x512xi32, #tpu.memory_space<vmem>>
    %dma_wait3A_156 = tpu.memref_squeeze %dma_wait3A_155 : memref<1x512xi32, #tpu.memory_space<vmem>> -> memref<512xi32, #tpu.memory_space<vmem>>
    %dma_wait3A_157 = arith.constant 0 : i32
    %dma_wait3A_158 = arith.constant 0 : i32
    %dma_wait3A_159 = tpu.memref_slice %arg21[%dma_wait3A_157, %dma_wait3A_158] : memref<10240x16xf32, #tpu.memory_space<vmem_shared>> -> memref<10240x16xf32, #tpu.memory_space<vmem_shared>>
    tpu.wait_indirect_dma semaphore(%arg26 : memref<!tpu.dma_semaphore, #tpu.memory_space<semaphore_mem>>) src(%arg11 : memref<512x16xf32, #tpu.memory_space<vmem>>) dst(%dma_wait3A_159 : memref<10240x16xf32, #tpu.memory_space<vmem_shared>>)
    %dma_wait3A_160 = arith.constant 39 : i32
    %dma_wait3A_161 = arith.constant 0 : i32
    %dma_wait3A_162 = tpu.memref_slice %arg9[%dma_wait3A_160, %dma_wait3A_161] : memref<40x512xi32, #tpu.memory_space<vmem>> -> memref<1x512xi32, #tpu.memory_space<vmem>>
    %dma_wait3A_163 = tpu.memref_squeeze %dma_wait3A_162 : memref<1x512xi32, #tpu.memory_space<vmem>> -> memref<512xi32, #tpu.memory_space<vmem>>
    %dma_wait3A_164 = arith.constant 0 : i32
    %dma_wait3A_165 = arith.constant 0 : i32
    %dma_wait3A_166 = tpu.memref_slice %arg7[%arg0, %dma_wait3A_164, %dma_wait3A_165] : memref<2x10240x16xf32, #tpu.memory_space<hbm>> -> memref<1x10240x16xf32, #tpu.memory_space<hbm>>
    %dma_wait3A_167 = tpu.memref_squeeze %dma_wait3A_166 : memref<1x10240x16xf32, #tpu.memory_space<hbm>> -> memref<10240x16xf32, #tpu.memory_space<hbm>>
    %dma_wait3A_168 = arith.constant 0 : i32
    %dma_wait3A_169 = arith.constant 0 : i32
    %dma_wait3A_170 = tpu.memref_slice %dma_wait3A_167[%dma_wait3A_168, %dma_wait3A_169] : memref<10240x16xf32, #tpu.memory_space<hbm>> -> memref<10240x16xf32, #tpu.memory_space<hbm>>
    tpu.wait_indirect_dma semaphore(%arg25 : memref<!tpu.dma_semaphore, #tpu.memory_space<semaphore_mem>>) src(%dma_wait3A_170 : memref<10240x16xf32, #tpu.memory_space<hbm>>) dst(%arg14 : memref<512x16xf32, #tpu.memory_space<vmem>>)
    %dma_start3A_171 = arith.constant 39 : i32
    %dma_start3A_172 = arith.constant 0 : i32
    %dma_start3A_173 = tpu.memref_slice %arg10[%dma_start3A_171, %dma_start3A_172] : memref<40x512xi32, #tpu.memory_space<vmem>> -> memref<1x512xi32, #tpu.memory_space<vmem>>
    %dma_start3A_174 = tpu.memref_squeeze %dma_start3A_173 : memref<1x512xi32, #tpu.memory_space<vmem>> -> memref<512xi32, #tpu.memory_space<vmem>>
    %dma_start3A_175 = arith.constant 0 : i32
    %dma_start3A_176 = arith.constant 0 : i32
    %dma_start3A_177 = tpu.memref_slice %arg21[%dma_start3A_175, %dma_start3A_176] : memref<10240x16xf32, #tpu.memory_space<vmem_shared>> -> memref<10240x16xf32, #tpu.memory_space<vmem_shared>>
    tpu.enqueue_indirect_dma source(%arg14 : memref<512x16xf32, #tpu.memory_space<vmem>>) target(%dma_start3A_177 : memref<10240x16xf32, #tpu.memory_space<vmem_shared>>) offsets(%dma_start3A_174 : memref<512xi32, #tpu.memory_space<vmem>>) semaphore(%arg29 : memref<!tpu.dma_semaphore, #tpu.memory_space<semaphore_mem>>) {add = true}
    %dma_wait3A_178 = arith.constant 37 : i32
    %dma_wait3A_179 = arith.constant 0 : i32
    %dma_wait3A_180 = tpu.memref_slice %arg10[%dma_wait3A_178, %dma_wait3A_179] : memref<40x512xi32, #tpu.memory_space<vmem>> -> memref<1x512xi32, #tpu.memory_space<vmem>>
    %dma_wait3A_181 = tpu.memref_squeeze %dma_wait3A_180 : memref<1x512xi32, #tpu.memory_space<vmem>> -> memref<512xi32, #tpu.memory_space<vmem>>
    %dma_wait3A_182 = arith.constant 0 : i32
    %dma_wait3A_183 = arith.constant 0 : i32
    %dma_wait3A_184 = tpu.memref_slice %arg21[%dma_wait3A_182, %dma_wait3A_183] : memref<10240x16xf32, #tpu.memory_space<vmem_shared>> -> memref<10240x16xf32, #tpu.memory_space<vmem_shared>>
    tpu.wait_indirect_dma semaphore(%arg27 : memref<!tpu.dma_semaphore, #tpu.memory_space<semaphore_mem>>) src(%arg12 : memref<512x16xf32, #tpu.memory_space<vmem>>) dst(%dma_wait3A_184 : memref<10240x16xf32, #tpu.memory_space<vmem_shared>>)
    %dma_wait3A_185 = arith.constant 38 : i32
    %dma_wait3A_186 = arith.constant 0 : i32
    %dma_wait3A_187 = tpu.memref_slice %arg10[%dma_wait3A_185, %dma_wait3A_186] : memref<40x512xi32, #tpu.memory_space<vmem>> -> memref<1x512xi32, #tpu.memory_space<vmem>>
    %dma_wait3A_188 = tpu.memref_squeeze %dma_wait3A_187 : memref<1x512xi32, #tpu.memory_space<vmem>> -> memref<512xi32, #tpu.memory_space<vmem>>
    %dma_wait3A_189 = arith.constant 0 : i32
    %dma_wait3A_190 = arith.constant 0 : i32
    %dma_wait3A_191 = tpu.memref_slice %arg21[%dma_wait3A_189, %dma_wait3A_190] : memref<10240x16xf32, #tpu.memory_space<vmem_shared>> -> memref<10240x16xf32, #tpu.memory_space<vmem_shared>>
    tpu.wait_indirect_dma semaphore(%arg28 : memref<!tpu.dma_semaphore, #tpu.memory_space<semaphore_mem>>) src(%arg13 : memref<512x16xf32, #tpu.memory_space<vmem>>) dst(%dma_wait3A_191 : memref<10240x16xf32, #tpu.memory_space<vmem_shared>>)
    %dma_wait3A_192 = arith.constant 39 : i32
    %dma_wait3A_193 = arith.constant 0 : i32
    %dma_wait3A_194 = tpu.memref_slice %arg10[%dma_wait3A_192, %dma_wait3A_193] : memref<40x512xi32, #tpu.memory_space<vmem>> -> memref<1x512xi32, #tpu.memory_space<vmem>>
    %dma_wait3A_195 = tpu.memref_squeeze %dma_wait3A_194 : memref<1x512xi32, #tpu.memory_space<vmem>> -> memref<512xi32, #tpu.memory_space<vmem>>
    %dma_wait3A_196 = arith.constant 0 : i32
    %dma_wait3A_197 = arith.constant 0 : i32
    %dma_wait3A_198 = tpu.memref_slice %arg21[%dma_wait3A_196, %dma_wait3A_197] : memref<10240x16xf32, #tpu.memory_space<vmem_shared>> -> memref<10240x16xf32, #tpu.memory_space<vmem_shared>>
    tpu.wait_indirect_dma semaphore(%arg29 : memref<!tpu.dma_semaphore, #tpu.memory_space<semaphore_mem>>) src(%arg14 : memref<512x16xf32, #tpu.memory_space<vmem>>) dst(%dma_wait3A_198 : memref<10240x16xf32, #tpu.memory_space<vmem_shared>>)
    %barrier3A_199 = arith.constant 0 : index
    tpu.barrier barrier_id(%barrier3A_199)
    "tpu.region"() ({
      %run_scoped3A_364 = tpu.sem_alloc : memref<!tpu.dma_semaphore, #tpu.memory_space<semaphore_mem>>
      %dma_start3A_365 = arith.constant 0 : i32
      %dma_start3A_366 = tpu.memref_slice %arg21[%mul3A_0, %dma_start3A_365] : memref<10240x16xf32, #tpu.memory_space<vmem_shared>> -> memref<640x16xf32, #tpu.memory_space<vmem_shared>>
      %dma_start3A_367 = arith.constant 0 : i32
      %dma_start3A_368 = tpu.memref_slice %arg21[%mul3A_0, %dma_start3A_367] : memref<10240x16xf32, #tpu.memory_space<vmem_shared>> -> memref<640x16xf32, #tpu.memory_space<vmem_shared>>
      tpu.enqueue_dma source(%dma_start3A_368 : memref<640x16xf32, #tpu.memory_space<vmem_shared>>) target(%arg15 : memref<640x16xf32, #tpu.memory_space<vmem>>) target_semaphore(%run_scoped3A_364 : memref<!tpu.dma_semaphore, #tpu.memory_space<semaphore_mem>>)
      %dma_wait3A_369 = arith.constant 0 : i32
      %dma_wait3A_370 = tpu.memref_slice %arg21[%mul3A_0, %dma_wait3A_369] : memref<10240x16xf32, #tpu.memory_space<vmem_shared>> -> memref<640x16xf32, #tpu.memory_space<vmem_shared>>
      %dma_wait3A_371 = arith.constant 0 : i32
      %dma_wait3A_372 = tpu.memref_slice %arg21[%mul3A_0, %dma_wait3A_371] : memref<10240x16xf32, #tpu.memory_space<vmem_shared>> -> memref<640x16xf32, #tpu.memory_space<vmem_shared>>
      tpu.wait_dma2 semaphore(%run_scoped3A_364 : memref<!tpu.dma_semaphore, #tpu.memory_space<semaphore_mem>>) src(%dma_wait3A_372 : memref<640x16xf32, #tpu.memory_space<vmem_shared>>) dst(%arg15 : memref<640x16xf32, #tpu.memory_space<vmem>>)
      tpu.yield
    }) : () -> ()
    %scan3A_200 = arith.constant 0 : i32
    %scan3A_201 = arith.constant 0 : i32
    %scan3A_202 = arith.constant 640 : i32
    %scan3A_203 = arith.addi %scan3A_201, %scan3A_202 : i32
    %scan3A_204 = arith.constant 1 : i32
    scf.for %scan3A_364 = %scan3A_201 to %scan3A_203 step %scan3A_204  : i32 {
      %get3A = arith.index_cast %scan3A_364 : i32 to index
      %get3A_365 = arith.constant 0 : index
      %get3A_366 = tpu.vector_load %arg19[%get3A, %get3A_365] {strides = array<i32>} : memref<640x16xf32, #tpu.memory_space<vmem>>, vector<1x16xf32>,
      %get3A_367 = vector.shape_cast %get3A_366 : vector<1x16xf32> to vector<16xf32>
      %get3A_368 = arith.index_cast %scan3A_364 : i32 to index
      %get3A_369 = arith.constant 0 : index
      %get3A_370 = tpu.vector_load %arg15[%get3A_368, %get3A_369] {strides = array<i32>} : memref<640x16xf32, #tpu.memory_space<vmem>>, vector<1x16xf32>,
      %get3A_371 = vector.shape_cast %get3A_370 : vector<1x16xf32> to vector<16xf32>
      %get3A_372 = arith.index_cast %scan3A_364 : i32 to index
      %get3A_373 = arith.constant 0 : index
      %get3A_374 = tpu.vector_load %arg16[%get3A_372, %get3A_373] {strides = array<i32>} : memref<640x16xf32, #tpu.memory_space<vmem>>, vector<1x16xf32>,
      %get3A_375 = vector.shape_cast %get3A_374 : vector<1x16xf32> to vector<16xf32>
      %add3A = arith.addf %get3A_371, %get3A_375 : vector<16xf32>
      %mul3A_376 = arith.mulf %add3A, %get3A_367 : vector<16xf32>
      %mul3A_377 = arith.constant 2.000000e+00 : f32
      %mul3A_378 = vector.broadcast %mul3A_377 : f32 to vector<16xf32>
      %mul3A_379 = arith.mulf %mul3A_378, %mul3A_376 : vector<16xf32>
      %exp3A = math.exp %mul3A_379 : vector<16xf32>
      %add3A_380 = arith.constant 1.000000e+00 : f32
      %add3A_381 = vector.broadcast %add3A_380 : f32 to vector<16xf32>
      %add3A_382 = arith.addf %exp3A, %add3A_381 : vector<16xf32>
      %div3A = arith.constant 2.000000e+00 : f32
      %div3A_383 = vector.broadcast %div3A : f32 to vector<16xf32>
      %div3A_384 = arith.divf %div3A_383, %add3A_382 : vector<16xf32>
      %sub3A = arith.constant 1.000000e+00 : f32
      %sub3A_385 = vector.broadcast %sub3A : f32 to vector<16xf32>
      %sub3A_386 = arith.subf %sub3A_385, %div3A_384 : vector<16xf32>
      %mul3A_387 = arith.mulf %sub3A_386, %get3A_367 : vector<16xf32>
      %swap3A = arith.index_cast %scan3A_364 : i32 to index
      %swap3A_388 = arith.constant 0 : index
      %swap3A_389 = tpu.vector_load %arg16[%swap3A, %swap3A_388] {strides = array<i32>} : memref<640x16xf32, #tpu.memory_space<vmem>>, vector<1x16xf32>,
      %swap3A_390 = vector.shape_cast %swap3A_389 : vector<1x16xf32> to vector<16xf32>
      %swap3A_391 = vector.shape_cast %mul3A_387 : vector<16xf32> to vector<1x16xf32>
      tpu.vector_store %arg16[%swap3A, %swap3A_388], %swap3A_391 {strides = array<i32>} : memref<640x16xf32, #tpu.memory_space<vmem>>, vector<1x16xf32>,
    }
    %scan3A_205 = arith.constant 640 : i32
    "tpu.region"() ({
      %run_scoped3A_364 = tpu.sem_alloc : memref<!tpu.dma_semaphore, #tpu.memory_space<semaphore_mem>>
      %dma_start3A_365 = arith.constant 0 : i32
      %dma_start3A_366 = tpu.memref_slice %arg8[%arg0, %mul3A_0, %dma_start3A_365] : memref<2x10240x16xf32, #tpu.memory_space<hbm>> -> memref<1x640x16xf32, #tpu.memory_space<hbm>>
      %dma_start3A_367 = tpu.memref_squeeze %dma_start3A_366 : memref<1x640x16xf32, #tpu.memory_space<hbm>> -> memref<640x16xf32, #tpu.memory_space<hbm>>
      %dma_start3A_368 = arith.constant 0 : i32
      %dma_start3A_369 = tpu.memref_slice %arg8[%arg0, %mul3A_0, %dma_start3A_368] : memref<2x10240x16xf32, #tpu.memory_space<hbm>> -> memref<1x640x16xf32, #tpu.memory_space<hbm>>
      %dma_start3A_370 = tpu.memref_squeeze %dma_start3A_369 : memref<1x640x16xf32, #tpu.memory_space<hbm>> -> memref<640x16xf32, #tpu.memory_space<hbm>>
      tpu.enqueue_dma source(%arg16 : memref<640x16xf32, #tpu.memory_space<vmem>>) target(%dma_start3A_370 : memref<640x16xf32, #tpu.memory_space<hbm>>) target_semaphore(%run_scoped3A_364 : memref<!tpu.dma_semaphore, #tpu.memory_space<semaphore_mem>>)
      %dma_wait3A_371 = arith.constant 0 : i32
      %dma_wait3A_372 = tpu.memref_slice %arg8[%arg0, %mul3A_0, %dma_wait3A_371] : memref<2x10240x16xf32, #tpu.memory_space<hbm>> -> memref<1x640x16xf32, #tpu.memory_space<hbm>>
      %dma_wait3A_373 = tpu.memref_squeeze %dma_wait3A_372 : memref<1x640x16xf32, #tpu.memory_space<hbm>> -> memref<640x16xf32, #tpu.memory_space<hbm>>
      %dma_wait3A_374 = arith.constant 0 : i32
      %dma_wait3A_375 = tpu.memref_slice %arg8[%arg0, %mul3A_0, %dma_wait3A_374] : memref<2x10240x16xf32, #tpu.memory_space<hbm>> -> memref<1x640x16xf32, #tpu.memory_space<hbm>>
      %dma_wait3A_376 = tpu.memref_squeeze %dma_wait3A_375 : memref<1x640x16xf32, #tpu.memory_space<hbm>> -> memref<640x16xf32, #tpu.memory_space<hbm>>
      tpu.wait_dma2 semaphore(%run_scoped3A_364 : memref<!tpu.dma_semaphore, #tpu.memory_space<semaphore_mem>>) src(%arg16 : memref<640x16xf32, #tpu.memory_space<vmem>>) dst(%dma_wait3A_376 : memref<640x16xf32, #tpu.memory_space<hbm>>)
      tpu.yield
    }) : () -> ()
    "tpu.region"() ({
      %run_scoped3A_364 = tpu.sem_alloc : memref<!tpu.dma_semaphore, #tpu.memory_space<semaphore_mem>>
      %dma_start3A_365 = arith.constant 0 : i32
      %dma_start3A_366 = tpu.memref_slice %arg21[%mul3A_0, %dma_start3A_365] : memref<10240x16xf32, #tpu.memory_space<vmem_shared>> -> memref<640x16xf32, #tpu.memory_space<vmem_shared>>
      %dma_start3A_367 = arith.constant 0 : i32
      %dma_start3A_368 = tpu.memref_slice %arg21[%mul3A_0, %dma_start3A_367] : memref<10240x16xf32, #tpu.memory_space<vmem_shared>> -> memref<640x16xf32, #tpu.memory_space<vmem_shared>>
      tpu.enqueue_dma source(%arg20 : memref<640x16xf32, #tpu.memory_space<vmem>>) target(%dma_start3A_368 : memref<640x16xf32, #tpu.memory_space<vmem_shared>>) target_semaphore(%run_scoped3A_364 : memref<!tpu.dma_semaphore, #tpu.memory_space<semaphore_mem>>)
      %dma_wait3A_369 = arith.constant 0 : i32
      %dma_wait3A_370 = tpu.memref_slice %arg21[%mul3A_0, %dma_wait3A_369] : memref<10240x16xf32, #tpu.memory_space<vmem_shared>> -> memref<640x16xf32, #tpu.memory_space<vmem_shared>>
      %dma_wait3A_371 = arith.constant 0 : i32
      %dma_wait3A_372 = tpu.memref_slice %arg21[%mul3A_0, %dma_wait3A_371] : memref<10240x16xf32, #tpu.memory_space<vmem_shared>> -> memref<640x16xf32, #tpu.memory_space<vmem_shared>>
      tpu.wait_dma2 semaphore(%run_scoped3A_364 : memref<!tpu.dma_semaphore, #tpu.memory_space<semaphore_mem>>) src(%arg20 : memref<640x16xf32, #tpu.memory_space<vmem>>) dst(%dma_wait3A_372 : memref<640x16xf32, #tpu.memory_space<vmem_shared>>)
      tpu.yield
    }) : () -> ()
    %barrier3A_206 = arith.constant 0 : index
    tpu.barrier barrier_id(%barrier3A_206)
    %dma_start3A_207 = arith.constant 0 : i32
    %dma_start3A_208 = arith.constant 0 : i32
    %dma_start3A_209 = tpu.memref_slice %arg9[%dma_start3A_207, %dma_start3A_208] : memref<40x512xi32, #tpu.memory_space<vmem>> -> memref<1x512xi32, #tpu.memory_space<vmem>>
    %dma_start3A_210 = tpu.memref_squeeze %dma_start3A_209 : memref<1x512xi32, #tpu.memory_space<vmem>> -> memref<512xi32, #tpu.memory_space<vmem>>
    %dma_start3A_211 = arith.constant 0 : i32
    %dma_start3A_212 = arith.constant 0 : i32
    %dma_start3A_213 = tpu.memref_slice %arg8[%arg0, %dma_start3A_211, %dma_start3A_212] : memref<2x10240x16xf32, #tpu.memory_space<hbm>> -> memref<1x10240x16xf32, #tpu.memory_space<hbm>>
    %dma_start3A_214 = tpu.memref_squeeze %dma_start3A_213 : memref<1x10240x16xf32, #tpu.memory_space<hbm>> -> memref<10240x16xf32, #tpu.memory_space<hbm>>
    %dma_start3A_215 = arith.constant 0 : i32
    %dma_start3A_216 = arith.constant 0 : i32
    %dma_start3A_217 = tpu.memref_slice %dma_start3A_214[%dma_start3A_215, %dma_start3A_216] : memref<10240x16xf32, #tpu.memory_space<hbm>> -> memref<10240x16xf32, #tpu.memory_space<hbm>>
    tpu.enqueue_indirect_dma source(%dma_start3A_217 : memref<10240x16xf32, #tpu.memory_space<hbm>>) target(%arg11 : memref<512x16xf32, #tpu.memory_space<vmem>>) offsets(%dma_start3A_210 : memref<512xi32, #tpu.memory_space<vmem>>) semaphore(%arg22 : memref<!tpu.dma_semaphore, #tpu.memory_space<semaphore_mem>>)
    %dma_start3A_218 = arith.constant 1 : i32
    %dma_start3A_219 = arith.constant 0 : i32
    %dma_start3A_220 = tpu.memref_slice %arg9[%dma_start3A_218, %dma_start3A_219] : memref<40x512xi32, #tpu.memory_space<vmem>> -> memref<1x512xi32, #tpu.memory_space<vmem>>
    %dma_start3A_221 = tpu.memref_squeeze %dma_start3A_220 : memref<1x512xi32, #tpu.memory_space<vmem>> -> memref<512xi32, #tpu.memory_space<vmem>>
    %dma_start3A_222 = arith.constant 0 : i32
    %dma_start3A_223 = arith.constant 0 : i32
    %dma_start3A_224 = tpu.memref_slice %arg8[%arg0, %dma_start3A_222, %dma_start3A_223] : memref<2x10240x16xf32, #tpu.memory_space<hbm>> -> memref<1x10240x16xf32, #tpu.memory_space<hbm>>
    %dma_start3A_225 = tpu.memref_squeeze %dma_start3A_224 : memref<1x10240x16xf32, #tpu.memory_space<hbm>> -> memref<10240x16xf32, #tpu.memory_space<hbm>>
    %dma_start3A_226 = arith.constant 0 : i32
    %dma_start3A_227 = arith.constant 0 : i32
    %dma_start3A_228 = tpu.memref_slice %dma_start3A_225[%dma_start3A_226, %dma_start3A_227] : memref<10240x16xf32, #tpu.memory_space<hbm>> -> memref<10240x16xf32, #tpu.memory_space<hbm>>
    tpu.enqueue_indirect_dma source(%dma_start3A_228 : memref<10240x16xf32, #tpu.memory_space<hbm>>) target(%arg12 : memref<512x16xf32, #tpu.memory_space<vmem>>) offsets(%dma_start3A_221 : memref<512xi32, #tpu.memory_space<vmem>>) semaphore(%arg23 : memref<!tpu.dma_semaphore, #tpu.memory_space<semaphore_mem>>)
    %dma_wait3A_229 = arith.constant 0 : i32
    %dma_wait3A_230 = arith.constant 0 : i32
    %dma_wait3A_231 = tpu.memref_slice %arg9[%dma_wait3A_229, %dma_wait3A_230] : memref<40x512xi32, #tpu.memory_space<vmem>> -> memref<1x512xi32, #tpu.memory_space<vmem>>
    %dma_wait3A_232 = tpu.memref_squeeze %dma_wait3A_231 : memref<1x512xi32, #tpu.memory_space<vmem>> -> memref<512xi32, #tpu.memory_space<vmem>>
    %dma_wait3A_233 = arith.constant 0 : i32
    %dma_wait3A_234 = arith.constant 0 : i32
    %dma_wait3A_235 = tpu.memref_slice %arg8[%arg0, %dma_wait3A_233, %dma_wait3A_234] : memref<2x10240x16xf32, #tpu.memory_space<hbm>> -> memref<1x10240x16xf32, #tpu.memory_space<hbm>>
    %dma_wait3A_236 = tpu.memref_squeeze %dma_wait3A_235 : memref<1x10240x16xf32, #tpu.memory_space<hbm>> -> memref<10240x16xf32, #tpu.memory_space<hbm>>
    %dma_wait3A_237 = arith.constant 0 : i32
    %dma_wait3A_238 = arith.constant 0 : i32
    %dma_wait3A_239 = tpu.memref_slice %dma_wait3A_236[%dma_wait3A_237, %dma_wait3A_238] : memref<10240x16xf32, #tpu.memory_space<hbm>> -> memref<10240x16xf32, #tpu.memory_space<hbm>>
    tpu.wait_indirect_dma semaphore(%arg22 : memref<!tpu.dma_semaphore, #tpu.memory_space<semaphore_mem>>) src(%dma_wait3A_239 : memref<10240x16xf32, #tpu.memory_space<hbm>>) dst(%arg11 : memref<512x16xf32, #tpu.memory_space<vmem>>)
    %dma_start3A_240 = arith.constant 0 : i32
    %dma_start3A_241 = arith.constant 0 : i32
    %dma_start3A_242 = tpu.memref_slice %arg10[%dma_start3A_240, %dma_start3A_241] : memref<40x512xi32, #tpu.memory_space<vmem>> -> memref<1x512xi32, #tpu.memory_space<vmem>>
    %dma_start3A_243 = tpu.memref_squeeze %dma_start3A_242 : memref<1x512xi32, #tpu.memory_space<vmem>> -> memref<512xi32, #tpu.memory_space<vmem>>
    %dma_start3A_244 = arith.constant 0 : i32
    %dma_start3A_245 = arith.constant 0 : i32
    %dma_start3A_246 = tpu.memref_slice %arg21[%dma_start3A_244, %dma_start3A_245] : memref<10240x16xf32, #tpu.memory_space<vmem_shared>> -> memref<10240x16xf32, #tpu.memory_space<vmem_shared>>
    tpu.enqueue_indirect_dma source(%arg11 : memref<512x16xf32, #tpu.memory_space<vmem>>) target(%dma_start3A_246 : memref<10240x16xf32, #tpu.memory_space<vmem_shared>>) offsets(%dma_start3A_243 : memref<512xi32, #tpu.memory_space<vmem>>) semaphore(%arg26 : memref<!tpu.dma_semaphore, #tpu.memory_space<semaphore_mem>>) {add = true}
    %dma_start3A_247 = arith.constant 2 : i32
    %dma_start3A_248 = arith.constant 0 : i32
    %dma_start3A_249 = tpu.memref_slice %arg9[%dma_start3A_247, %dma_start3A_248] : memref<40x512xi32, #tpu.memory_space<vmem>> -> memref<1x512xi32, #tpu.memory_space<vmem>>
    %dma_start3A_250 = tpu.memref_squeeze %dma_start3A_249 : memref<1x512xi32, #tpu.memory_space<vmem>> -> memref<512xi32, #tpu.memory_space<vmem>>
    %dma_start3A_251 = arith.constant 0 : i32
    %dma_start3A_252 = arith.constant 0 : i32
    %dma_start3A_253 = tpu.memref_slice %arg8[%arg0, %dma_start3A_251, %dma_start3A_252] : memref<2x10240x16xf32, #tpu.memory_space<hbm>> -> memref<1x10240x16xf32, #tpu.memory_space<hbm>>
    %dma_start3A_254 = tpu.memref_squeeze %dma_start3A_253 : memref<1x10240x16xf32, #tpu.memory_space<hbm>> -> memref<10240x16xf32, #tpu.memory_space<hbm>>
    %dma_start3A_255 = arith.constant 0 : i32
    %dma_start3A_256 = arith.constant 0 : i32
    %dma_start3A_257 = tpu.memref_slice %dma_start3A_254[%dma_start3A_255, %dma_start3A_256] : memref<10240x16xf32, #tpu.memory_space<hbm>> -> memref<10240x16xf32, #tpu.memory_space<hbm>>
    tpu.enqueue_indirect_dma source(%dma_start3A_257 : memref<10240x16xf32, #tpu.memory_space<hbm>>) target(%arg13 : memref<512x16xf32, #tpu.memory_space<vmem>>) offsets(%dma_start3A_250 : memref<512xi32, #tpu.memory_space<vmem>>) semaphore(%arg24 : memref<!tpu.dma_semaphore, #tpu.memory_space<semaphore_mem>>)
    %dma_wait3A_258 = arith.constant 1 : i32
    %dma_wait3A_259 = arith.constant 0 : i32
    %dma_wait3A_260 = tpu.memref_slice %arg9[%dma_wait3A_258, %dma_wait3A_259] : memref<40x512xi32, #tpu.memory_space<vmem>> -> memref<1x512xi32, #tpu.memory_space<vmem>>
    %dma_wait3A_261 = tpu.memref_squeeze %dma_wait3A_260 : memref<1x512xi32, #tpu.memory_space<vmem>> -> memref<512xi32, #tpu.memory_space<vmem>>
    %dma_wait3A_262 = arith.constant 0 : i32
    %dma_wait3A_263 = arith.constant 0 : i32
    %dma_wait3A_264 = tpu.memref_slice %arg8[%arg0, %dma_wait3A_262, %dma_wait3A_263] : memref<2x10240x16xf32, #tpu.memory_space<hbm>> -> memref<1x10240x16xf32, #tpu.memory_space<hbm>>
    %dma_wait3A_265 = tpu.memref_squeeze %dma_wait3A_264 : memref<1x10240x16xf32, #tpu.memory_space<hbm>> -> memref<10240x16xf32, #tpu.memory_space<hbm>>
    %dma_wait3A_266 = arith.constant 0 : i32
    %dma_wait3A_267 = arith.constant 0 : i32
    %dma_wait3A_268 = tpu.memref_slice %dma_wait3A_265[%dma_wait3A_266, %dma_wait3A_267] : memref<10240x16xf32, #tpu.memory_space<hbm>> -> memref<10240x16xf32, #tpu.memory_space<hbm>>
    tpu.wait_indirect_dma semaphore(%arg23 : memref<!tpu.dma_semaphore, #tpu.memory_space<semaphore_mem>>) src(%dma_wait3A_268 : memref<10240x16xf32, #tpu.memory_space<hbm>>) dst(%arg12 : memref<512x16xf32, #tpu.memory_space<vmem>>)
    %dma_start3A_269 = arith.constant 1 : i32
    %dma_start3A_270 = arith.constant 0 : i32
    %dma_start3A_271 = tpu.memref_slice %arg10[%dma_start3A_269, %dma_start3A_270] : memref<40x512xi32, #tpu.memory_space<vmem>> -> memref<1x512xi32, #tpu.memory_space<vmem>>
    %dma_start3A_272 = tpu.memref_squeeze %dma_start3A_271 : memref<1x512xi32, #tpu.memory_space<vmem>> -> memref<512xi32, #tpu.memory_space<vmem>>
    %dma_start3A_273 = arith.constant 0 : i32
    %dma_start3A_274 = arith.constant 0 : i32
    %dma_start3A_275 = tpu.memref_slice %arg21[%dma_start3A_273, %dma_start3A_274] : memref<10240x16xf32, #tpu.memory_space<vmem_shared>> -> memref<10240x16xf32, #tpu.memory_space<vmem_shared>>
    tpu.enqueue_indirect_dma source(%arg12 : memref<512x16xf32, #tpu.memory_space<vmem>>) target(%dma_start3A_275 : memref<10240x16xf32, #tpu.memory_space<vmem_shared>>) offsets(%dma_start3A_272 : memref<512xi32, #tpu.memory_space<vmem>>) semaphore(%arg27 : memref<!tpu.dma_semaphore, #tpu.memory_space<semaphore_mem>>) {add = true}
    %dma_start3A_276 = arith.constant 3 : i32
    %dma_start3A_277 = arith.constant 0 : i32
    %dma_start3A_278 = tpu.memref_slice %arg9[%dma_start3A_276, %dma_start3A_277] : memref<40x512xi32, #tpu.memory_space<vmem>> -> memref<1x512xi32, #tpu.memory_space<vmem>>
    %dma_start3A_279 = tpu.memref_squeeze %dma_start3A_278 : memref<1x512xi32, #tpu.memory_space<vmem>> -> memref<512xi32, #tpu.memory_space<vmem>>
    %dma_start3A_280 = arith.constant 0 : i32
    %dma_start3A_281 = arith.constant 0 : i32
    %dma_start3A_282 = tpu.memref_slice %arg8[%arg0, %dma_start3A_280, %dma_start3A_281] : memref<2x10240x16xf32, #tpu.memory_space<hbm>> -> memref<1x10240x16xf32, #tpu.memory_space<hbm>>
    %dma_start3A_283 = tpu.memref_squeeze %dma_start3A_282 : memref<1x10240x16xf32, #tpu.memory_space<hbm>> -> memref<10240x16xf32, #tpu.memory_space<hbm>>
    %dma_start3A_284 = arith.constant 0 : i32
    %dma_start3A_285 = arith.constant 0 : i32
    %dma_start3A_286 = tpu.memref_slice %dma_start3A_283[%dma_start3A_284, %dma_start3A_285] : memref<10240x16xf32, #tpu.memory_space<hbm>> -> memref<10240x16xf32, #tpu.memory_space<hbm>>
    tpu.enqueue_indirect_dma source(%dma_start3A_286 : memref<10240x16xf32, #tpu.memory_space<hbm>>) target(%arg14 : memref<512x16xf32, #tpu.memory_space<vmem>>) offsets(%dma_start3A_279 : memref<512xi32, #tpu.memory_space<vmem>>) semaphore(%arg25 : memref<!tpu.dma_semaphore, #tpu.memory_space<semaphore_mem>>)
    %scan3A_287 = arith.constant 0 : i32
    %scan3A_288 = arith.constant 0 : i32
    %scan3A_289 = arith.constant 9 : i32
    %scan3A_290 = arith.addi %scan3A_288, %scan3A_289 : i32
    %scan3A_291 = arith.constant 1 : i32
    scf.for %scan3A_364 = %scan3A_288 to %scan3A_290 step %scan3A_291  : i32 {
      %mul3A_365 = arith.constant 4 : i32
      %mul3A_366 = arith.muli %mul3A_365, %scan3A_364 : i32
      %add3A = arith.constant 2 : i32
      %add3A_367 = arith.addi %mul3A_366, %add3A : i32
      %add3A_368 = arith.constant 0 : i32
      %add3A_369 = arith.addi %add3A_367, %add3A_368 : i32
      %dma_wait3A_370 = arith.constant 0 : i32
      %dma_wait3A_371 = tpu.memref_slice %arg9[%add3A_369, %dma_wait3A_370] : memref<40x512xi32, #tpu.memory_space<vmem>> -> memref<1x512xi32, #tpu.memory_space<vmem>>
      %dma_wait3A_372 = tpu.memref_squeeze %dma_wait3A_371 : memref<1x512xi32, #tpu.memory_space<vmem>> -> memref<512xi32, #tpu.memory_space<vmem>>
      %dma_wait3A_373 = arith.constant 0 : i32
      %dma_wait3A_374 = arith.constant 0 : i32
      %dma_wait3A_375 = tpu.memref_slice %arg8[%arg0, %dma_wait3A_373, %dma_wait3A_374] : memref<2x10240x16xf32, #tpu.memory_space<hbm>> -> memref<1x10240x16xf32, #tpu.memory_space<hbm>>
      %dma_wait3A_376 = tpu.memref_squeeze %dma_wait3A_375 : memref<1x10240x16xf32, #tpu.memory_space<hbm>> -> memref<10240x16xf32, #tpu.memory_space<hbm>>
      %dma_wait3A_377 = arith.constant 0 : i32
      %dma_wait3A_378 = arith.constant 0 : i32
      %dma_wait3A_379 = tpu.memref_slice %dma_wait3A_376[%dma_wait3A_377, %dma_wait3A_378] : memref<10240x16xf32, #tpu.memory_space<hbm>> -> memref<10240x16xf32, #tpu.memory_space<hbm>>
      tpu.wait_indirect_dma semaphore(%arg24 : memref<!tpu.dma_semaphore, #tpu.memory_space<semaphore_mem>>) src(%dma_wait3A_379 : memref<10240x16xf32, #tpu.memory_space<hbm>>) dst(%arg13 : memref<512x16xf32, #tpu.memory_space<vmem>>)
      %dma_start3A_380 = arith.constant 0 : i32
      %dma_start3A_381 = tpu.memref_slice %arg10[%add3A_369, %dma_start3A_380] : memref<40x512xi32, #tpu.memory_space<vmem>> -> memref<1x512xi32, #tpu.memory_space<vmem>>
      %dma_start3A_382 = tpu.memref_squeeze %dma_start3A_381 : memref<1x512xi32, #tpu.memory_space<vmem>> -> memref<512xi32, #tpu.memory_space<vmem>>
      %dma_start3A_383 = arith.constant 0 : i32
      %dma_start3A_384 = arith.constant 0 : i32
      %dma_start3A_385 = tpu.memref_slice %arg21[%dma_start3A_383, %dma_start3A_384] : memref<10240x16xf32, #tpu.memory_space<vmem_shared>> -> memref<10240x16xf32, #tpu.memory_space<vmem_shared>>
      tpu.enqueue_indirect_dma source(%arg13 : memref<512x16xf32, #tpu.memory_space<vmem>>) target(%dma_start3A_385 : memref<10240x16xf32, #tpu.memory_space<vmem_shared>>) offsets(%dma_start3A_382 : memref<512xi32, #tpu.memory_space<vmem>>) semaphore(%arg28 : memref<!tpu.dma_semaphore, #tpu.memory_space<semaphore_mem>>) {add = true}
      %sub3A = arith.constant 2 : i32
      %sub3A_386 = arith.subi %add3A_369, %sub3A : i32
      %dma_wait3A_387 = arith.constant 0 : i32
      %dma_wait3A_388 = tpu.memref_slice %arg10[%sub3A_386, %dma_wait3A_387] : memref<40x512xi32, #tpu.memory_space<vmem>> -> memref<1x512xi32, #tpu.memory_space<vmem>>
      %dma_wait3A_389 = tpu.memref_squeeze %dma_wait3A_388 : memref<1x512xi32, #tpu.memory_space<vmem>> -> memref<512xi32, #tpu.memory_space<vmem>>
      %dma_wait3A_390 = arith.constant 0 : i32
      %dma_wait3A_391 = arith.constant 0 : i32
      %dma_wait3A_392 = tpu.memref_slice %arg21[%dma_wait3A_390, %dma_wait3A_391] : memref<10240x16xf32, #tpu.memory_space<vmem_shared>> -> memref<10240x16xf32, #tpu.memory_space<vmem_shared>>
      tpu.wait_indirect_dma semaphore(%arg26 : memref<!tpu.dma_semaphore, #tpu.memory_space<semaphore_mem>>) src(%arg11 : memref<512x16xf32, #tpu.memory_space<vmem>>) dst(%dma_wait3A_392 : memref<10240x16xf32, #tpu.memory_space<vmem_shared>>)
      %add3A_393 = arith.constant 2 : i32
      %add3A_394 = arith.addi %add3A_369, %add3A_393 : i32
      %dma_start3A_395 = arith.constant 0 : i32
      %dma_start3A_396 = tpu.memref_slice %arg9[%add3A_394, %dma_start3A_395] : memref<40x512xi32, #tpu.memory_space<vmem>> -> memref<1x512xi32, #tpu.memory_space<vmem>>
      %dma_start3A_397 = tpu.memref_squeeze %dma_start3A_396 : memref<1x512xi32, #tpu.memory_space<vmem>> -> memref<512xi32, #tpu.memory_space<vmem>>
      %dma_start3A_398 = arith.constant 0 : i32
      %dma_start3A_399 = arith.constant 0 : i32
      %dma_start3A_400 = tpu.memref_slice %arg8[%arg0, %dma_start3A_398, %dma_start3A_399] : memref<2x10240x16xf32, #tpu.memory_space<hbm>> -> memref<1x10240x16xf32, #tpu.memory_space<hbm>>
      %dma_start3A_401 = tpu.memref_squeeze %dma_start3A_400 : memref<1x10240x16xf32, #tpu.memory_space<hbm>> -> memref<10240x16xf32, #tpu.memory_space<hbm>>
      %dma_start3A_402 = arith.constant 0 : i32
      %dma_start3A_403 = arith.constant 0 : i32
      %dma_start3A_404 = tpu.memref_slice %dma_start3A_401[%dma_start3A_402, %dma_start3A_403] : memref<10240x16xf32, #tpu.memory_space<hbm>> -> memref<10240x16xf32, #tpu.memory_space<hbm>>
      tpu.enqueue_indirect_dma source(%dma_start3A_404 : memref<10240x16xf32, #tpu.memory_space<hbm>>) target(%arg11 : memref<512x16xf32, #tpu.memory_space<vmem>>) offsets(%dma_start3A_397 : memref<512xi32, #tpu.memory_space<vmem>>) semaphore(%arg22 : memref<!tpu.dma_semaphore, #tpu.memory_space<semaphore_mem>>)
      %add3A_405 = arith.constant 1 : i32
      %add3A_406 = arith.addi %add3A_367, %add3A_405 : i32
      %dma_wait3A_407 = arith.constant 0 : i32
      %dma_wait3A_408 = tpu.memref_slice %arg9[%add3A_406, %dma_wait3A_407] : memref<40x512xi32, #tpu.memory_space<vmem>> -> memref<1x512xi32, #tpu.memory_space<vmem>>
      %dma_wait3A_409 = tpu.memref_squeeze %dma_wait3A_408 : memref<1x512xi32, #tpu.memory_space<vmem>> -> memref<512xi32, #tpu.memory_space<vmem>>
      %dma_wait3A_410 = arith.constant 0 : i32
      %dma_wait3A_411 = arith.constant 0 : i32
      %dma_wait3A_412 = tpu.memref_slice %arg8[%arg0, %dma_wait3A_410, %dma_wait3A_411] : memref<2x10240x16xf32, #tpu.memory_space<hbm>> -> memref<1x10240x16xf32, #tpu.memory_space<hbm>>
      %dma_wait3A_413 = tpu.memref_squeeze %dma_wait3A_412 : memref<1x10240x16xf32, #tpu.memory_space<hbm>> -> memref<10240x16xf32, #tpu.memory_space<hbm>>
      %dma_wait3A_414 = arith.constant 0 : i32
      %dma_wait3A_415 = arith.constant 0 : i32
      %dma_wait3A_416 = tpu.memref_slice %dma_wait3A_413[%dma_wait3A_414, %dma_wait3A_415] : memref<10240x16xf32, #tpu.memory_space<hbm>> -> memref<10240x16xf32, #tpu.memory_space<hbm>>
      tpu.wait_indirect_dma semaphore(%arg25 : memref<!tpu.dma_semaphore, #tpu.memory_space<semaphore_mem>>) src(%dma_wait3A_416 : memref<10240x16xf32, #tpu.memory_space<hbm>>) dst(%arg14 : memref<512x16xf32, #tpu.memory_space<vmem>>)
      %dma_start3A_417 = arith.constant 0 : i32
      %dma_start3A_418 = tpu.memref_slice %arg10[%add3A_406, %dma_start3A_417] : memref<40x512xi32, #tpu.memory_space<vmem>> -> memref<1x512xi32, #tpu.memory_space<vmem>>
      %dma_start3A_419 = tpu.memref_squeeze %dma_start3A_418 : memref<1x512xi32, #tpu.memory_space<vmem>> -> memref<512xi32, #tpu.memory_space<vmem>>
      %dma_start3A_420 = arith.constant 0 : i32
      %dma_start3A_421 = arith.constant 0 : i32
      %dma_start3A_422 = tpu.memref_slice %arg21[%dma_start3A_420, %dma_start3A_421] : memref<10240x16xf32, #tpu.memory_space<vmem_shared>> -> memref<10240x16xf32, #tpu.memory_space<vmem_shared>>
      tpu.enqueue_indirect_dma source(%arg14 : memref<512x16xf32, #tpu.memory_space<vmem>>) target(%dma_start3A_422 : memref<10240x16xf32, #tpu.memory_space<vmem_shared>>) offsets(%dma_start3A_419 : memref<512xi32, #tpu.memory_space<vmem>>) semaphore(%arg29 : memref<!tpu.dma_semaphore, #tpu.memory_space<semaphore_mem>>) {add = true}
      %sub3A_423 = arith.constant 2 : i32
      %sub3A_424 = arith.subi %add3A_406, %sub3A_423 : i32
      %dma_wait3A_425 = arith.constant 0 : i32
      %dma_wait3A_426 = tpu.memref_slice %arg10[%sub3A_424, %dma_wait3A_425] : memref<40x512xi32, #tpu.memory_space<vmem>> -> memref<1x512xi32, #tpu.memory_space<vmem>>
      %dma_wait3A_427 = tpu.memref_squeeze %dma_wait3A_426 : memref<1x512xi32, #tpu.memory_space<vmem>> -> memref<512xi32, #tpu.memory_space<vmem>>
      %dma_wait3A_428 = arith.constant 0 : i32
      %dma_wait3A_429 = arith.constant 0 : i32
      %dma_wait3A_430 = tpu.memref_slice %arg21[%dma_wait3A_428, %dma_wait3A_429] : memref<10240x16xf32, #tpu.memory_space<vmem_shared>> -> memref<10240x16xf32, #tpu.memory_space<vmem_shared>>
      tpu.wait_indirect_dma semaphore(%arg27 : memref<!tpu.dma_semaphore, #tpu.memory_space<semaphore_mem>>) src(%arg12 : memref<512x16xf32, #tpu.memory_space<vmem>>) dst(%dma_wait3A_430 : memref<10240x16xf32, #tpu.memory_space<vmem_shared>>)
      %add3A_431 = arith.constant 2 : i32
      %add3A_432 = arith.addi %add3A_406, %add3A_431 : i32
      %dma_start3A_433 = arith.constant 0 : i32
      %dma_start3A_434 = tpu.memref_slice %arg9[%add3A_432, %dma_start3A_433] : memref<40x512xi32, #tpu.memory_space<vmem>> -> memref<1x512xi32, #tpu.memory_space<vmem>>
      %dma_start3A_435 = tpu.memref_squeeze %dma_start3A_434 : memref<1x512xi32, #tpu.memory_space<vmem>> -> memref<512xi32, #tpu.memory_space<vmem>>
      %dma_start3A_436 = arith.constant 0 : i32
      %dma_start3A_437 = arith.constant 0 : i32
      %dma_start3A_438 = tpu.memref_slice %arg8[%arg0, %dma_start3A_436, %dma_start3A_437] : memref<2x10240x16xf32, #tpu.memory_space<hbm>> -> memref<1x10240x16xf32, #tpu.memory_space<hbm>>
      %dma_start3A_439 = tpu.memref_squeeze %dma_start3A_438 : memref<1x10240x16xf32, #tpu.memory_space<hbm>> -> memref<10240x16xf32, #tpu.memory_space<hbm>>
      %dma_start3A_440 = arith.constant 0 : i32
      %dma_start3A_441 = arith.constant 0 : i32
      %dma_start3A_442 = tpu.memref_slice %dma_start3A_439[%dma_start3A_440, %dma_start3A_441] : memref<10240x16xf32, #tpu.memory_space<hbm>> -> memref<10240x16xf32, #tpu.memory_space<hbm>>
      tpu.enqueue_indirect_dma source(%dma_start3A_442 : memref<10240x16xf32, #tpu.memory_space<hbm>>) target(%arg12 : memref<512x16xf32, #tpu.memory_space<vmem>>) offsets(%dma_start3A_435 : memref<512xi32, #tpu.memory_space<vmem>>) semaphore(%arg23 : memref<!tpu.dma_semaphore, #tpu.memory_space<semaphore_mem>>)
      %add3A_443 = arith.constant 2 : i32
      %add3A_444 = arith.addi %add3A_367, %add3A_443 : i32
      %dma_wait3A_445 = arith.constant 0 : i32
      %dma_wait3A_446 = tpu.memref_slice %arg9[%add3A_444, %dma_wait3A_445] : memref<40x512xi32, #tpu.memory_space<vmem>> -> memref<1x512xi32, #tpu.memory_space<vmem>>
      %dma_wait3A_447 = tpu.memref_squeeze %dma_wait3A_446 : memref<1x512xi32, #tpu.memory_space<vmem>> -> memref<512xi32, #tpu.memory_space<vmem>>
      %dma_wait3A_448 = arith.constant 0 : i32
      %dma_wait3A_449 = arith.constant 0 : i32
      %dma_wait3A_450 = tpu.memref_slice %arg8[%arg0, %dma_wait3A_448, %dma_wait3A_449] : memref<2x10240x16xf32, #tpu.memory_space<hbm>> -> memref<1x10240x16xf32, #tpu.memory_space<hbm>>
      %dma_wait3A_451 = tpu.memref_squeeze %dma_wait3A_450 : memref<1x10240x16xf32, #tpu.memory_space<hbm>> -> memref<10240x16xf32, #tpu.memory_space<hbm>>
      %dma_wait3A_452 = arith.constant 0 : i32
      %dma_wait3A_453 = arith.constant 0 : i32
      %dma_wait3A_454 = tpu.memref_slice %dma_wait3A_451[%dma_wait3A_452, %dma_wait3A_453] : memref<10240x16xf32, #tpu.memory_space<hbm>> -> memref<10240x16xf32, #tpu.memory_space<hbm>>
      tpu.wait_indirect_dma semaphore(%arg22 : memref<!tpu.dma_semaphore, #tpu.memory_space<semaphore_mem>>) src(%dma_wait3A_454 : memref<10240x16xf32, #tpu.memory_space<hbm>>) dst(%arg11 : memref<512x16xf32, #tpu.memory_space<vmem>>)
      %dma_start3A_455 = arith.constant 0 : i32
      %dma_start3A_456 = tpu.memref_slice %arg10[%add3A_444, %dma_start3A_455] : memref<40x512xi32, #tpu.memory_space<vmem>> -> memref<1x512xi32, #tpu.memory_space<vmem>>
      %dma_start3A_457 = tpu.memref_squeeze %dma_start3A_456 : memref<1x512xi32, #tpu.memory_space<vmem>> -> memref<512xi32, #tpu.memory_space<vmem>>
      %dma_start3A_458 = arith.constant 0 : i32
      %dma_start3A_459 = arith.constant 0 : i32
      %dma_start3A_460 = tpu.memref_slice %arg21[%dma_start3A_458, %dma_start3A_459] : memref<10240x16xf32, #tpu.memory_space<vmem_shared>> -> memref<10240x16xf32, #tpu.memory_space<vmem_shared>>
      tpu.enqueue_indirect_dma source(%arg11 : memref<512x16xf32, #tpu.memory_space<vmem>>) target(%dma_start3A_460 : memref<10240x16xf32, #tpu.memory_space<vmem_shared>>) offsets(%dma_start3A_457 : memref<512xi32, #tpu.memory_space<vmem>>) semaphore(%arg26 : memref<!tpu.dma_semaphore, #tpu.memory_space<semaphore_mem>>) {add = true}
      %sub3A_461 = arith.constant 2 : i32
      %sub3A_462 = arith.subi %add3A_444, %sub3A_461 : i32
      %dma_wait3A_463 = arith.constant 0 : i32
      %dma_wait3A_464 = tpu.memref_slice %arg10[%sub3A_462, %dma_wait3A_463] : memref<40x512xi32, #tpu.memory_space<vmem>> -> memref<1x512xi32, #tpu.memory_space<vmem>>
      %dma_wait3A_465 = tpu.memref_squeeze %dma_wait3A_464 : memref<1x512xi32, #tpu.memory_space<vmem>> -> memref<512xi32, #tpu.memory_space<vmem>>
      %dma_wait3A_466 = arith.constant 0 : i32
      %dma_wait3A_467 = arith.constant 0 : i32
      %dma_wait3A_468 = tpu.memref_slice %arg21[%dma_wait3A_466, %dma_wait3A_467] : memref<10240x16xf32, #tpu.memory_space<vmem_shared>> -> memref<10240x16xf32, #tpu.memory_space<vmem_shared>>
      tpu.wait_indirect_dma semaphore(%arg28 : memref<!tpu.dma_semaphore, #tpu.memory_space<semaphore_mem>>) src(%arg13 : memref<512x16xf32, #tpu.memory_space<vmem>>) dst(%dma_wait3A_468 : memref<10240x16xf32, #tpu.memory_space<vmem_shared>>)
      %add3A_469 = arith.constant 2 : i32
      %add3A_470 = arith.addi %add3A_444, %add3A_469 : i32
      %dma_start3A_471 = arith.constant 0 : i32
      %dma_start3A_472 = tpu.memref_slice %arg9[%add3A_470, %dma_start3A_471] : memref<40x512xi32, #tpu.memory_space<vmem>> -> memref<1x512xi32, #tpu.memory_space<vmem>>
      %dma_start3A_473 = tpu.memref_squeeze %dma_start3A_472 : memref<1x512xi32, #tpu.memory_space<vmem>> -> memref<512xi32, #tpu.memory_space<vmem>>
      %dma_start3A_474 = arith.constant 0 : i32
      %dma_start3A_475 = arith.constant 0 : i32
      %dma_start3A_476 = tpu.memref_slice %arg8[%arg0, %dma_start3A_474, %dma_start3A_475] : memref<2x10240x16xf32, #tpu.memory_space<hbm>> -> memref<1x10240x16xf32, #tpu.memory_space<hbm>>
      %dma_start3A_477 = tpu.memref_squeeze %dma_start3A_476 : memref<1x10240x16xf32, #tpu.memory_space<hbm>> -> memref<10240x16xf32, #tpu.memory_space<hbm>>
      %dma_start3A_478 = arith.constant 0 : i32
      %dma_start3A_479 = arith.constant 0 : i32
      %dma_start3A_480 = tpu.memref_slice %dma_start3A_477[%dma_start3A_478, %dma_start3A_479] : memref<10240x16xf32, #tpu.memory_space<hbm>> -> memref<10240x16xf32, #tpu.memory_space<hbm>>
      tpu.enqueue_indirect_dma source(%dma_start3A_480 : memref<10240x16xf32, #tpu.memory_space<hbm>>) target(%arg13 : memref<512x16xf32, #tpu.memory_space<vmem>>) offsets(%dma_start3A_473 : memref<512xi32, #tpu.memory_space<vmem>>) semaphore(%arg24 : memref<!tpu.dma_semaphore, #tpu.memory_space<semaphore_mem>>)
      %add3A_481 = arith.constant 3 : i32
      %add3A_482 = arith.addi %add3A_367, %add3A_481 : i32
      %dma_wait3A_483 = arith.constant 0 : i32
      %dma_wait3A_484 = tpu.memref_slice %arg9[%add3A_482, %dma_wait3A_483] : memref<40x512xi32, #tpu.memory_space<vmem>> -> memref<1x512xi32, #tpu.memory_space<vmem>>
      %dma_wait3A_485 = tpu.memref_squeeze %dma_wait3A_484 : memref<1x512xi32, #tpu.memory_space<vmem>> -> memref<512xi32, #tpu.memory_space<vmem>>
      %dma_wait3A_486 = arith.constant 0 : i32
      %dma_wait3A_487 = arith.constant 0 : i32
      %dma_wait3A_488 = tpu.memref_slice %arg8[%arg0, %dma_wait3A_486, %dma_wait3A_487] : memref<2x10240x16xf32, #tpu.memory_space<hbm>> -> memref<1x10240x16xf32, #tpu.memory_space<hbm>>
      %dma_wait3A_489 = tpu.memref_squeeze %dma_wait3A_488 : memref<1x10240x16xf32, #tpu.memory_space<hbm>> -> memref<10240x16xf32, #tpu.memory_space<hbm>>
      %dma_wait3A_490 = arith.constant 0 : i32
      %dma_wait3A_491 = arith.constant 0 : i32
      %dma_wait3A_492 = tpu.memref_slice %dma_wait3A_489[%dma_wait3A_490, %dma_wait3A_491] : memref<10240x16xf32, #tpu.memory_space<hbm>> -> memref<10240x16xf32, #tpu.memory_space<hbm>>
      tpu.wait_indirect_dma semaphore(%arg23 : memref<!tpu.dma_semaphore, #tpu.memory_space<semaphore_mem>>) src(%dma_wait3A_492 : memref<10240x16xf32, #tpu.memory_space<hbm>>) dst(%arg12 : memref<512x16xf32, #tpu.memory_space<vmem>>)
      %dma_start3A_493 = arith.constant 0 : i32
      %dma_start3A_494 = tpu.memref_slice %arg10[%add3A_482, %dma_start3A_493] : memref<40x512xi32, #tpu.memory_space<vmem>> -> memref<1x512xi32, #tpu.memory_space<vmem>>
      %dma_start3A_495 = tpu.memref_squeeze %dma_start3A_494 : memref<1x512xi32, #tpu.memory_space<vmem>> -> memref<512xi32, #tpu.memory_space<vmem>>
      %dma_start3A_496 = arith.constant 0 : i32
      %dma_start3A_497 = arith.constant 0 : i32
      %dma_start3A_498 = tpu.memref_slice %arg21[%dma_start3A_496, %dma_start3A_497] : memref<10240x16xf32, #tpu.memory_space<vmem_shared>> -> memref<10240x16xf32, #tpu.memory_space<vmem_shared>>
      tpu.enqueue_indirect_dma source(%arg12 : memref<512x16xf32, #tpu.memory_space<vmem>>) target(%dma_start3A_498 : memref<10240x16xf32, #tpu.memory_space<vmem_shared>>) offsets(%dma_start3A_495 : memref<512xi32, #tpu.memory_space<vmem>>) semaphore(%arg27 : memref<!tpu.dma_semaphore, #tpu.memory_space<semaphore_mem>>) {add = true}
      %sub3A_499 = arith.constant 2 : i32
      %sub3A_500 = arith.subi %add3A_482, %sub3A_499 : i32
      %dma_wait3A_501 = arith.constant 0 : i32
      %dma_wait3A_502 = tpu.memref_slice %arg10[%sub3A_500, %dma_wait3A_501] : memref<40x512xi32, #tpu.memory_space<vmem>> -> memref<1x512xi32, #tpu.memory_space<vmem>>
      %dma_wait3A_503 = tpu.memref_squeeze %dma_wait3A_502 : memref<1x512xi32, #tpu.memory_space<vmem>> -> memref<512xi32, #tpu.memory_space<vmem>>
      %dma_wait3A_504 = arith.constant 0 : i32
      %dma_wait3A_505 = arith.constant 0 : i32
      %dma_wait3A_506 = tpu.memref_slice %arg21[%dma_wait3A_504, %dma_wait3A_505] : memref<10240x16xf32, #tpu.memory_space<vmem_shared>> -> memref<10240x16xf32, #tpu.memory_space<vmem_shared>>
      tpu.wait_indirect_dma semaphore(%arg29 : memref<!tpu.dma_semaphore, #tpu.memory_space<semaphore_mem>>) src(%arg14 : memref<512x16xf32, #tpu.memory_space<vmem>>) dst(%dma_wait3A_506 : memref<10240x16xf32, #tpu.memory_space<vmem_shared>>)
      %add3A_507 = arith.constant 2 : i32
      %add3A_508 = arith.addi %add3A_482, %add3A_507 : i32
      %dma_start3A_509 = arith.constant 0 : i32
      %dma_start3A_510 = tpu.memref_slice %arg9[%add3A_508, %dma_start3A_509] : memref<40x512xi32, #tpu.memory_space<vmem>> -> memref<1x512xi32, #tpu.memory_space<vmem>>
      %dma_start3A_511 = tpu.memref_squeeze %dma_start3A_510 : memref<1x512xi32, #tpu.memory_space<vmem>> -> memref<512xi32, #tpu.memory_space<vmem>>
      %dma_start3A_512 = arith.constant 0 : i32
      %dma_start3A_513 = arith.constant 0 : i32
      %dma_start3A_514 = tpu.memref_slice %arg8[%arg0, %dma_start3A_512, %dma_start3A_513] : memref<2x10240x16xf32, #tpu.memory_space<hbm>> -> memref<1x10240x16xf32, #tpu.memory_space<hbm>>
      %dma_start3A_515 = tpu.memref_squeeze %dma_start3A_514 : memref<1x10240x16xf32, #tpu.memory_space<hbm>> -> memref<10240x16xf32, #tpu.memory_space<hbm>>
      %dma_start3A_516 = arith.constant 0 : i32
      %dma_start3A_517 = arith.constant 0 : i32
      %dma_start3A_518 = tpu.memref_slice %dma_start3A_515[%dma_start3A_516, %dma_start3A_517] : memref<10240x16xf32, #tpu.memory_space<hbm>> -> memref<10240x16xf32, #tpu.memory_space<hbm>>
      tpu.enqueue_indirect_dma source(%dma_start3A_518 : memref<10240x16xf32, #tpu.memory_space<hbm>>) target(%arg14 : memref<512x16xf32, #tpu.memory_space<vmem>>) offsets(%dma_start3A_511 : memref<512xi32, #tpu.memory_space<vmem>>) semaphore(%arg25 : memref<!tpu.dma_semaphore, #tpu.memory_space<semaphore_mem>>)
    }
    %scan3A_292 = arith.constant 9 : i32
    %dma_wait3A_293 = arith.constant 38 : i32
    %dma_wait3A_294 = arith.constant 0 : i32
    %dma_wait3A_295 = tpu.memref_slice %arg9[%dma_wait3A_293, %dma_wait3A_294] : memref<40x512xi32, #tpu.memory_space<vmem>> -> memref<1x512xi32, #tpu.memory_space<vmem>>
    %dma_wait3A_296 = tpu.memref_squeeze %dma_wait3A_295 : memref<1x512xi32, #tpu.memory_space<vmem>> -> memref<512xi32, #tpu.memory_space<vmem>>
    %dma_wait3A_297 = arith.constant 0 : i32
    %dma_wait3A_298 = arith.constant 0 : i32
    %dma_wait3A_299 = tpu.memref_slice %arg8[%arg0, %dma_wait3A_297, %dma_wait3A_298] : memref<2x10240x16xf32, #tpu.memory_space<hbm>> -> memref<1x10240x16xf32, #tpu.memory_space<hbm>>
    %dma_wait3A_300 = tpu.memref_squeeze %dma_wait3A_299 : memref<1x10240x16xf32, #tpu.memory_space<hbm>> -> memref<10240x16xf32, #tpu.memory_space<hbm>>
    %dma_wait3A_301 = arith.constant 0 : i32
    %dma_wait3A_302 = arith.constant 0 : i32
    %dma_wait3A_303 = tpu.memref_slice %dma_wait3A_300[%dma_wait3A_301, %dma_wait3A_302] : memref<10240x16xf32, #tpu.memory_space<hbm>> -> memref<10240x16xf32, #tpu.memory_space<hbm>>
    tpu.wait_indirect_dma semaphore(%arg24 : memref<!tpu.dma_semaphore, #tpu.memory_space<semaphore_mem>>) src(%dma_wait3A_303 : memref<10240x16xf32, #tpu.memory_space<hbm>>) dst(%arg13 : memref<512x16xf32, #tpu.memory_space<vmem>>)
    %dma_start3A_304 = arith.constant 38 : i32
    %dma_start3A_305 = arith.constant 0 : i32
    %dma_start3A_306 = tpu.memref_slice %arg10[%dma_start3A_304, %dma_start3A_305] : memref<40x512xi32, #tpu.memory_space<vmem>> -> memref<1x512xi32, #tpu.memory_space<vmem>>
    %dma_start3A_307 = tpu.memref_squeeze %dma_start3A_306 : memref<1x512xi32, #tpu.memory_space<vmem>> -> memref<512xi32, #tpu.memory_space<vmem>>
    %dma_start3A_308 = arith.constant 0 : i32
    %dma_start3A_309 = arith.constant 0 : i32
    %dma_start3A_310 = tpu.memref_slice %arg21[%dma_start3A_308, %dma_start3A_309] : memref<10240x16xf32, #tpu.memory_space<vmem_shared>> -> memref<10240x16xf32, #tpu.memory_space<vmem_shared>>
    tpu.enqueue_indirect_dma source(%arg13 : memref<512x16xf32, #tpu.memory_space<vmem>>) target(%dma_start3A_310 : memref<10240x16xf32, #tpu.memory_space<vmem_shared>>) offsets(%dma_start3A_307 : memref<512xi32, #tpu.memory_space<vmem>>) semaphore(%arg28 : memref<!tpu.dma_semaphore, #tpu.memory_space<semaphore_mem>>) {add = true}
    %dma_wait3A_311 = arith.constant 36 : i32
    %dma_wait3A_312 = arith.constant 0 : i32
    %dma_wait3A_313 = tpu.memref_slice %arg10[%dma_wait3A_311, %dma_wait3A_312] : memref<40x512xi32, #tpu.memory_space<vmem>> -> memref<1x512xi32, #tpu.memory_space<vmem>>
    %dma_wait3A_314 = tpu.memref_squeeze %dma_wait3A_313 : memref<1x512xi32, #tpu.memory_space<vmem>> -> memref<512xi32, #tpu.memory_space<vmem>>
    %dma_wait3A_315 = arith.constant 0 : i32
    %dma_wait3A_316 = arith.constant 0 : i32
    %dma_wait3A_317 = tpu.memref_slice %arg21[%dma_wait3A_315, %dma_wait3A_316] : memref<10240x16xf32, #tpu.memory_space<vmem_shared>> -> memref<10240x16xf32, #tpu.memory_space<vmem_shared>>
    tpu.wait_indirect_dma semaphore(%arg26 : memref<!tpu.dma_semaphore, #tpu.memory_space<semaphore_mem>>) src(%arg11 : memref<512x16xf32, #tpu.memory_space<vmem>>) dst(%dma_wait3A_317 : memref<10240x16xf32, #tpu.memory_space<vmem_shared>>)
    %dma_wait3A_318 = arith.constant 39 : i32
    %dma_wait3A_319 = arith.constant 0 : i32
    %dma_wait3A_320 = tpu.memref_slice %arg9[%dma_wait3A_318, %dma_wait3A_319] : memref<40x512xi32, #tpu.memory_space<vmem>> -> memref<1x512xi32, #tpu.memory_space<vmem>>
    %dma_wait3A_321 = tpu.memref_squeeze %dma_wait3A_320 : memref<1x512xi32, #tpu.memory_space<vmem>> -> memref<512xi32, #tpu.memory_space<vmem>>
    %dma_wait3A_322 = arith.constant 0 : i32
    %dma_wait3A_323 = arith.constant 0 : i32
    %dma_wait3A_324 = tpu.memref_slice %arg8[%arg0, %dma_wait3A_322, %dma_wait3A_323] : memref<2x10240x16xf32, #tpu.memory_space<hbm>> -> memref<1x10240x16xf32, #tpu.memory_space<hbm>>
    %dma_wait3A_325 = tpu.memref_squeeze %dma_wait3A_324 : memref<1x10240x16xf32, #tpu.memory_space<hbm>> -> memref<10240x16xf32, #tpu.memory_space<hbm>>
    %dma_wait3A_326 = arith.constant 0 : i32
    %dma_wait3A_327 = arith.constant 0 : i32
    %dma_wait3A_328 = tpu.memref_slice %dma_wait3A_325[%dma_wait3A_326, %dma_wait3A_327] : memref<10240x16xf32, #tpu.memory_space<hbm>> -> memref<10240x16xf32, #tpu.memory_space<hbm>>
    tpu.wait_indirect_dma semaphore(%arg25 : memref<!tpu.dma_semaphore, #tpu.memory_space<semaphore_mem>>) src(%dma_wait3A_328 : memref<10240x16xf32, #tpu.memory_space<hbm>>) dst(%arg14 : memref<512x16xf32, #tpu.memory_space<vmem>>)
    %dma_start3A_329 = arith.constant 39 : i32
    %dma_start3A_330 = arith.constant 0 : i32
    %dma_start3A_331 = tpu.memref_slice %arg10[%dma_start3A_329, %dma_start3A_330] : memref<40x512xi32, #tpu.memory_space<vmem>> -> memref<1x512xi32, #tpu.memory_space<vmem>>
    %dma_start3A_332 = tpu.memref_squeeze %dma_start3A_331 : memref<1x512xi32, #tpu.memory_space<vmem>> -> memref<512xi32, #tpu.memory_space<vmem>>
    %dma_start3A_333 = arith.constant 0 : i32
    %dma_start3A_334 = arith.constant 0 : i32
    %dma_start3A_335 = tpu.memref_slice %arg21[%dma_start3A_333, %dma_start3A_334] : memref<10240x16xf32, #tpu.memory_space<vmem_shared>> -> memref<10240x16xf32, #tpu.memory_space<vmem_shared>>
    tpu.enqueue_indirect_dma source(%arg14 : memref<512x16xf32, #tpu.memory_space<vmem>>) target(%dma_start3A_335 : memref<10240x16xf32, #tpu.memory_space<vmem_shared>>) offsets(%dma_start3A_332 : memref<512xi32, #tpu.memory_space<vmem>>) semaphore(%arg29 : memref<!tpu.dma_semaphore, #tpu.memory_space<semaphore_mem>>) {add = true}
    %dma_wait3A_336 = arith.constant 37 : i32
    %dma_wait3A_337 = arith.constant 0 : i32
    %dma_wait3A_338 = tpu.memref_slice %arg10[%dma_wait3A_336, %dma_wait3A_337] : memref<40x512xi32, #tpu.memory_space<vmem>> -> memref<1x512xi32, #tpu.memory_space<vmem>>
    %dma_wait3A_339 = tpu.memref_squeeze %dma_wait3A_338 : memref<1x512xi32, #tpu.memory_space<vmem>> -> memref<512xi32, #tpu.memory_space<vmem>>
    %dma_wait3A_340 = arith.constant 0 : i32
    %dma_wait3A_341 = arith.constant 0 : i32
    %dma_wait3A_342 = tpu.memref_slice %arg21[%dma_wait3A_340, %dma_wait3A_341] : memref<10240x16xf32, #tpu.memory_space<vmem_shared>> -> memref<10240x16xf32, #tpu.memory_space<vmem_shared>>
    tpu.wait_indirect_dma semaphore(%arg27 : memref<!tpu.dma_semaphore, #tpu.memory_space<semaphore_mem>>) src(%arg12 : memref<512x16xf32, #tpu.memory_space<vmem>>) dst(%dma_wait3A_342 : memref<10240x16xf32, #tpu.memory_space<vmem_shared>>)
    %dma_wait3A_343 = arith.constant 38 : i32
    %dma_wait3A_344 = arith.constant 0 : i32
    %dma_wait3A_345 = tpu.memref_slice %arg10[%dma_wait3A_343, %dma_wait3A_344] : memref<40x512xi32, #tpu.memory_space<vmem>> -> memref<1x512xi32, #tpu.memory_space<vmem>>
    %dma_wait3A_346 = tpu.memref_squeeze %dma_wait3A_345 : memref<1x512xi32, #tpu.memory_space<vmem>> -> memref<512xi32, #tpu.memory_space<vmem>>
    %dma_wait3A_347 = arith.constant 0 : i32
    %dma_wait3A_348 = arith.constant 0 : i32
    %dma_wait3A_349 = tpu.memref_slice %arg21[%dma_wait3A_347, %dma_wait3A_348] : memref<10240x16xf32, #tpu.memory_space<vmem_shared>> -> memref<10240x16xf32, #tpu.memory_space<vmem_shared>>
    tpu.wait_indirect_dma semaphore(%arg28 : memref<!tpu.dma_semaphore, #tpu.memory_space<semaphore_mem>>) src(%arg13 : memref<512x16xf32, #tpu.memory_space<vmem>>) dst(%dma_wait3A_349 : memref<10240x16xf32, #tpu.memory_space<vmem_shared>>)
    %dma_wait3A_350 = arith.constant 39 : i32
    %dma_wait3A_351 = arith.constant 0 : i32
    %dma_wait3A_352 = tpu.memref_slice %arg10[%dma_wait3A_350, %dma_wait3A_351] : memref<40x512xi32, #tpu.memory_space<vmem>> -> memref<1x512xi32, #tpu.memory_space<vmem>>
    %dma_wait3A_353 = tpu.memref_squeeze %dma_wait3A_352 : memref<1x512xi32, #tpu.memory_space<vmem>> -> memref<512xi32, #tpu.memory_space<vmem>>
    %dma_wait3A_354 = arith.constant 0 : i32
    %dma_wait3A_355 = arith.constant 0 : i32
    %dma_wait3A_356 = tpu.memref_slice %arg21[%dma_wait3A_354, %dma_wait3A_355] : memref<10240x16xf32, #tpu.memory_space<vmem_shared>> -> memref<10240x16xf32, #tpu.memory_space<vmem_shared>>
    tpu.wait_indirect_dma semaphore(%arg29 : memref<!tpu.dma_semaphore, #tpu.memory_space<semaphore_mem>>) src(%arg14 : memref<512x16xf32, #tpu.memory_space<vmem>>) dst(%dma_wait3A_356 : memref<10240x16xf32, #tpu.memory_space<vmem_shared>>)
    %barrier3A_357 = arith.constant 0 : index
    tpu.barrier barrier_id(%barrier3A_357)
    "tpu.region"() ({
      %run_scoped3A_364 = tpu.sem_alloc : memref<!tpu.dma_semaphore, #tpu.memory_space<semaphore_mem>>
      %dma_start3A_365 = arith.constant 0 : i32
      %dma_start3A_366 = tpu.memref_slice %arg21[%mul3A_0, %dma_start3A_365] : memref<10240x16xf32, #tpu.memory_space<vmem_shared>> -> memref<640x16xf32, #tpu.memory_space<vmem_shared>>
      %dma_start3A_367 = arith.constant 0 : i32
      %dma_start3A_368 = tpu.memref_slice %arg21[%mul3A_0, %dma_start3A_367] : memref<10240x16xf32, #tpu.memory_space<vmem_shared>> -> memref<640x16xf32, #tpu.memory_space<vmem_shared>>
      tpu.enqueue_dma source(%dma_start3A_368 : memref<640x16xf32, #tpu.memory_space<vmem_shared>>) target(%arg15 : memref<640x16xf32, #tpu.memory_space<vmem>>) target_semaphore(%run_scoped3A_364 : memref<!tpu.dma_semaphore, #tpu.memory_space<semaphore_mem>>)
      %dma_wait3A_369 = arith.constant 0 : i32
      %dma_wait3A_370 = tpu.memref_slice %arg21[%mul3A_0, %dma_wait3A_369] : memref<10240x16xf32, #tpu.memory_space<vmem_shared>> -> memref<640x16xf32, #tpu.memory_space<vmem_shared>>
      %dma_wait3A_371 = arith.constant 0 : i32
      %dma_wait3A_372 = tpu.memref_slice %arg21[%mul3A_0, %dma_wait3A_371] : memref<10240x16xf32, #tpu.memory_space<vmem_shared>> -> memref<640x16xf32, #tpu.memory_space<vmem_shared>>
      tpu.wait_dma2 semaphore(%run_scoped3A_364 : memref<!tpu.dma_semaphore, #tpu.memory_space<semaphore_mem>>) src(%dma_wait3A_372 : memref<640x16xf32, #tpu.memory_space<vmem_shared>>) dst(%arg15 : memref<640x16xf32, #tpu.memory_space<vmem>>)
      tpu.yield
    }) : () -> ()
    %scan3A_358 = arith.constant 0 : i32
    %scan3A_359 = arith.constant 0 : i32
    %scan3A_360 = arith.constant 640 : i32
    %scan3A_361 = arith.addi %scan3A_359, %scan3A_360 : i32
    %scan3A_362 = arith.constant 1 : i32
    scf.for %scan3A_364 = %scan3A_359 to %scan3A_361 step %scan3A_362  : i32 {
      %get3A = arith.index_cast %scan3A_364 : i32 to index
      %get3A_365 = arith.constant 0 : index
      %get3A_366 = tpu.vector_load %arg15[%get3A, %get3A_365] {strides = array<i32>} : memref<640x16xf32, #tpu.memory_space<vmem>>, vector<1x16xf32>,
      %get3A_367 = vector.shape_cast %get3A_366 : vector<1x16xf32> to vector<16xf32>
      %get3A_368 = arith.index_cast %scan3A_364 : i32 to index
      %get3A_369 = arith.constant 0 : index
      %get3A_370 = tpu.vector_load %arg16[%get3A_368, %get3A_369] {strides = array<i32>} : memref<640x16xf32, #tpu.memory_space<vmem>>, vector<1x16xf32>,
      %get3A_371 = vector.shape_cast %get3A_370 : vector<1x16xf32> to vector<16xf32>
      %add3A = arith.addf %get3A_367, %get3A_371 : vector<16xf32>
      %get3A_372 = arith.index_cast %scan3A_364 : i32 to index
      %get3A_373 = arith.constant 0 : index
      %get3A_374 = tpu.vector_load %arg19[%get3A_372, %get3A_373] {strides = array<i32>} : memref<640x16xf32, #tpu.memory_space<vmem>>, vector<1x16xf32>,
      %get3A_375 = vector.shape_cast %get3A_374 : vector<1x16xf32> to vector<16xf32>
      %mul3A_376 = arith.mulf %add3A, %get3A_375 : vector<16xf32>
      %swap3A = arith.index_cast %scan3A_364 : i32 to index
      %swap3A_377 = arith.constant 0 : index
      %swap3A_378 = tpu.vector_load %arg15[%swap3A, %swap3A_377] {strides = array<i32>} : memref<640x16xf32, #tpu.memory_space<vmem>>, vector<1x16xf32>,
      %swap3A_379 = vector.shape_cast %swap3A_378 : vector<1x16xf32> to vector<16xf32>
      %swap3A_380 = vector.shape_cast %mul3A_376 : vector<16xf32> to vector<1x16xf32>
      tpu.vector_store %arg15[%swap3A, %swap3A_377], %swap3A_380 {strides = array<i32>} : memref<640x16xf32, #tpu.memory_space<vmem>>, vector<1x16xf32>,
    }
    %scan3A_363 = arith.constant 640 : i32
    "tpu.region"() ({
      %run_scoped3A_364 = tpu.sem_alloc : memref<!tpu.dma_semaphore, #tpu.memory_space<semaphore_mem>>
      %dma_start3A_365 = arith.constant 0 : i32
      %dma_start3A_366 = tpu.memref_slice %arg6[%arg0, %mul3A_0, %dma_start3A_365] : memref<2x10240x16xf32, #tpu.memory_space<hbm>> -> memref<1x640x16xf32, #tpu.memory_space<hbm>>
      %dma_start3A_367 = tpu.memref_squeeze %dma_start3A_366 : memref<1x640x16xf32, #tpu.memory_space<hbm>> -> memref<640x16xf32, #tpu.memory_space<hbm>>
      %dma_start3A_368 = arith.constant 0 : i32
      %dma_start3A_369 = tpu.memref_slice %arg6[%arg0, %mul3A_0, %dma_start3A_368] : memref<2x10240x16xf32, #tpu.memory_space<hbm>> -> memref<1x640x16xf32, #tpu.memory_space<hbm>>
      %dma_start3A_370 = tpu.memref_squeeze %dma_start3A_369 : memref<1x640x16xf32, #tpu.memory_space<hbm>> -> memref<640x16xf32, #tpu.memory_space<hbm>>
      tpu.enqueue_dma source(%arg15 : memref<640x16xf32, #tpu.memory_space<vmem>>) target(%dma_start3A_370 : memref<640x16xf32, #tpu.memory_space<hbm>>) target_semaphore(%run_scoped3A_364 : memref<!tpu.dma_semaphore, #tpu.memory_space<semaphore_mem>>)
      %dma_wait3A_371 = arith.constant 0 : i32
      %dma_wait3A_372 = tpu.memref_slice %arg6[%arg0, %mul3A_0, %dma_wait3A_371] : memref<2x10240x16xf32, #tpu.memory_space<hbm>> -> memref<1x640x16xf32, #tpu.memory_space<hbm>>
      %dma_wait3A_373 = tpu.memref_squeeze %dma_wait3A_372 : memref<1x640x16xf32, #tpu.memory_space<hbm>> -> memref<640x16xf32, #tpu.memory_space<hbm>>
      %dma_wait3A_374 = arith.constant 0 : i32
      %dma_wait3A_375 = tpu.memref_slice %arg6[%arg0, %mul3A_0, %dma_wait3A_374] : memref<2x10240x16xf32, #tpu.memory_space<hbm>> -> memref<1x640x16xf32, #tpu.memory_space<hbm>>
      %dma_wait3A_376 = tpu.memref_squeeze %dma_wait3A_375 : memref<1x640x16xf32, #tpu.memory_space<hbm>> -> memref<640x16xf32, #tpu.memory_space<hbm>>
      tpu.wait_dma2 semaphore(%run_scoped3A_364 : memref<!tpu.dma_semaphore, #tpu.memory_space<semaphore_mem>>) src(%arg15 : memref<640x16xf32, #tpu.memory_space<vmem>>) dst(%dma_wait3A_376 : memref<640x16xf32, #tpu.memory_space<hbm>>)
      tpu.yield
    }) : () -> ()
    return
  }
}

module attributes {stable_mosaic.version = 14 : i64} {
  func.func @_h1_body(%arg0: i32, %arg1: memref<1000x128xf32, #tpu.memory_space<vmem>>, %arg2: memref<128x32xf32, #tpu.memory_space<vmem>>, %arg3: memref<1000x32xf32, #tpu.memory_space<vmem>>) attributes {dimension_semantics = [#tpu.dimension_semantics<arbitrary>], iteration_bounds = array<i64: 10>, scalar_prefetch = 0 : i64, scratch_operands = 0 : i64, tpu.core_type = #tpu.core_type<tc>, window_params = [{transform_indices = @transform_0, window_bounds = array<i64: 1000, 128>}, {pipeline_mode = #tpu.pipeline_mode<synchronous>, transform_indices = @transform_1, window_bounds = array<i64: 128, 32>}, {transform_indices = @transform_2, window_bounds = array<i64: 1000, 32>}]} {
    %get3A = arith.constant 0 : index
    %get3A_0 = arith.constant 0 : index
    %get3A_1 = vector.load %arg1[%get3A, %get3A_0] : memref<1000x128xf32, #tpu.memory_space<vmem>>, vector<1000x128xf32>
    %get3A_2 = arith.constant 0 : index
    %get3A_3 = arith.constant 0 : index
    %get3A_4 = vector.load %arg2[%get3A_2, %get3A_3] : memref<128x32xf32, #tpu.memory_space<vmem>>, vector<128x32xf32>
    %dot_general3A = arith.constant dense<0.000000e+00> : vector<1000x32xf32>
    %dot_general3A_5 = tpu.matmul %get3A_1, %get3A_4, %dot_general3A {dimension_numbers = #tpu.dot_dimension_numbers<[1], [0], [0], [1], [0, 0, 1, 1], [], []>, transpose_lhs_hint = false} : vector<1000x128xf32>, vector<128x32xf32>, vector<1000x32xf32> -> vector<1000x32xf32>
    %swap3A = arith.constant 0 : index
    %swap3A_6 = arith.constant 0 : index
    %swap3A_7 = vector.load %arg3[%swap3A, %swap3A_6] : memref<1000x32xf32, #tpu.memory_space<vmem>>, vector<1000x32xf32>
    tpu.vector_store %arg3[%swap3A, %swap3A_6], %dot_general3A_5 {strides = array<i32>} : memref<1000x32xf32, #tpu.memory_space<vmem>>, vector<1000x32xf32>,
    return
  }
  func.func @transform_0(%arg0: i32) -> (i32, i32) {
    %c0_i32 = arith.constant 0 : i32
    %c0_i32_0 = arith.constant 0 : i32
    return %arg0, %c0_i32 : i32, i32
  }
  func.func @transform_1(%arg0: i32) -> (i32, i32) {
    %c0_i32 = arith.constant 0 : i32
    %c0_i32_0 = arith.constant 0 : i32
    %c0_i32_1 = arith.constant 0 : i32
    return %c0_i32, %c0_i32_0 : i32, i32
  }
  func.func @transform_2(%arg0: i32) -> (i32, i32) {
    %c0_i32 = arith.constant 0 : i32
    %c0_i32_0 = arith.constant 0 : i32
    return %arg0, %c0_i32 : i32, i32
  }
}

module attributes {stable_mosaic.version = 14 : i64} {
  func.func @_zmat_body(%arg0: i32, %arg1: memref<1024x32xf32, #tpu.memory_space<vmem>>, %arg2: memref<32x8xf32, #tpu.memory_space<vmem>>, %arg3: memref<1024x8xf32, #tpu.memory_space<vmem>>) attributes {dimension_semantics = [#tpu.dimension_semantics<arbitrary>], iteration_bounds = array<i64: 10>, scalar_prefetch = 0 : i64, scratch_operands = 0 : i64, tpu.core_type = #tpu.core_type<tc>, window_params = [{transform_indices = @transform_0, window_bounds = array<i64: 1024, 32>}, {pipeline_mode = #tpu.pipeline_mode<synchronous>, transform_indices = @transform_1, window_bounds = array<i64: 32, 8>}, {transform_indices = @transform_2, window_bounds = array<i64: 1024, 8>}]} {
    %get3A = arith.constant 0 : index
    %get3A_0 = arith.constant 0 : index
    %get3A_1 = vector.load %arg1[%get3A, %get3A_0] : memref<1024x32xf32, #tpu.memory_space<vmem>>, vector<1024x32xf32>
    %get3A_2 = arith.constant 0 : index
    %get3A_3 = arith.constant 0 : index
    %get3A_4 = vector.load %arg2[%get3A_2, %get3A_3] : memref<32x8xf32, #tpu.memory_space<vmem>>, vector<32x8xf32>
    %dot_general3A = arith.constant dense<0.000000e+00> : vector<1024x8xf32>
    %dot_general3A_5 = tpu.matmul %get3A_1, %get3A_4, %dot_general3A {dimension_numbers = #tpu.dot_dimension_numbers<[1], [0], [0], [1], [0, 0, 1, 1], [], []>, transpose_lhs_hint = false} : vector<1024x32xf32>, vector<32x8xf32>, vector<1024x8xf32> -> vector<1024x8xf32>
    %swap3A = arith.constant 0 : index
    %swap3A_6 = arith.constant 0 : index
    %swap3A_7 = vector.load %arg3[%swap3A, %swap3A_6] : memref<1024x8xf32, #tpu.memory_space<vmem>>, vector<1024x8xf32>
    tpu.vector_store %arg3[%swap3A, %swap3A_6], %dot_general3A_5 {strides = array<i32>} : memref<1024x8xf32, #tpu.memory_space<vmem>>, vector<1024x8xf32>,
    return
  }
  func.func @transform_0(%arg0: i32) -> (i32, i32) {
    %c0_i32 = arith.constant 0 : i32
    %c0_i32_0 = arith.constant 0 : i32
    return %arg0, %c0_i32 : i32, i32
  }
  func.func @transform_1(%arg0: i32) -> (i32, i32) {
    %c0_i32 = arith.constant 0 : i32
    %c0_i32_0 = arith.constant 0 : i32
    %c0_i32_1 = arith.constant 0 : i32
    return %c0_i32, %c0_i32_0 : i32, i32
  }
  func.func @transform_2(%arg0: i32) -> (i32, i32) {
    %c0_i32 = arith.constant 0 : i32
    %c0_i32_0 = arith.constant 0 : i32
    return %arg0, %c0_i32 : i32, i32
  }
}

</mosaic_0001>

<sc_bundles>
// kernel: kernel.6.cloned.1.call-start
scs
__scs_entry_jumppad:
0x0: {  	(pc) =	sbr.rel $0x88, $3  }
0x1: {  	(tag) =	ssettag $0x0;
	lr =	simm.s32 $0x1  }
0x2: {  	[smem:$0x3F9D] =	sst lr;
	_ =	strace $0xD0000000  }
0x3: {  	_ = 	snop  }
0x4: {  	_ = 	snop  }
0x5: {  	_ = 	snop  }
0x6: {  	_ = 	snop  }
0x7: {  	_ = 	snop  }
__scs_overlays_trampoline_lowered:
0x8: {  	[smem:$0x3FAC] =	sst s0  }
0x9: {  	[smem:$0x3FAD] =	sst s1  }
0xa: {  	[smem:$0x3FAE] =	sst s2  }
0xb: {  	[smem:$0x3FAF] =	sst s3  }
0xc: {  	[smem:$0x3FB0] =	sst s4  }
0xd: {  	[smem:$0x3FB1] =	sst s5  }
0xe: {  	[smem:$0x3FB2] =	sst s6  }
0xf: {  	[smem:$0x3FB3] =	sst s7  }
0x10: {  	[smem:$0x3FB4] =	sst s8  }
0x11: {  	[smem:$0x3FB5] =	sst s9;
	s0 =	simm.s32 @!p0 $0x0  }
0x12: {  	s1 =	sld [smem:$0x3F9B];
	s0 =	simm.s32 @p0 $0x1  }
0x13: {  	[smem:$0x3FB6] =	sst s0;
	s0 =	simm.s32 @!p1 $0x0  }
0x14: {  	s2 =	sld [smem:$0x3F9A];
	s0 =	simm.s32 @p1 $0x1  }
0x15: {  	[smem:$0x3FB7] =	sst s0;
	s0 =	simm.s32 @!p2 $0x0  }
0x16: {  	s3 =	sld [smem:$0x3FDB];
	s0 =	simm.s32 @p2 $0x1  }
0x17: {  	s4 =	simm.s32 $0x1BF5;
	[smem:$0x3FB9] =	sst s0  }
0x18: {  	s0 =	sld [smem:$0x3F9C];
	_ =	swait.ge [sflag:s4], $0x0  }
0x19: {  	s7 =	sld [smem:$0x3F9D]  }
0x1a: {  	s8 =	sadd.s32 $0xFFFFE003, lr  }
0x1b: {  	s9 =	sadd.s32 $0xFFFFFEF7, lr;
	s5 =	simm.s32 $0xFFFFFFFF;
	p2 =	slt.u32 s8, $0xFFFFF086  }
0x1c: {  	p1 =	slt.u32 s9, $0xF7A;
	s5 =	simm.s32 @!p2 $0x0  }
0x1d: {  	s5 =	simm.s32 @p1 $0x1;
	p0 =	seq.s32 s7, s2  }
0x1e: {  	s7 =	smul.u32 @!p0 $0xF7A, s2;
	p2 =	seq.s32 @!p0 s5, $0x0  }
0x1f: {  	s9 =	smul.u32 $0xF7A, s1;
	s8 =	simm.s32 @!p0 $0x1BF5;
	p2 =	por !p2, p0  }
0x20: {  	[sflag:s8] =	ssyncset.s32 @!p0 $0xFFFFF086;
	s6 =	sadd.s32 @!p0 s3, s7;
	s7 =	simm.s32 @!p0 $0x108  }
0x21: {  	s3 =	sadd.s32 s3, s9;
	s6 =	sadd.s32 @!p0 $0x88, s6;
	s7 =	simm.s32 @p2 $0x1082  }
0x22: {  	[simem:s7], [sflag:s8] =	dma.local @!p0 [hbm:s6], $0xF7A  }
0x23: {  	s9 =	sor.u32 $0xD0000000, s2;
	s6 =	simm.s32 $0x108;
	_ =	swait.ge @!p0 [sflag:s8], $0x0  }
0x24: {  	s3 =	sadd.s32 $0x88, s3;
	s6 =	simm.s32 @!p1 $0x1082;
	[sflag:s4] =	ssyncset.s32 $0xFFFFF086  }
0x25: {  	[simem:s6], [sflag:s4] =	dma.local [hbm:s3], $0xF7A  }
0x26: {  	[smem:$0x3F9D] =	sst s1;
	(tag) =	ssettag s2;
	_ =	strace s9  }
0x27: {  	s1 =	sld [smem:$0x3FAD]  }
0x28: {  	s2 =	sld [smem:$0x3FAE]  }
0x29: {  	s4 =	sld [smem:$0x3FB0]  }
0x2a: {  	p0 =	seq.s32 s5, $0x0;
	s5 =	sld [smem:$0x3FB1]  }
0x2b: {  	s6 =	sld [smem:$0x3FB2]  }
0x2c: {  	s7 =	sld [smem:$0x3FB3]  }
0x2d: {  	s3 =	simm.s32 $0x108;
	s8 =	sld [smem:$0x3FB4]  }
0x2e: {  	s3 =	simm.s32 @!p0 $0x1082;
	s9 =	sld [smem:$0x3FB5]  }
0x2f: {  	lr =	sadd.s32 s0, s3;
	s0 =	sld [smem:$0x3FAC]  }
0x30: {  	s3 =	sld [smem:$0x3FAF]  }
0x31: {  	[smem:$0x3FB8] =	sst s10  }
0x32: {  	s10 =	sld [smem:$0x3FB6];
	_ =	sdelay $0x3  }
0x33: {  	p0 =	seq.s32 s10, $0x1;
	s10 =	sld [smem:$0x3FB8];
	_ =	sdelay $0x3  }
0x34: {  	[smem:$0x3FB8] =	sst s10  }
0x35: {  	s10 =	sld [smem:$0x3FB7];
	_ =	sdelay $0x3  }
0x36: {  	p1 =	seq.s32 s10, $0x1;
	s10 =	sld [smem:$0x3FB8];
	_ =	sdelay $0x3  }
0x37: {  	[smem:$0x3FB8] =	sst s10  }
0x38: {  	s10 =	sld [smem:$0x3FB9]  }
0x39: {  	_ = 	snop;
	(pc) =	sbr.ind lr, $3  }
0x3a: {  	_ = 	snop  }
0x3b: {  	_ = 	snop  }
0x3c: {  	p2 =	seq.s32 s10, $0x1;
	s10 =	sld [smem:$0x3FB8]  }
0x3d: {  	_ =	shalt  }
0x3e: {  	_ =	shalt  }
0x3f: {  	_ =	shalt  }
0x40: {  	_ =	shalt  }
0x41: {  	_ =	shalt  }
0x42: {  	_ =	shalt  }
0x43: {  	_ =	shalt  }
0x44: {  	_ =	shalt  }
0x45: {  	_ =	shalt  }
0x46: {  	_ =	shalt  }
0x47: {  	_ =	shalt  }
0x48: {  	_ =	shalt  }
0x49: {  	_ =	shalt  }
0x4a: {  	_ =	shalt  }
0x4b: {  	_ =	shalt  }
0x4c: {  	_ =	shalt  }
0x4d: {  	_ =	shalt  }
0x4e: {  	_ =	shalt  }
0x4f: {  	_ =	shalt  }
0x50: {  	_ =	shalt  }
0x51: {  	_ =	shalt  }
0x52: {  	_ =	shalt  }
0x53: {  	_ =	shalt  }
0x54: {  	_ =	shalt  }
0x55: {  	_ =	shalt  }
0x56: {  	_ =	shalt  }
0x57: {  	_ =	shalt  }
0x58: {  	_ =	shalt  }
0x59: {  	_ =	shalt  }
0x5a: {  	_ =	shalt  }
0x5b: {  	_ =	shalt  }
0x5c: {  	_ =	shalt  }
0x5d: {  	_ =	shalt  }
0x5e: {  	_ =	shalt  }
0x5f: {  	_ =	shalt  }
0x60: {  	_ =	shalt  }
0x61: {  	_ =	shalt  }
0x62: {  	_ =	shalt  }
0x63: {  	_ =	shalt  }
0x64: {  	_ =	shalt  }
0x65: {  	_ =	shalt  }
0x66: {  	_ =	shalt  }
0x67: {  	_ =	shalt  }
0x68: {  	_ =	shalt  }
0x69: {  	_ =	shalt  }
0x6a: {  	_ =	shalt  }
0x6b: {  	_ =	shalt  }
0x6c: {  	_ =	shalt  }
0x6d: {  	_ =	shalt  }
0x6e: {  	_ =	shalt  }
0x6f: {  	_ =	shalt  }
0x70: {  	_ =	shalt  }
0x71: {  	_ =	shalt  }
0x72: {  	_ =	shalt  }
0x73: {  	_ =	shalt  }
0x74: {  	_ =	shalt  }
0x75: {  	_ =	shalt  }
0x76: {  	_ =	shalt  }
0x77: {  	_ =	shalt  }
0x78: {  	_ =	shalt  }
0x79: {  	_ =	shalt  }
0x7a: {  	_ =	shalt  }
0x7b: {  	_ =	shalt  }
0x7c: {  	_ =	shalt  }
0x7d: {  	_ =	shalt  }
0x7e: {  	_ =	shalt  }
0x7f: {  	_ =	shalt  }
0x80: {  	_ =	shalt  }
0x81: {  	_ =	shalt  }
0x82: {  	_ =	shalt  }
0x83: {  	_ =	shalt  }
0x84: {  	_ =	shalt  }
0x85: {  	_ =	shalt  }
0x86: {  	_ =	shalt  }
0x87: {  	_ =	shalt  }
.Lfunc_end0:
.L_simem_size_0:
called_computation_lowered:
.L_overlay_start_0:
0x88: {  	s2 =	sld [smem:$0x3FD9]  }
0x89: {  	s3 =	sld [smem:$0x3FFE];
	_ =	sdelay $0x1  }
0x8a: {  	s1 =	srdreg.scid  }
0x8b: {  	s0 =	sand.u32 $0x1, s1  }
0x8c: {  	s14 =	sshll.u32 s0, $0xA;
	s2 =	sadd.s32 s3, s2  }
0x8d: {  	s2 =	sadd.s32 s2, s14  }
0x8e: {  	[smem:$0x3FC4] =	sst s2  }
0x8f: {  	_ = 	snop  }
0x90: {  	s2 =	sld [smem:$0x3FD0];
	_ =	sdelay $0x2  }
0x91: {  	s15 =	simm.s32 $0xA;
	s4 =	simm.s32 $0x10  }
0x92: {  	[smem:s4], [sflag:s15] =	dma.local [hbm:s2], $0x1  }
0x93: {  	_ =	swait.eq [sflag:s15], $0x1  }
0x94: {  	[sflag:s15] =	ssyncset.done $0x0  }
0x95: {  	[sflag:s15] =	ssyncadd.s32 $0xFFFFFFFF  }
0x96: {  	s16 =	sld [smem:$0x11];
	(tm) =	ssettm $0x1  }
0x97: {  	s17 =	sld [smem:$0x3FFB];
	_ =	sdelay $0x3  }
0x98: {  	_ =	strace s17  }
0x99: {  	s3 =	sld [smem:$0x3FFC];
	_ =	sdelay $0x3  }
0x9a: {  	_ =	strace s3  }
0x9b: {  	s3 =	sld [smem:$0x3FFD];
	_ =	sdelay $0x3  }
0x9c: {  	_ =	strace s3  }
0x9d: {  	_ =	strace $0x8FFFFFFF  }
0x9e: {  	s18 =	sld [smem:$0x3FDB];
	_ =	sdelay $0x1  }
0x9f: {  	s19 =	simm.s32 $_scs_section_size  }
0xa0: {  	s5 =	simm.s32 $_size__tile_overlayer_lowered;
	s6 =	simm.s32 $_tile_overlayer_lowered  }
0xa1: {  	s22 =	simm.s32 $0x1BFF;
	s21 =	sshll.u32 s6, $0x1;
	s3 =	sadd.s32 s19, s18  }
0xa2: {  	s7 =	simm.s32 $0x0;
	s20 =	sshll.u32 s5, $0x1;
	s5 =	sadd.s32 s21, s3  }
0xa3: {  	[timem:s7], [sflag:s22] =	dma.local [hbm:s5], s20  }
0xa4: {  	_ =	swait.ge [sflag:s22], s20  }
0xa5: {  	s4 =	ssub.s32 $0x0, s20;
	[sflag:s22] =	ssyncset.done $0x0  }
0xa6: {  	[sflag:s22] =	ssyncadd.s32 s4;
	_ =	sdelay $0x1  }
0xa7: {  	s23 =	simm.s32 $0x1B8B  }
0xa8: {  	_ =	swait.ge [sflag:s23], $0x1  }
0xa9: {  	[sflag:s23] =	ssyncset.done $0x0  }
0xaa: {  	s25 =	simm.s32 $0x1B8E;
	s24 =	sld [smem:$0x3FFE];
	[sflag:s23] =	ssyncadd.s32 $0xFFFFFFFF  }
0xab: {  	s26 =	simm.s32 $execute0_lowered;
	[smem:$0x3FD2] =	sst s25  }
0xac: {  	s5 =	sshll.u32 s26, $0x1;
	_ =	strace $0x80000046;
	[dreg:$0x1] =	wrdreg $0xFFFFFFFF  }
0xad: {  	s28 =	simm.s32 $_size_execute0_lowered;
	s3 =	sadd.s32 s3, s5;
	[dreg:$0x0] =	wrdreg $0x0  }
0xae: {  	s5 =	sshll.u32 s28, $0x1;
	[dreg:$0x2] =	wrdreg s3  }
0xaf: {  	[dreg:$0x3] =	wrdreg s5  }
0xb0: {  	[dreg:$0x4] =	wrdreg $0xC0  }
0xb1: {  	_ =	task [dreg:s7], $0x5FFFF  }
0xb2: {  	[dreg:$0x1] =	wrdreg $0xFFFFFFFF  }
0xb3: {  	[dreg:$0x0] =	wrdreg $0x60  }
0xb4: {  	[dreg:$0x2] =	wrdreg s24  }
0xb5: {  	[dreg:$0x3] =	wrdreg s16  }
0xb6: {  	[dreg:$0x4] =	wrdreg $0x2C800  }
0xb7: {  	[dreg:$0x5] =	wrdreg $0x9  }
0xb8: {  	_ =	task.clear_ibuf [dreg:s7], $0x6FFFF;
	_ =	strace $0x90000046  }
0xb9: {  	s29 =	simm.s32 $0x9;
	_ =	strace $0x80000048  }
0xba: {  	_ =	swait.ge [sflag:s29], $0x1  }
0xbb: {  	[sflag:s29] =	ssyncadd.s32 $0xFFFFFFFF  }
0xbc: {  	_ =	strace $0x90000048  }
0xbd: {  	_ =	sfence  }
0xbe: {  	s30 =	sld [smem:$0x0];
	_ =	sdelay $0x2  }
0xbf: {  	s31 =	sshll.u32 s1, $0xD;
	s1 =	sshrl.u32 s1, $0x2  }
0xc0: {  	s3 =	sand.u32 $0x4000, s31;
	s1 =	sadd.s32 s1, s30  }
0xc1: {  	s0 =	sor.u32 s3, s0;
	s1 =	sshll.u32 s1, $0x11  }
0xc2: {  	s0 =	sor.u32 s1, s0  }
0xc3: {  	s0 =	sadd.s32 $0x8F2B, s0  }
0xc4: {  	[sflag:s0] =	ssyncadd.remote.s32 $0x1  }
0xc5: {  	_ =	sfence.sel $0xFFFF  }
0xc6: {  	[dreg:$0x0] =	wrdreg $0xFFFFFFFF;
	(pc) =	sbr.abs _section_cstart, $3  }
0xc7: {  	[dreg:$0x1] =	wrdreg $0xFFFFFFFF  }
0xc8: {  	_ =	task.clear_ibuf [dreg:s7], $0x2FFFF;
	_ =	strace $0x9FFFFFFF  }
0xc9: {  	(tm) =	ssettm $0x7FFFFFFF  }
tec
execute0_lowered:
.L_overlay_start_1:
0x0: {  	(tag) =	ssettag $0x1  }
0x1: {  	s5 =	rddreg [dreg:$0x0]  }
0x2: {  	s4 =	rddreg [dreg:$0x1];
	s2 =	simm.s32 $0x0  }
0x3: {  	v0 =	vimm.f32 $0.0e+00;
	[smem:$0x7FF] =	sst s2  }
0x4: {  	s1 =	rddreg [dreg:$0x2];
	v1 =	vimm.f32 $1.000000000e+00;
	_ =	strace $0x80000047;
	[tilespmem:$0x2A00] =	vst v0  }
0x5: {  	[tilespmem:$0x29F0] =	vst v1  }
0x6: {  	[tilespmem:$0x29E0] =	vst v1  }
0x7: {  	[tilespmem:$0x29D0] =	vst v1  }
0x8: {  	[tilespmem:$0x29C0] =	vst v1  }
0x9: {  	[tilespmem:$0x29B0] =	vst v1  }
0xa: {  	[tilespmem:$0x29A0] =	vst v1  }
0xb: {  	[tilespmem:$0x2990] =	vst v1  }
0xc: {  	[tilespmem:$0x2980] =	vst v1  }
0xd: {  	[tilespmem:$0x2970] =	vst v1  }
0xe: {  	[tilespmem:$0x2960] =	vst v1  }
0xf: {  	[tilespmem:$0x2950] =	vst v1  }
0x10: {  	[tilespmem:$0x2940] =	vst v1  }
0x11: {  	[tilespmem:$0x2930] =	vst v1  }
0x12: {  	[tilespmem:$0x2920] =	vst v1  }
0x13: {  	[tilespmem:$0x2910] =	vst v1  }
0x14: {  	[tilespmem:$0x2900] =	vst v1  }
0x15: {  	[tilespmem:$0x28F0] =	vst v1  }
0x16: {  	[tilespmem:$0x28E0] =	vst v1  }
0x17: {  	[tilespmem:$0x28D0] =	vst v1  }
0x18: {  	[tilespmem:$0x28C0] =	vst v1  }
0x19: {  	[tilespmem:$0x28B0] =	vst v1  }
0x1a: {  	[tilespmem:$0x28A0] =	vst v1  }
0x1b: {  	[tilespmem:$0x2890] =	vst v1  }
0x1c: {  	[tilespmem:$0x2880] =	vst v1  }
0x1d: {  	[tilespmem:$0x2870] =	vst v1  }
0x1e: {  	[tilespmem:$0x2860] =	vst v1  }
0x1f: {  	[tilespmem:$0x2850] =	vst v1  }
0x20: {  	[tilespmem:$0x2840] =	vst v1  }
0x21: {  	[tilespmem:$0x2830] =	vst v1  }
0x22: {  	[tilespmem:$0x2820] =	vst v1  }
0x23: {  	[tilespmem:$0x2810] =	vst v1  }
0x24: {  	[tilespmem:$0x2800] =	vst v1  }
0x25: {  	[tilespmem:$0x2C70] =	vst v0  }
0x26: {  	[tilespmem:$0x2C60] =	vst v0  }
0x27: {  	[tilespmem:$0x2C50] =	vst v0  }
0x28: {  	[tilespmem:$0x2C40] =	vst v0  }
0x29: {  	[tilespmem:$0x2C30] =	vst v0  }
0x2a: {  	[tilespmem:$0x2C20] =	vst v0  }
0x2b: {  	[tilespmem:$0x2C10] =	vst v0  }
0x2c: {  	[tilespmem:$0x2C00] =	vst v0  }
0x2d: {  	[tilespmem:$0x2BF0] =	vst v0  }
0x2e: {  	[tilespmem:$0x2BE0] =	vst v0  }
0x2f: {  	[tilespmem:$0x2BD0] =	vst v0  }
0x30: {  	[tilespmem:$0x2BC0] =	vst v0  }
0x31: {  	[tilespmem:$0x2BB0] =	vst v0  }
0x32: {  	[tilespmem:$0x2BA0] =	vst v0  }
0x33: {  	[tilespmem:$0x2B90] =	vst v0  }
0x34: {  	[tilespmem:$0x2B80] =	vst v0  }
0x35: {  	[tilespmem:$0x2B70] =	vst v0  }
0x36: {  	[tilespmem:$0x2B60] =	vst v0  }
0x37: {  	[tilespmem:$0x2B50] =	vst v0  }
0x38: {  	[tilespmem:$0x2B40] =	vst v0  }
0x39: {  	[tilespmem:$0x2B30] =	vst v0  }
0x3a: {  	[tilespmem:$0x2B20] =	vst v0  }
0x3b: {  	[tilespmem:$0x2B10] =	vst v0  }
0x3c: {  	[tilespmem:$0x2B00] =	vst v0  }
0x3d: {  	[tilespmem:$0x2AF0] =	vst v0  }
0x3e: {  	[tilespmem:$0x2AE0] =	vst v0  }
0x3f: {  	[tilespmem:$0x2AD0] =	vst v0  }
0x40: {  	[tilespmem:$0x2AC0] =	vst v0  }
0x41: {  	[tilespmem:$0x2AB0] =	vst v0  }
0x42: {  	s6 =	srdreg.scid;
	s3 =	stileid.u32;
	[tilespmem:$0x2AA0] =	vst v0  }
0x43: {  	s28 =	sand.u32 $0x1, s6;
	s23 =	smul.u32 $0x5000, s3;
	[tilespmem:$0x2A90] =	vst v0  }
0x44: {  	s7 =	smul.u32 $0x2800, s28;
	[tilespmem:$0x2A80] =	vst v0  }
0x45: {  	[tilespmem:$0x2A70] =	vst v0  }
0x46: {  	s8 =	smul.u32 $0x280, s3;
	[tilespmem:$0x2A60] =	vst v0;
	s6 =	sadd.s32 s7, s23  }
0x47: {  	s9 =	simm.s32 $0x2A00;
	[tilespmem:$0x2A50] =	vst v0;
	s6 =	sshrl.u32 s6, $0x3  }
0x48: {  	[dreg:$0x6] =	wrdreg s9;
	[tilespmem:$0x2A40] =	vst v0;
	s24 =	sadd.s32 s8, s7;
	s5 =	sadd.s32 s6, s5  }
0x49: {  	[tilespmem:$0x2A30] =	vst v0;
	s25 =	rddreg [dreg:$0x6];
	s6 =	sshrl.u32 s24, $0x3;
	s5 =	sadd.s32 $0xC00, s5  }
0x4a: {  	[tilespmem:$0x2A20] =	vst v0;
	s26 =	sadd.s32 s4, s6;
	[dreg:$0x4] =	wrdreg s5  }
0x4b: {  	[tilespmem:$0x2A10] =	vst v0;
	s4 =	sadd.s32 s8, s1;
	[dreg:$0x5] =	wrdreg s26;
	s5 =	simm.s32 $0x2  }
0x4c: {  	[spmem:s4] =	stream.linear.scatter [tilespmem:s25], [sflag:$0x2], $0x280, $0x38;
	[tilespmem:$0x2F00] =	vst v63  }
0x4d: {  	_ =	swait.ge [sflag:s5], $0x280  }
0x4e: {  	[sflag:s5] =	ssyncset.done $0x0  }
0x4f: {  	s6 =	simm.s32 $0x1;
	s31 =	rddreg [dreg:$0x4];
	[sflag:s5] =	ssyncadd.s32 $0xFFFFFD80  }
0x50: {  	[tilespmem:s2], [sflag:$0x1] =	stream.linear.gather [hbm4b:s31+s2], $0x2800, $0x38;
	[tilespmem:$0x2F00] =	vst v63  }
0x51: {  	_ =	swait.ge [sflag:s6], $0x2800  }
0x52: {  	[sflag:s6] =	ssyncset.done $0x0  }
0x53: {  	[sflag:s6] =	ssyncadd.s32 $0xFFFFD800  }
0x54: {  	s7 =	simm.s32 $0x200;
	s8 =	simm.s32 $0x2800;
	[bflag:$0x0] =	sbarrier.arrive $0xFFFF  }
0x55: {  	[spmem:s1] =	stream.indirect.scatter.add.f32 [tilespmem:s8], [sflag:$0x2], $0x1, s2, s7, $0xb8;
	[tilespmem:$0x2F00] =	vst v63  }
0x56: {  	_ =	swait.ge [sflag:s5], $0x200  }
0x57: {  	[sflag:s5] =	ssyncset.done $0x0  }
0x58: {  	[sflag:s5] =	ssyncadd.s32 $0xFFFFFE00  }
0x59: {  	[spmem:s1] =	stream.indirect.scatter.add.f32 [tilespmem:s8], [sflag:$0x2], $0x1, s7, s7, $0xb8;
	[tilespmem:$0x2F00] =	vst v63  }
0x5a: {  	_ =	swait.ge [sflag:s5], $0x200  }
0x5b: {  	[sflag:s5] =	ssyncset.done $0x0  }
0x5c: {  	s9 =	simm.s32 $0x400;
	[sflag:s5] =	ssyncadd.s32 $0xFFFFFE00  }
0x5d: {  	[spmem:s1] =	stream.indirect.scatter.add.f32 [tilespmem:s8], [sflag:$0x2], $0x1, s9, s7, $0xb8;
	[tilespmem:$0x2F00] =	vst v63  }
0x5e: {  	_ =	swait.ge [sflag:s5], $0x200  }
0x5f: {  	[sflag:s5] =	ssyncset.done $0x0  }
0x60: {  	s10 =	simm.s32 $0x600;
	[sflag:s5] =	ssyncadd.s32 $0xFFFFFE00  }
0x61: {  	[spmem:s1] =	stream.indirect.scatter.add.f32 [tilespmem:s8], [sflag:$0x2], $0x1, s10, s7, $0xb8;
	[tilespmem:$0x2F00] =	vst v63  }
0x62: {  	_ =	swait.ge [sflag:s5], $0x200  }
0x63: {  	[sflag:s5] =	ssyncset.done $0x0  }
0x64: {  	s11 =	simm.s32 $0x800;
	[sflag:s5] =	ssyncadd.s32 $0xFFFFFE00  }
0x65: {  	[spmem:s1] =	stream.indirect.scatter.add.f32 [tilespmem:s8], [sflag:$0x2], $0x1, s11, s7, $0xb8;
	[tilespmem:$0x2F00] =	vst v63  }
0x66: {  	_ =	swait.ge [sflag:s5], $0x200  }
0x67: {  	[sflag:s5] =	ssyncset.done $0x0  }
0x68: {  	s12 =	simm.s32 $0xA00;
	[sflag:s5] =	ssyncadd.s32 $0xFFFFFE00  }
0x69: {  	[spmem:s1] =	stream.indirect.scatter.add.f32 [tilespmem:s8], [sflag:$0x2], $0x1, s12, s7, $0xb8;
	[tilespmem:$0x2F00] =	vst v63  }
0x6a: {  	_ =	swait.ge [sflag:s5], $0x200  }
0x6b: {  	[sflag:s5] =	ssyncset.done $0x0  }
0x6c: {  	s13 =	simm.s32 $0xC00;
	[sflag:s5] =	ssyncadd.s32 $0xFFFFFE00  }
0x6d: {  	[spmem:s1] =	stream.indirect.scatter.add.f32 [tilespmem:s8], [sflag:$0x2], $0x1, s13, s7, $0xb8;
	[tilespmem:$0x2F00] =	vst v63  }
0x6e: {  	_ =	swait.ge [sflag:s5], $0x200  }
0x6f: {  	[sflag:s5] =	ssyncset.done $0x0  }
0x70: {  	s14 =	simm.s32 $0xE00;
	[sflag:s5] =	ssyncadd.s32 $0xFFFFFE00  }
0x71: {  	[spmem:s1] =	stream.indirect.scatter.add.f32 [tilespmem:s8], [sflag:$0x2], $0x1, s14, s7, $0xb8;
	[tilespmem:$0x2F00] =	vst v63  }
0x72: {  	_ =	swait.ge [sflag:s5], $0x200  }
0x73: {  	[sflag:s5] =	ssyncset.done $0x0  }
0x74: {  	s15 =	simm.s32 $0x1000;
	[sflag:s5] =	ssyncadd.s32 $0xFFFFFE00  }
0x75: {  	[spmem:s1] =	stream.indirect.scatter.add.f32 [tilespmem:s8], [sflag:$0x2], $0x1, s15, s7, $0xb8;
	[tilespmem:$0x2F00] =	vst v63  }
0x76: {  	_ =	swait.ge [sflag:s5], $0x200  }
0x77: {  	[sflag:s5] =	ssyncset.done $0x0  }
0x78: {  	s16 =	simm.s32 $0x1200;
	[sflag:s5] =	ssyncadd.s32 $0xFFFFFE00  }
0x79: {  	[spmem:s1] =	stream.indirect.scatter.add.f32 [tilespmem:s8], [sflag:$0x2], $0x1, s16, s7, $0xb8;
	[tilespmem:$0x2F00] =	vst v63  }
0x7a: {  	_ =	swait.ge [sflag:s5], $0x200  }
0x7b: {  	[sflag:s5] =	ssyncset.done $0x0  }
0x7c: {  	s17 =	simm.s32 $0x1400;
	[sflag:s5] =	ssyncadd.s32 $0xFFFFFE00  }
0x7d: {  	[spmem:s1] =	stream.indirect.scatter.add.f32 [tilespmem:s8], [sflag:$0x2], $0x1, s17, s7, $0xb8;
	[tilespmem:$0x2F00] =	vst v63  }
0x7e: {  	_ =	swait.ge [sflag:s5], $0x200  }
0x7f: {  	[sflag:s5] =	ssyncset.done $0x0  }
0x80: {  	s18 =	simm.s32 $0x1600;
	[sflag:s5] =	ssyncadd.s32 $0xFFFFFE00  }
0x81: {  	[spmem:s1] =	stream.indirect.scatter.add.f32 [tilespmem:s8], [sflag:$0x2], $0x1, s18, s7, $0xb8;
	[tilespmem:$0x2F00] =	vst v63  }
0x82: {  	_ =	swait.ge [sflag:s5], $0x200  }
0x83: {  	[sflag:s5] =	ssyncset.done $0x0  }
0x84: {  	s19 =	simm.s32 $0x1800;
	[sflag:s5] =	ssyncadd.s32 $0xFFFFFE00  }
0x85: {  	[spmem:s1] =	stream.indirect.scatter.add.f32 [tilespmem:s8], [sflag:$0x2], $0x1, s19, s7, $0xb8;
	[tilespmem:$0x2F00] =	vst v63  }
0x86: {  	_ =	swait.ge [sflag:s5], $0x200  }
0x87: {  	[sflag:s5] =	ssyncset.done $0x0  }
0x88: {  	s20 =	simm.s32 $0x1A00;
	[sflag:s5] =	ssyncadd.s32 $0xFFFFFE00  }
0x89: {  	[spmem:s1] =	stream.indirect.scatter.add.f32 [tilespmem:s8], [sflag:$0x2], $0x1, s20, s7, $0xb8;
	[tilespmem:$0x2F00] =	vst v63  }
0x8a: {  	_ =	swait.ge [sflag:s5], $0x200  }
0x8b: {  	[sflag:s5] =	ssyncset.done $0x0  }
0x8c: {  	s21 =	simm.s32 $0x1C00;
	[sflag:s5] =	ssyncadd.s32 $0xFFFFFE00  }
0x8d: {  	[spmem:s1] =	stream.indirect.scatter.add.f32 [tilespmem:s8], [sflag:$0x2], $0x1, s21, s7, $0xb8;
	[tilespmem:$0x2F00] =	vst v63  }
0x8e: {  	_ =	swait.ge [sflag:s5], $0x200  }
0x8f: {  	[sflag:s5] =	ssyncset.done $0x0  }
0x90: {  	s22 =	simm.s32 $0x1E00;
	[sflag:s5] =	ssyncadd.s32 $0xFFFFFE00  }
0x91: {  	[spmem:s1] =	stream.indirect.scatter.add.f32 [tilespmem:s8], [sflag:$0x2], $0x1, s22, s7, $0xb8;
	[tilespmem:$0x2F00] =	vst v63  }
0x92: {  	_ =	swait.ge [sflag:s5], $0x200  }
0x93: {  	[sflag:s5] =	ssyncset.done $0x0  }
0x94: {  	s23 =	simm.s32 $0x2000;
	[sflag:s5] =	ssyncadd.s32 $0xFFFFFE00  }
0x95: {  	[spmem:s1] =	stream.indirect.scatter.add.f32 [tilespmem:s8], [sflag:$0x2], $0x1, s23, s7, $0xb8;
	[tilespmem:$0x2F00] =	vst v63  }
0x96: {  	_ =	swait.ge [sflag:s5], $0x200  }
0x97: {  	[sflag:s5] =	ssyncset.done $0x0  }
0x98: {  	s24 =	simm.s32 $0x2200;
	[sflag:s5] =	ssyncadd.s32 $0xFFFFFE00  }
0x99: {  	[spmem:s1] =	stream.indirect.scatter.add.f32 [tilespmem:s8], [sflag:$0x2], $0x1, s24, s7, $0xb8;
	[tilespmem:$0x2F00] =	vst v63  }
0x9a: {  	_ =	swait.ge [sflag:s5], $0x200  }
0x9b: {  	[sflag:s5] =	ssyncset.done $0x0  }
0x9c: {  	s25 =	simm.s32 $0x2400;
	[sflag:s5] =	ssyncadd.s32 $0xFFFFFE00  }
0x9d: {  	[spmem:s1] =	stream.indirect.scatter.add.f32 [tilespmem:s8], [sflag:$0x2], $0x1, s25, s7, $0xb8;
	[tilespmem:$0x2F00] =	vst v63  }
0x9e: {  	_ =	swait.ge [sflag:s5], $0x200  }
0x9f: {  	s28 =	ssub.s32 $0x2, s28;
	[sflag:s5] =	ssyncset.done $0x0  }
0xa0: {  	s29 =	sshrl.u32 s28, $0x1;
	s26 =	simm.s32 $0x2600;
	[sflag:s5] =	ssyncadd.s32 $0xFFFFFE00  }
0xa1: {  	[spmem:s1] =	stream.indirect.scatter.add.f32 [tilespmem:s8], [sflag:$0x2], $0x1, s26, s7, $0xb8;
	[tilespmem:$0x2F00] =	vst v63  }
0xa2: {  	s0 =	ssub.s32 s28, s29;
	_ =	swait.ge [sflag:s5], $0x200  }
0xa3: {  	s0 =	smax.u32 s0, $0x1;
	[sflag:s5] =	ssyncset.done $0x0  }
0xa4: {  	p0 =	sne.s32 s0, $0x1;
	[sflag:s5] =	ssyncadd.s32 $0xFFFFFE00  }
.Ltmp0:
0xa5: {  	s31 =	sshll.u32 s3, $0x6;
	[bflag:$0x0] =	sbarrier.arrive $0xFFFF;
	(pc) =	sbr.rel @!p0 .LBB2_2-.Ltmp0, $4  }
0xa6: {  	s29 =	sshrl.u32 s4, $0x3;
	s28 =	sor.u32 $0x1C02, s31;
	s30 =	rddreg [dreg:$0x5]  }
0xa7: {  	[hbm:s30], [sflag:s28] =	dma.local [spmem:s29], $0x50  }
0xa8: {  	_ =	swait.ge [sflag:s5], $0x50  }
0xa9: {  	s30 =	sadd.s32 $0xFFFFFFFF, s0;
	[sflag:s5] =	ssyncset.done $0x0  }
.LBB2_1:
0xaa: {  	[sflag:s5] =	ssyncadd.s32 $0xFFFFFFB0  }
0xab: {  	[tilespmem:$0x2A00] =	vst v0  }
0xac: {  	[tilespmem:$0x29F0] =	vst v1  }
0xad: {  	[tilespmem:$0x29E0] =	vst v1  }
0xae: {  	[tilespmem:$0x29D0] =	vst v1  }
0xaf: {  	[tilespmem:$0x29C0] =	vst v1  }
0xb0: {  	[tilespmem:$0x29B0] =	vst v1  }
0xb1: {  	[tilespmem:$0x29A0] =	vst v1  }
0xb2: {  	[tilespmem:$0x2990] =	vst v1  }
0xb3: {  	[tilespmem:$0x2980] =	vst v1  }
0xb4: {  	[tilespmem:$0x2970] =	vst v1  }
0xb5: {  	[tilespmem:$0x2960] =	vst v1  }
0xb6: {  	[tilespmem:$0x2950] =	vst v1  }
0xb7: {  	[tilespmem:$0x2940] =	vst v1  }
0xb8: {  	[tilespmem:$0x2930] =	vst v1  }
0xb9: {  	[tilespmem:$0x2920] =	vst v1  }
0xba: {  	[tilespmem:$0x2910] =	vst v1  }
0xbb: {  	[tilespmem:$0x2900] =	vst v1  }
0xbc: {  	[tilespmem:$0x28F0] =	vst v1  }
0xbd: {  	[tilespmem:$0x28E0] =	vst v1  }
0xbe: {  	[tilespmem:$0x28D0] =	vst v1  }
0xbf: {  	[tilespmem:$0x28C0] =	vst v1  }
0xc0: {  	[tilespmem:$0x28B0] =	vst v1  }
0xc1: {  	[tilespmem:$0x28A0] =	vst v1  }
0xc2: {  	[tilespmem:$0x2890] =	vst v1  }
0xc3: {  	[tilespmem:$0x2880] =	vst v1  }
0xc4: {  	[tilespmem:$0x2870] =	vst v1  }
0xc5: {  	[tilespmem:$0x2860] =	vst v1  }
0xc6: {  	[tilespmem:$0x2850] =	vst v1  }
0xc7: {  	[tilespmem:$0x2840] =	vst v1  }
0xc8: {  	[tilespmem:$0x2830] =	vst v1  }
0xc9: {  	[tilespmem:$0x2820] =	vst v1  }
0xca: {  	[tilespmem:$0x2810] =	vst v1  }
0xcb: {  	[tilespmem:$0x2800] =	vst v1  }
0xcc: {  	[tilespmem:$0x2C70] =	vst v0  }
0xcd: {  	[tilespmem:$0x2C60] =	vst v0  }
0xce: {  	[tilespmem:$0x2C50] =	vst v0  }
0xcf: {  	[tilespmem:$0x2C40] =	vst v0  }
0xd0: {  	[tilespmem:$0x2C30] =	vst v0  }
0xd1: {  	[tilespmem:$0x2C20] =	vst v0  }
0xd2: {  	[tilespmem:$0x2C10] =	vst v0  }
0xd3: {  	[tilespmem:$0x2C00] =	vst v0  }
0xd4: {  	[tilespmem:$0x2BF0] =	vst v0  }
0xd5: {  	[tilespmem:$0x2BE0] =	vst v0  }
0xd6: {  	[tilespmem:$0x2BD0] =	vst v0  }
0xd7: {  	[tilespmem:$0x2BC0] =	vst v0  }
0xd8: {  	[tilespmem:$0x2BB0] =	vst v0  }
0xd9: {  	[tilespmem:$0x2BA0] =	vst v0  }
0xda: {  	[tilespmem:$0x2B90] =	vst v0  }
0xdb: {  	[tilespmem:$0x2B80] =	vst v0  }
0xdc: {  	[tilespmem:$0x2B70] =	vst v0  }
0xdd: {  	[tilespmem:$0x2B60] =	vst v0  }
0xde: {  	[tilespmem:$0x2B50] =	vst v0  }
0xdf: {  	[tilespmem:$0x2B40] =	vst v0  }
0xe0: {  	[tilespmem:$0x2B30] =	vst v0  }
0xe1: {  	[tilespmem:$0x2B20] =	vst v0  }
0xe2: {  	[tilespmem:$0x2B10] =	vst v0  }
0xe3: {  	[tilespmem:$0x2B00] =	vst v0  }
0xe4: {  	[tilespmem:$0x2AF0] =	vst v0  }
0xe5: {  	[tilespmem:$0x2AE0] =	vst v0  }
0xe6: {  	[tilespmem:$0x2AD0] =	vst v0  }
0xe7: {  	[tilespmem:$0x2AC0] =	vst v0  }
0xe8: {  	[tilespmem:$0x2AB0] =	vst v0  }
0xe9: {  	[tilespmem:$0x2AA0] =	vst v0  }
0xea: {  	[tilespmem:$0x2A90] =	vst v0  }
0xeb: {  	[tilespmem:$0x2A80] =	vst v0  }
0xec: {  	[tilespmem:$0x2A70] =	vst v0  }
0xed: {  	[tilespmem:$0x2A60] =	vst v0  }
0xee: {  	[tilespmem:$0x2A50] =	vst v0  }
0xef: {  	[tilespmem:$0x2A40] =	vst v0  }
0xf0: {  	[tilespmem:$0x2A30] =	vst v0  }
0xf1: {  	[tilespmem:$0x2A20] =	vst v0  }
0xf2: {  	s0 =	rddreg [dreg:$0x6];
	[tilespmem:$0x2A10] =	vst v0  }
0xf3: {  	[spmem:s4] =	stream.linear.scatter [tilespmem:s0], [sflag:$0x2], $0x280, $0x38;
	[tilespmem:$0x2F00] =	vst v63  }
0xf4: {  	_ =	swait.ge [sflag:s5], $0x280  }
0xf5: {  	[sflag:s5] =	ssyncset.done $0x0  }
0xf6: {  	s31 =	rddreg [dreg:$0x4];
	[sflag:s5] =	ssyncadd.s32 $0xFFFFFD80  }
0xf7: {  	[tilespmem:s2], [sflag:$0x1] =	stream.linear.gather [hbm4b:s31+s2], $0x2800, $0x38;
	[tilespmem:$0x2F00] =	vst v63  }
0xf8: {  	_ =	swait.ge [sflag:s6], $0x2800  }
0xf9: {  	[sflag:s6] =	ssyncset.done $0x0  }
0xfa: {  	[sflag:s6] =	ssyncadd.s32 $0xFFFFD800  }
0xfb: {  	[bflag:$0x0] =	sbarrier.arrive $0xFFFF  }
0xfc: {  	[spmem:s1] =	stream.indirect.scatter.add.f32 [tilespmem:s8], [sflag:$0x2], $0x1, s2, s7, $0xb8;
	[tilespmem:$0x2F00] =	vst v63  }
0xfd: {  	_ =	swait.ge [sflag:s5], $0x200  }
0xfe: {  	[sflag:s5] =	ssyncset.done $0x0  }
0xff: {  	[sflag:s5] =	ssyncadd.s32 $0xFFFFFE00  }
0x100: {  	[spmem:s1] =	stream.indirect.scatter.add.f32 [tilespmem:s8], [sflag:$0x2], $0x1, s7, s7, $0xb8;
	[tilespmem:$0x2F00] =	vst v63  }
0x101: {  	_ =	swait.ge [sflag:s5], $0x200  }
0x102: {  	[sflag:s5] =	ssyncset.done $0x0  }
0x103: {  	[sflag:s5] =	ssyncadd.s32 $0xFFFFFE00  }
0x104: {  	[spmem:s1] =	stream.indirect.scatter.add.f32 [tilespmem:s8], [sflag:$0x2], $0x1, s9, s7, $0xb8;
	[tilespmem:$0x2F00] =	vst v63  }
0x105: {  	_ =	swait.ge [sflag:s5], $0x200  }
0x106: {  	[sflag:s5] =	ssyncset.done $0x0  }
0x107: {  	[sflag:s5] =	ssyncadd.s32 $0xFFFFFE00  }
0x108: {  	[spmem:s1] =	stream.indirect.scatter.add.f32 [tilespmem:s8], [sflag:$0x2], $0x1, s10, s7, $0xb8;
	[tilespmem:$0x2F00] =	vst v63  }
0x109: {  	_ =	swait.ge [sflag:s5], $0x200  }
0x10a: {  	[sflag:s5] =	ssyncset.done $0x0  }
0x10b: {  	[sflag:s5] =	ssyncadd.s32 $0xFFFFFE00  }
0x10c: {  	[spmem:s1] =	stream.indirect.scatter.add.f32 [tilespmem:s8], [sflag:$0x2], $0x1, s11, s7, $0xb8;
	[tilespmem:$0x2F00] =	vst v63  }
0x10d: {  	_ =	swait.ge [sflag:s5], $0x200  }
0x10e: {  	[sflag:s5] =	ssyncset.done $0x0  }
0x10f: {  	[sflag:s5] =	ssyncadd.s32 $0xFFFFFE00  }
0x110: {  	[spmem:s1] =	stream.indirect.scatter.add.f32 [tilespmem:s8], [sflag:$0x2], $0x1, s12, s7, $0xb8;
	[tilespmem:$0x2F00] =	vst v63  }
0x111: {  	_ =	swait.ge [sflag:s5], $0x200  }
0x112: {  	[sflag:s5] =	ssyncset.done $0x0  }
0x113: {  	[sflag:s5] =	ssyncadd.s32 $0xFFFFFE00  }
0x114: {  	[spmem:s1] =	stream.indirect.scatter.add.f32 [tilespmem:s8], [sflag:$0x2], $0x1, s13, s7, $0xb8;
	[tilespmem:$0x2F00] =	vst v63  }
0x115: {  	_ =	swait.ge [sflag:s5], $0x200  }
0x116: {  	[sflag:s5] =	ssyncset.done $0x0  }
0x117: {  	[sflag:s5] =	ssyncadd.s32 $0xFFFFFE00  }
0x118: {  	[spmem:s1] =	stream.indirect.scatter.add.f32 [tilespmem:s8], [sflag:$0x2], $0x1, s14, s7, $0xb8;
	[tilespmem:$0x2F00] =	vst v63  }
0x119: {  	_ =	swait.ge [sflag:s5], $0x200  }
0x11a: {  	[sflag:s5] =	ssyncset.done $0x0  }
0x11b: {  	[sflag:s5] =	ssyncadd.s32 $0xFFFFFE00  }
0x11c: {  	[spmem:s1] =	stream.indirect.scatter.add.f32 [tilespmem:s8], [sflag:$0x2], $0x1, s15, s7, $0xb8;
	[tilespmem:$0x2F00] =	vst v63  }
0x11d: {  	_ =	swait.ge [sflag:s5], $0x200  }
0x11e: {  	[sflag:s5] =	ssyncset.done $0x0  }
0x11f: {  	[sflag:s5] =	ssyncadd.s32 $0xFFFFFE00  }
0x120: {  	[spmem:s1] =	stream.indirect.scatter.add.f32 [tilespmem:s8], [sflag:$0x2], $0x1, s16, s7, $0xb8;
	[tilespmem:$0x2F00] =	vst v63  }
0x121: {  	_ =	swait.ge [sflag:s5], $0x200  }
0x122: {  	[sflag:s5] =	ssyncset.done $0x0  }
0x123: {  	[sflag:s5] =	ssyncadd.s32 $0xFFFFFE00  }
0x124: {  	[spmem:s1] =	stream.indirect.scatter.add.f32 [tilespmem:s8], [sflag:$0x2], $0x1, s17, s7, $0xb8;
	[tilespmem:$0x2F00] =	vst v63  }
0x125: {  	_ =	swait.ge [sflag:s5], $0x200  }
0x126: {  	[sflag:s5] =	ssyncset.done $0x0  }
0x127: {  	[sflag:s5] =	ssyncadd.s32 $0xFFFFFE00  }
0x128: {  	[spmem:s1] =	stream.indirect.scatter.add.f32 [tilespmem:s8], [sflag:$0x2], $0x1, s18, s7, $0xb8;
	[tilespmem:$0x2F00] =	vst v63  }
0x129: {  	_ =	swait.ge [sflag:s5], $0x200  }
0x12a: {  	[sflag:s5] =	ssyncset.done $0x0  }
0x12b: {  	[sflag:s5] =	ssyncadd.s32 $0xFFFFFE00  }
0x12c: {  	[spmem:s1] =	stream.indirect.scatter.add.f32 [tilespmem:s8], [sflag:$0x2], $0x1, s19, s7, $0xb8;
	[tilespmem:$0x2F00] =	vst v63  }
0x12d: {  	_ =	swait.ge [sflag:s5], $0x200  }
0x12e: {  	[sflag:s5] =	ssyncset.done $0x0  }
0x12f: {  	[sflag:s5] =	ssyncadd.s32 $0xFFFFFE00  }
0x130: {  	[spmem:s1] =	stream.indirect.scatter.add.f32 [tilespmem:s8], [sflag:$0x2], $0x1, s20, s7, $0xb8;
	[tilespmem:$0x2F00] =	vst v63  }
0x131: {  	_ =	swait.ge [sflag:s5], $0x200  }
0x132: {  	[sflag:s5] =	ssyncset.done $0x0  }
0x133: {  	[sflag:s5] =	ssyncadd.s32 $0xFFFFFE00  }
0x134: {  	[spmem:s1] =	stream.indirect.scatter.add.f32 [tilespmem:s8], [sflag:$0x2], $0x1, s21, s7, $0xb8;
	[tilespmem:$0x2F00] =	vst v63  }
0x135: {  	_ =	swait.ge [sflag:s5], $0x200  }
0x136: {  	[sflag:s5] =	ssyncset.done $0x0  }
0x137: {  	[sflag:s5] =	ssyncadd.s32 $0xFFFFFE00  }
0x138: {  	[spmem:s1] =	stream.indirect.scatter.add.f32 [tilespmem:s8], [sflag:$0x2], $0x1, s22, s7, $0xb8;
	[tilespmem:$0x2F00] =	vst v63  }
0x139: {  	_ =	swait.ge [sflag:s5], $0x200  }
0x13a: {  	[sflag:s5] =	ssyncset.done $0x0  }
0x13b: {  	[sflag:s5] =	ssyncadd.s32 $0xFFFFFE00  }
0x13c: {  	[spmem:s1] =	stream.indirect.scatter.add.f32 [tilespmem:s8], [sflag:$0x2], $0x1, s23, s7, $0xb8;
	[tilespmem:$0x2F00] =	vst v63  }
0x13d: {  	_ =	swait.ge [sflag:s5], $0x200  }
0x13e: {  	[sflag:s5] =	ssyncset.done $0x0  }
0x13f: {  	[sflag:s5] =	ssyncadd.s32 $0xFFFFFE00  }
0x140: {  	[spmem:s1] =	stream.indirect.scatter.add.f32 [tilespmem:s8], [sflag:$0x2], $0x1, s24, s7, $0xb8;
	[tilespmem:$0x2F00] =	vst v63  }
0x141: {  	_ =	swait.ge [sflag:s5], $0x200  }
0x142: {  	[sflag:s5] =	ssyncset.done $0x0  }
0x143: {  	[sflag:s5] =	ssyncadd.s32 $0xFFFFFE00  }
0x144: {  	[spmem:s1] =	stream.indirect.scatter.add.f32 [tilespmem:s8], [sflag:$0x2], $0x1, s25, s7, $0xb8;
	[tilespmem:$0x2F00] =	vst v63  }
0x145: {  	_ =	swait.ge [sflag:s5], $0x200  }
0x146: {  	[sflag:s5] =	ssyncset.done $0x0  }
0x147: {  	[sflag:s5] =	ssyncadd.s32 $0xFFFFFE00  }
0x148: {  	[spmem:s1] =	stream.indirect.scatter.add.f32 [tilespmem:s8], [sflag:$0x2], $0x1, s26, s7, $0xb8;
	[tilespmem:$0x2F00] =	vst v63  }
0x149: {  	_ =	swait.ge [sflag:s5], $0x200  }
0x14a: {  	[sflag:s5] =	ssyncset.done $0x0  }
0x14b: {  	p0 =	sne.s32 s30, $0x1;
	[sflag:s5] =	ssyncadd.s32 $0xFFFFFE00  }
.Ltmp1:
0x14c: {  	[bflag:$0x0] =	sbarrier.arrive $0xFFFF;
	(pc) =	sbr.rel @p0 .LBB2_1-.Ltmp1, $4  }
0x14d: {  	s31 =	rddreg [dreg:$0x5]  }
0x14e: {  	[hbm:s31], [sflag:s28] =	dma.local [spmem:s29], $0x50  }
0x14f: {  	_ =	swait.ge [sflag:s5], $0x50  }
0x150: {  	s30 =	sadd.s32 $0xFFFFFFFF, s30;
	[sflag:s5] =	ssyncset.done $0x0  }
.LBB2_2:
0x151: {  	[sflag:s5] =	ssyncadd.s32 $0xFFFFFFB0  }
0x152: {  	_ =	sfence.sel $0x180000  }
0x153: {  	[bflag:$0x0] =	sbarrier.arrive $0xFFFF  }
0x154: {  	_ =	strace $0x90000047  }
0x155: {  	[bflag:$0x2] =	sbarrier.arrive $0xFFFF  }
0x156: {  	p0 =	sne.s32 s3, $0x0;
	s0 =	rddreg [dreg:$0x3]  }
0x157: {  	s0 =	sadd.s32 @!p0 $0x100000, s0  }
0x158: {  	[sflag:s0] =	ssyncadd.tile.s32 @!p0 $0x1;
	_ =	shalt  }
.Lfunc_end2:
_tile_overlayer_lowered:
.L_overlay_start_2:
0x159: {  	(tag) =	ssettag $0x2  }
0x15a: {  	s0 =	rddreg [dreg:$0x0];
	s2 =	stileid.u32  }
0x15b: {  	s1 =	rddreg [dreg:$0x1];
	p0 =	sne.s32 s2, $0x0  }
0x15c: {  	s3 =	rddreg [dreg:$0x2];
	[bflag:$0x3] =	sbarrier.arrive $0xFFFF;
	s2 =	simm.s32 @!p0 $0x1C02  }
0x15d: {  	[timem:s3], [sflag:s2] =	dma.local @!p0 [hbm:s0], s1  }
0x15e: {  	s0 =	simm.s32 @!p0 $0x2  }
0x15f: {  	_ =	swait.ge @!p0 [sflag:s0], s1  }
0x160: {  	s1 =	ssub.s32 @!p0 $0x0, s1;
	[sflag:s0] =	ssyncset.done @!p0 $0x0  }
0x161: {  	[sflag:s0] =	ssyncadd.s32 @!p0 s1  }
0x162: {  	[bflag:$0x3] =	sbarrier.arrive $0xFFFF  }
0x163: {  	_ =	shalt  }

// kernel: kernel.9.cloned.1.call-start
scs
__scs_entry_jumppad:
0x0: {  	(pc) =	sbr.rel $0x88, $3  }
0x1: {  	(tag) =	ssettag $0x0;
	lr =	simm.s32 $0x1  }
0x2: {  	[smem:$0x3F9D] =	sst lr;
	_ =	strace $0xD0000000  }
0x3: {  	_ = 	snop  }
0x4: {  	_ = 	snop  }
0x5: {  	_ = 	snop  }
0x6: {  	_ = 	snop  }
0x7: {  	_ = 	snop  }
__scs_overlays_trampoline_lowered:
0x8: {  	[smem:$0x3FAC] =	sst s0  }
0x9: {  	[smem:$0x3FAD] =	sst s1  }
0xa: {  	[smem:$0x3FAE] =	sst s2  }
0xb: {  	[smem:$0x3FAF] =	sst s3  }
0xc: {  	[smem:$0x3FB0] =	sst s4  }
0xd: {  	[smem:$0x3FB1] =	sst s5  }
0xe: {  	[smem:$0x3FB2] =	sst s6  }
0xf: {  	[smem:$0x3FB3] =	sst s7  }
0x10: {  	[smem:$0x3FB4] =	sst s8  }
0x11: {  	[smem:$0x3FB5] =	sst s9;
	s0 =	simm.s32 @!p0 $0x0  }
0x12: {  	s1 =	sld [smem:$0x3F9B];
	s0 =	simm.s32 @p0 $0x1  }
0x13: {  	[smem:$0x3FB6] =	sst s0;
	s0 =	simm.s32 @!p1 $0x0  }
0x14: {  	s2 =	sld [smem:$0x3F9A];
	s0 =	simm.s32 @p1 $0x1  }
0x15: {  	[smem:$0x3FB7] =	sst s0;
	s0 =	simm.s32 @!p2 $0x0  }
0x16: {  	s3 =	sld [smem:$0x3FDB];
	s0 =	simm.s32 @p2 $0x1  }
0x17: {  	s4 =	simm.s32 $0x1BF5;
	[smem:$0x3FB9] =	sst s0  }
0x18: {  	s0 =	sld [smem:$0x3F9C];
	_ =	swait.ge [sflag:s4], $0x0  }
0x19: {  	s7 =	sld [smem:$0x3F9D]  }
0x1a: {  	s8 =	sadd.s32 $0xFFFFE003, lr  }
0x1b: {  	s9 =	sadd.s32 $0xFFFFFEF7, lr;
	s5 =	simm.s32 $0xFFFFFFFF;
	p2 =	slt.u32 s8, $0xFFFFF086  }
0x1c: {  	p1 =	slt.u32 s9, $0xF7A;
	s5 =	simm.s32 @!p2 $0x0  }
0x1d: {  	s5 =	simm.s32 @p1 $0x1;
	p0 =	seq.s32 s7, s2  }
0x1e: {  	s7 =	smul.u32 @!p0 $0xF7A, s2;
	p2 =	seq.s32 @!p0 s5, $0x0  }
0x1f: {  	s9 =	smul.u32 $0xF7A, s1;
	s8 =	simm.s32 @!p0 $0x1BF5;
	p2 =	por !p2, p0  }
0x20: {  	[sflag:s8] =	ssyncset.s32 @!p0 $0xFFFFF086;
	s6 =	sadd.s32 @!p0 s3, s7;
	s7 =	simm.s32 @!p0 $0x108  }
0x21: {  	s3 =	sadd.s32 s3, s9;
	s6 =	sadd.s32 @!p0 $0x88, s6;
	s7 =	simm.s32 @p2 $0x1082  }
0x22: {  	[simem:s7], [sflag:s8] =	dma.local @!p0 [hbm:s6], $0xF7A  }
0x23: {  	s9 =	sor.u32 $0xD0000000, s2;
	s6 =	simm.s32 $0x108;
	_ =	swait.ge @!p0 [sflag:s8], $0x0  }
0x24: {  	s3 =	sadd.s32 $0x88, s3;
	s6 =	simm.s32 @!p1 $0x1082;
	[sflag:s4] =	ssyncset.s32 $0xFFFFF086  }
0x25: {  	[simem:s6], [sflag:s4] =	dma.local [hbm:s3], $0xF7A  }
0x26: {  	[smem:$0x3F9D] =	sst s1;
	(tag) =	ssettag s2;
	_ =	strace s9  }
0x27: {  	s1 =	sld [smem:$0x3FAD]  }
0x28: {  	s2 =	sld [smem:$0x3FAE]  }
0x29: {  	s4 =	sld [smem:$0x3FB0]  }
0x2a: {  	p0 =	seq.s32 s5, $0x0;
	s5 =	sld [smem:$0x3FB1]  }
0x2b: {  	s6 =	sld [smem:$0x3FB2]  }
0x2c: {  	s7 =	sld [smem:$0x3FB3]  }
0x2d: {  	s3 =	simm.s32 $0x108;
	s8 =	sld [smem:$0x3FB4]  }
0x2e: {  	s3 =	simm.s32 @!p0 $0x1082;
	s9 =	sld [smem:$0x3FB5]  }
0x2f: {  	lr =	sadd.s32 s0, s3;
	s0 =	sld [smem:$0x3FAC]  }
0x30: {  	s3 =	sld [smem:$0x3FAF]  }
0x31: {  	[smem:$0x3FB8] =	sst s10  }
0x32: {  	s10 =	sld [smem:$0x3FB6];
	_ =	sdelay $0x3  }
0x33: {  	p0 =	seq.s32 s10, $0x1;
	s10 =	sld [smem:$0x3FB8];
	_ =	sdelay $0x3  }
0x34: {  	[smem:$0x3FB8] =	sst s10  }
0x35: {  	s10 =	sld [smem:$0x3FB7];
	_ =	sdelay $0x3  }
0x36: {  	p1 =	seq.s32 s10, $0x1;
	s10 =	sld [smem:$0x3FB8];
	_ =	sdelay $0x3  }
0x37: {  	[smem:$0x3FB8] =	sst s10  }
0x38: {  	s10 =	sld [smem:$0x3FB9]  }
0x39: {  	_ = 	snop;
	(pc) =	sbr.ind lr, $3  }
0x3a: {  	_ = 	snop  }
0x3b: {  	_ = 	snop  }
0x3c: {  	p2 =	seq.s32 s10, $0x1;
	s10 =	sld [smem:$0x3FB8]  }
0x3d: {  	_ =	shalt  }
0x3e: {  	_ =	shalt  }
0x3f: {  	_ =	shalt  }
0x40: {  	_ =	shalt  }
0x41: {  	_ =	shalt  }
0x42: {  	_ =	shalt  }
0x43: {  	_ =	shalt  }
0x44: {  	_ =	shalt  }
0x45: {  	_ =	shalt  }
0x46: {  	_ =	shalt  }
0x47: {  	_ =	shalt  }
0x48: {  	_ =	shalt  }
0x49: {  	_ =	shalt  }
0x4a: {  	_ =	shalt  }
0x4b: {  	_ =	shalt  }
0x4c: {  	_ =	shalt  }
0x4d: {  	_ =	shalt  }
0x4e: {  	_ =	shalt  }
0x4f: {  	_ =	shalt  }
0x50: {  	_ =	shalt  }
0x51: {  	_ =	shalt  }
0x52: {  	_ =	shalt  }
0x53: {  	_ =	shalt  }
0x54: {  	_ =	shalt  }
0x55: {  	_ =	shalt  }
0x56: {  	_ =	shalt  }
0x57: {  	_ =	shalt  }
0x58: {  	_ =	shalt  }
0x59: {  	_ =	shalt  }
0x5a: {  	_ =	shalt  }
0x5b: {  	_ =	shalt  }
0x5c: {  	_ =	shalt  }
0x5d: {  	_ =	shalt  }
0x5e: {  	_ =	shalt  }
0x5f: {  	_ =	shalt  }
0x60: {  	_ =	shalt  }
0x61: {  	_ =	shalt  }
0x62: {  	_ =	shalt  }
0x63: {  	_ =	shalt  }
0x64: {  	_ =	shalt  }
0x65: {  	_ =	shalt  }
0x66: {  	_ =	shalt  }
0x67: {  	_ =	shalt  }
0x68: {  	_ =	shalt  }
0x69: {  	_ =	shalt  }
0x6a: {  	_ =	shalt  }
0x6b: {  	_ =	shalt  }
0x6c: {  	_ =	shalt  }
0x6d: {  	_ =	shalt  }
0x6e: {  	_ =	shalt  }
0x6f: {  	_ =	shalt  }
0x70: {  	_ =	shalt  }
0x71: {  	_ =	shalt  }
0x72: {  	_ =	shalt  }
0x73: {  	_ =	shalt  }
0x74: {  	_ =	shalt  }
0x75: {  	_ =	shalt  }
0x76: {  	_ =	shalt  }
0x77: {  	_ =	shalt  }
0x78: {  	_ =	shalt  }
0x79: {  	_ =	shalt  }
0x7a: {  	_ =	shalt  }
0x7b: {  	_ =	shalt  }
0x7c: {  	_ =	shalt  }
0x7d: {  	_ =	shalt  }
0x7e: {  	_ =	shalt  }
0x7f: {  	_ =	shalt  }
0x80: {  	_ =	shalt  }
0x81: {  	_ =	shalt  }
0x82: {  	_ =	shalt  }
0x83: {  	_ =	shalt  }
0x84: {  	_ =	shalt  }
0x85: {  	_ =	shalt  }
0x86: {  	_ =	shalt  }
0x87: {  	_ =	shalt  }
.Lfunc_end0:
.L_simem_size_0:
called_computation.1_lowered:
.L_overlay_start_0:
0x88: {  	s2 =	sld [smem:$0x3FD9]  }
0x89: {  	s3 =	sld [smem:$0x3FFE];
	_ =	sdelay $0x1  }
0x8a: {  	s1 =	srdreg.scid  }
0x8b: {  	s0 =	sand.u32 $0x1, s1  }
0x8c: {  	s14 =	sshll.u32 s0, $0xA;
	s2 =	sadd.s32 s3, s2  }
0x8d: {  	s2 =	sadd.s32 s2, s14  }
0x8e: {  	[smem:$0x3FC4] =	sst s2  }
0x8f: {  	_ = 	snop  }
0x90: {  	s2 =	sld [smem:$0x3FD0];
	_ =	sdelay $0x2  }
0x91: {  	s15 =	simm.s32 $0xA;
	s4 =	simm.s32 $0x10  }
0x92: {  	[smem:s4], [sflag:s15] =	dma.local [hbm:s2], $0x1  }
0x93: {  	_ =	swait.eq [sflag:s15], $0x1  }
0x94: {  	[sflag:s15] =	ssyncset.done $0x0  }
0x95: {  	[sflag:s15] =	ssyncadd.s32 $0xFFFFFFFF  }
0x96: {  	s16 =	sld [smem:$0x11];
	(tm) =	ssettm $0x1  }
0x97: {  	s17 =	sld [smem:$0x3FFB];
	_ =	sdelay $0x3  }
0x98: {  	_ =	strace s17  }
0x99: {  	s3 =	sld [smem:$0x3FFC];
	_ =	sdelay $0x3  }
0x9a: {  	_ =	strace s3  }
0x9b: {  	s3 =	sld [smem:$0x3FFD];
	_ =	sdelay $0x3  }
0x9c: {  	_ =	strace s3  }
0x9d: {  	_ =	strace $0x8FFFFFFF  }
0x9e: {  	s18 =	sld [smem:$0x3FDB];
	_ =	sdelay $0x1  }
0x9f: {  	s19 =	simm.s32 $_scs_section_size  }
0xa0: {  	s5 =	simm.s32 $_size__tile_overlayer_lowered;
	s6 =	simm.s32 $_tile_overlayer_lowered  }
0xa1: {  	s22 =	simm.s32 $0x1BFF;
	s21 =	sshll.u32 s6, $0x1;
	s3 =	sadd.s32 s19, s18  }
0xa2: {  	s7 =	simm.s32 $0x0;
	s20 =	sshll.u32 s5, $0x1;
	s5 =	sadd.s32 s21, s3  }
0xa3: {  	[timem:s7], [sflag:s22] =	dma.local [hbm:s5], s20  }
0xa4: {  	_ =	swait.ge [sflag:s22], s20  }
0xa5: {  	s4 =	ssub.s32 $0x0, s20;
	[sflag:s22] =	ssyncset.done $0x0  }
0xa6: {  	[sflag:s22] =	ssyncadd.s32 s4;
	_ =	sdelay $0x1  }
0xa7: {  	s23 =	simm.s32 $0x1B8B  }
0xa8: {  	_ =	swait.ge [sflag:s23], $0x1  }
0xa9: {  	[sflag:s23] =	ssyncset.done $0x0  }
0xaa: {  	s25 =	simm.s32 $0x1B8E;
	s24 =	sld [smem:$0x3FFE];
	[sflag:s23] =	ssyncadd.s32 $0xFFFFFFFF  }
0xab: {  	s26 =	simm.s32 $execute0_lowered;
	[smem:$0x3FD2] =	sst s25  }
0xac: {  	s5 =	sshll.u32 s26, $0x1;
	_ =	strace $0x80000049;
	[dreg:$0x1] =	wrdreg $0xFFFFFFFF  }
0xad: {  	s28 =	simm.s32 $_size_execute0_lowered;
	s3 =	sadd.s32 s3, s5;
	[dreg:$0x0] =	wrdreg $0x0  }
0xae: {  	s5 =	sshll.u32 s28, $0x1;
	[dreg:$0x2] =	wrdreg s3  }
0xaf: {  	[dreg:$0x3] =	wrdreg s5  }
0xb0: {  	[dreg:$0x4] =	wrdreg $0xC0  }
0xb1: {  	_ =	task [dreg:s7], $0x5FFFF  }
0xb2: {  	[dreg:$0x1] =	wrdreg $0xFFFFFFFF  }
0xb3: {  	[dreg:$0x0] =	wrdreg $0x60  }
0xb4: {  	[dreg:$0x2] =	wrdreg s24  }
0xb5: {  	[dreg:$0x3] =	wrdreg s16  }
0xb6: {  	[dreg:$0x4] =	wrdreg $0x1C5000  }
0xb7: {  	[dreg:$0x5] =	wrdreg $0x9  }
0xb8: {  	_ =	task.clear_ibuf [dreg:s7], $0x6FFFF;
	_ =	strace $0x90000049  }
0xb9: {  	s29 =	simm.s32 $0x9;
	_ =	strace $0x8000004B  }
0xba: {  	_ =	swait.ge [sflag:s29], $0x1  }
0xbb: {  	[sflag:s29] =	ssyncadd.s32 $0xFFFFFFFF  }
0xbc: {  	_ =	strace $0x9000004B  }
0xbd: {  	_ =	sfence  }
0xbe: {  	s30 =	sld [smem:$0x0];
	_ =	sdelay $0x2  }
0xbf: {  	s31 =	sshll.u32 s1, $0xD;
	s1 =	sshrl.u32 s1, $0x2  }
0xc0: {  	s3 =	sand.u32 $0x4000, s31;
	s1 =	sadd.s32 s1, s30  }
0xc1: {  	s0 =	sor.u32 s3, s0;
	s1 =	sshll.u32 s1, $0x11  }
0xc2: {  	s0 =	sor.u32 s1, s0  }
0xc3: {  	s0 =	sadd.s32 $0x8F2B, s0  }
0xc4: {  	[sflag:s0] =	ssyncadd.remote.s32 $0x1  }
0xc5: {  	_ =	sfence.sel $0xFFFF  }
0xc6: {  	[dreg:$0x0] =	wrdreg $0xFFFFFFFF;
	(pc) =	sbr.abs _section_cstart, $3  }
0xc7: {  	[dreg:$0x1] =	wrdreg $0xFFFFFFFF  }
0xc8: {  	_ =	task.clear_ibuf [dreg:s7], $0x2FFFF;
	_ =	strace $0x9FFFFFFF  }
0xc9: {  	(tm) =	ssettm $0x7FFFFFFF  }
tec
execute0_lowered:
.L_overlay_start_1:
0x0: {  	(tag) =	ssettag $0x1  }
0x1: {  	s0 =	rddreg [dreg:$0x0]  }
0x2: {  	s1 =	rddreg [dreg:$0x1];
	s7 =	stileid.u32  }
0x3: {  	s4 =	srdreg.scid;
	s2 =	rddreg [dreg:$0x2]  }
0x4: {  	s6 =	simm.s32 $0x0;
	s16 =	simm.s32 $0x1;
	s17 =	simm.s32 $0x5000  }
0x5: {  	s28 =	simm.s32 $0xE000;
	s29 =	simm.s32 $0x2;
	s3 =	smul.u32 $0xA00, s7  }
0x6: {  	s30 =	simm.s32 $0x5200;
	s31 =	simm.s32 $0x600;
	s5 =	smul.u32 $0x2800, s7  }
0x7: {  	s4 =	sand.u32 $0x1, s4;
	[smem:$0x7FF] =	sst s6;
	s19 =	smul.u32 $0x280, s7  }
0x8: {  	s11 =	sadd.s32 $0x1EC00, s0;
	s8 =	smul.u32 $0x28000, s4;
	s4 =	ssub.s32 $0x2, s4  }
0x9: {  	_ =	strace $0x8000004A;
	s3 =	sadd.s32 s3, s0;
	s20 =	sshrl.u32 s4, $0x1  }
0xa: {  	s6 =	sshrl.u32 s19, $0x3;
	s7 =	sadd.s32 s5, s2;
	s19 =	simm.s32 $0x9  }
0xb: {  	s18 =	sadd.s32 s5, s8;
	s4 =	ssub.s32 s4, s20;
	s21 =	sadd.s32 $0x14C00, s3  }
0xc: {  	s3 =	sadd.s32 $0xC00, s3;
	s6 =	sadd.s32 s1, s6;
	s22 =	sshrl.u32 s8, $0x3  }
0xd: {  	s20 =	simm.s32 $0x4;
	s5 =	simm.s32 $0x8;
	[dreg:$0x4] =	wrdreg s21  }
0xe: {  	s8 =	simm.s32 $0x9E00;
	s9 =	sshrl.u32 s18, $0x3;
	[dreg:$0x5] =	wrdreg s3  }
0xf: {  	s1 =	sadd.s32 $0x500, s6;
	s15 =	smax.u32 s4, $0x1;
	s3 =	simm.s32 $0x5  }
0x10: {  	s21 =	simm.s32 $0x6;
	s4 =	simm.s32 $0x7;
	s18 =	simm.s32 $0x9C00  }
0x11: {  	s10 =	sadd.s32 s9, s0;
	s0 =	sadd.s32 $0x28C00, s0;
	[dreg:$0x6] =	wrdreg s1  }
0x12: {  	s24 =	sadd.s32 s11, s9;
	s11 =	sadd.s32 s11, s22;
	s1 =	simm.s32 $0x10000  }
0x13: {  	s23 =	sadd.s32 $0xAC00, s10;
	[dreg:$0x8] =	wrdreg s24;
	s25 =	sadd.s32 s0, s9  }
0x14: {  	s13 =	sadd.s32 s0, s22;
	s26 =	sadd.s32 $0x32C00, s10;
	s22 =	simm.s32 $0x14800  }
0x15: {  	s24 =	simm.s32 $0xA000;
	s0 =	simm.s32 $0x3;
	[dreg:$0x7] =	wrdreg s23  }
0x16: {  	s9 =	simm.s32 $0x12000;
	s10 =	simm.s32 $0x0;
	[dreg:$0x9] =	wrdreg s25  }
0x17: {  	v0 =	vimm.f32 $0.0e+00;
	[dreg:$0xa] =	wrdreg s26;
	s23 =	simm.s32 $0x200;
	s25 =	simm.s32 $0xC000  }
.LBB2_1:
0x18: {  	s12 =	simm.s32 $0x40;
	s14 =	simm.s32 $0x0  }
.LBB2_2:
0x19: {  	p0 =	sne.s32 s12, $0x9FC0;
	[tilespmem:s14+$0x19D00] =	vst v0;
	s14 =	smov.u32 s12;
	s12 =	sadd.s32 $0x40, s12  }
.Ltmp0:
0x1a: {  	(pc) =	sbr.rel @p0 .LBB2_2-.Ltmp0, $2  }
0x1b: {  	_ =	sdelay $0x2  }
0x1c: {  	s14 =	sshra.s32 s14, $0x2  }
0x1d: {  	[tilespmem:s14+$0x19D00] =	vst v0;
	s12 =	simm.s32 $0x0;
	s26 =	rddreg [dreg:$0x4]  }
0x1e: {  	[tilespmem:s12], [sflag:$0x1] =	stream.linear.gather [hbm4b:s26+s12], $0x5000, $0x38;
	[tilespmem:$0x1ED00] =	vst v63  }
0x1f: {  	_ =	swait.ge [sflag:s16], $0x5000  }
0x20: {  	[sflag:s16] =	ssyncset.done $0x0  }
0x21: {  	s26 =	rddreg [dreg:$0x5];
	[sflag:s16] =	ssyncadd.s32 $0xFFFFB000  }
0x22: {  	[tilespmem:s17], [sflag:$0x1] =	stream.linear.gather [hbm4b:s26+s12], $0x5000, $0x38;
	[tilespmem:$0x1ED00] =	vst v63  }
0x23: {  	_ =	swait.ge [sflag:s16], $0x5000  }
0x24: {  	[sflag:s16] =	ssyncset.done $0x0  }
0x25: {  	s26 =	simm.s32 $0x19D00;
	[sflag:s16] =	ssyncadd.s32 $0xFFFFB000  }
0x26: {  	[spmem:s7] =	stream.linear.scatter [tilespmem:s26], [sflag:$0x9], $0x2800, $0x38;
	[tilespmem:$0x1ED00] =	vst v63  }
0x27: {  	_ =	swait.ge [sflag:s19], $0x2800  }
0x28: {  	[sflag:s19] =	ssyncset.done $0x0  }
0x29: {  	s26 =	simm.s32 $0x17000;
	[sflag:s19] =	ssyncadd.s32 $0xFFFFD800  }
0x2a: {  	[tilespmem:s26], [sflag:$0x9] =	stream.linear.gather [hbm4b:s6+s12], $0x280, $0x38;
	[tilespmem:$0x1ED00] =	vst v63  }
0x2b: {  	_ =	swait.ge [sflag:s19], $0x280  }
0x2c: {  	[sflag:s19] =	ssyncset.done $0x0  }
0x2d: {  	s26 =	simm.s32 $0x17280;
	s14 =	rddreg [dreg:$0x6];
	[sflag:s19] =	ssyncadd.s32 $0xFFFFFD80  }
0x2e: {  	[tilespmem:s26], [sflag:$0x9] =	stream.linear.gather [hbm4b:s14+s12], $0x280, $0x38;
	[tilespmem:$0x1ED00] =	vst v63  }
0x2f: {  	_ =	swait.ge [sflag:s19], $0x280  }
0x30: {  	[sflag:s19] =	ssyncset.done $0x0  }
0x31: {  	s26 =	simm.s32 $0x0;
	[sflag:s19] =	ssyncadd.s32 $0xFFFFFD80  }
0x32: {  	v1 =	vld [tilespmem:s26+$0x17280]  }
0x33: {  	v2 =	vld [tilespmem:s26+$0x17000];
	_ =	sdelay $0x4  }
0x34: {  	v1 =	vadd.f32 v1, v2;
	_ =	sdelay $0x1  }
0x35: {  	v1 =	vadd.f32 $1.000000000e+00, v1;
	_ =	sdelay $0x1  }
0x36: {  	v2 =	vshra.s32 v1, $0x1;
	v1 =	vmul.f32 $5.000000000e-01, v1  }
0x37: {  	v2 =	vsub.s32 $0x5F3759DF, v2  }
0x38: {  	v3 =	vmul.f32 v2, v1;
	_ =	sdelay $0x1  }
0x39: {  	v3 =	vmul.f32 v2, v3;
	_ =	sdelay $0x1  }
0x3a: {  	v3 =	vsub.f32 $1.500000000e+00, v3;
	_ =	sdelay $0x1  }
0x3b: {  	v2 =	vmul.f32 v2, v3;
	_ =	sdelay $0x1  }
0x3c: {  	v3 =	vmul.f32 v2, v1;
	_ =	sdelay $0x1  }
0x3d: {  	v3 =	vmul.f32 v3, v2;
	_ =	sdelay $0x1  }
0x3e: {  	v3 =	vsub.f32 $1.500000000e+00, v3;
	_ =	sdelay $0x1  }
0x3f: {  	v2 =	vmul.f32 v3, v2;
	_ =	sdelay $0x1  }
0x40: {  	v1 =	vmul.f32 v2, v1;
	_ =	sdelay $0x1  }
0x41: {  	v1 =	vmul.f32 v1, v2;
	_ =	sdelay $0x1  }
0x42: {  	v1 =	vsub.f32 $1.500000000e+00, v1;
	_ =	sdelay $0x1  }
0x43: {  	v1 =	vmul.f32 v1, v2;
	_ =	sdelay $0x1  }
0x44: {  	v2 =	vbroadcast v1, $0xF  }
0x45: {  	s12 =	simm.s32 $0x17580;
	v3 =	vbroadcast v1, $0xE  }
0x46: {  	v4 =	vbroadcast v1, $0xD;
	[tilespmem:s12+$0x70] =	vst v2  }
0x47: {  	v60 =	vbroadcast v1, $0xA;
	[tilespmem:s12+$0x60] =	vst v3  }
0x48: {  	v61 =	vbroadcast v1, $0x7;
	[tilespmem:s12+$0x50] =	vst v4  }
0x49: {  	v62 =	vbroadcast v1, $0x4;
	[tilespmem:s12+$0x20] =	vst v60  }
0x4a: {  	v63 =	vbroadcast v1, $0x1;
	[tilespmem:s12+$0xFFFFFFF0] =	vst v61  }
0x4b: {  	v2 =	vbroadcast v1, $0xC;
	[tilespmem:s12+$0xFFFFFFC0] =	vst v62  }
0x4c: {  	v3 =	vbroadcast v1, $0xB;
	[tilespmem:s12+$0xFFFFFF90] =	vst v63  }
0x4d: {  	[tilespmem:s12+$0x40] =	vst v2;
	v2 =	vbroadcast v1, $0x9  }
0x4e: {  	[tilespmem:s12+$0x30] =	vst v3;
	v3 =	vbroadcast v1, $0x8  }
0x4f: {  	[tilespmem:s12+$0x10] =	vst v2;
	v2 =	vbroadcast v1, $0x6  }
0x50: {  	[tilespmem:s12+$0x0] =	vst v3;
	v3 =	vbroadcast v1, $0x5  }
0x51: {  	[tilespmem:s12+$0xFFFFFFE0] =	vst v2;
	v2 =	vbroadcast v1, $0x3  }
0x52: {  	[tilespmem:s12+$0xFFFFFFD0] =	vst v3;
	v3 =	vbroadcast v1, $0x2  }
0x53: {  	v1 =	vbroadcast v1, $0x0;
	[tilespmem:s12+$0xFFFFFFB0] =	vst v2  }
0x54: {  	[tilespmem:s12+$0xFFFFFFA0] =	vst v3  }
0x55: {  	s14 =	simm.s32 $0x10;
	[tilespmem:s12+$0xFFFFFF80] =	vst v1  }
0x56: {  	s26 =	simm.s32 $0x80;
	v1 =	vld [tilespmem:s14+$0x17280]  }
.LBB2_4:
0x57: {  	p0 =	sne.s32 s26, $0x9C0;
	v2 =	vld [tilespmem:s14+$0x17000];
	_ =	sdelay $0x4  }
0x58: {  	v1 =	vadd.f32 v1, v2;
	_ =	sdelay $0x1  }
0x59: {  	v1 =	vadd.f32 $1.000000000e+00, v1;
	_ =	sdelay $0x1  }
0x5a: {  	v2 =	vshra.s32 v1, $0x1;
	v1 =	vmul.f32 $5.000000000e-01, v1  }
0x5b: {  	v2 =	vsub.s32 $0x5F3759DF, v2  }
0x5c: {  	v3 =	vmul.f32 v2, v1;
	_ =	sdelay $0x1  }
0x5d: {  	v3 =	vmul.f32 v2, v3;
	_ =	sdelay $0x1  }
0x5e: {  	v3 =	vsub.f32 $1.500000000e+00, v3;
	_ =	sdelay $0x1  }
0x5f: {  	v2 =	vmul.f32 v2, v3;
	_ =	sdelay $0x1  }
0x60: {  	v3 =	vmul.f32 v2, v1;
	_ =	sdelay $0x1  }
0x61: {  	v3 =	vmul.f32 v3, v2;
	_ =	sdelay $0x1  }
0x62: {  	v3 =	vsub.f32 $1.500000000e+00, v3;
	_ =	sdelay $0x1  }
0x63: {  	v2 =	vmul.f32 v3, v2;
	_ =	sdelay $0x1  }
0x64: {  	v1 =	vmul.f32 v2, v1;
	_ =	sdelay $0x1  }
0x65: {  	v1 =	vmul.f32 v1, v2;
	_ =	sdelay $0x1  }
0x66: {  	v1 =	vsub.f32 $1.500000000e+00, v1;
	_ =	sdelay $0x1  }
0x67: {  	v1 =	vmul.f32 v1, v2;
	_ =	sdelay $0x1  }
0x68: {  	v2 =	vbroadcast v1, $0xE;
	v3 =	vbroadcast v1, $0xF  }
0x69: {  	s12 =	sadd.s32 $0x100, s12;
	v4 =	vbroadcast v1, $0xC;
	v5 =	vbroadcast v1, $0xD  }
0x6a: {  	v6 =	vbroadcast v1, $0xA;
	v7 =	vbroadcast v1, $0xB;
	[tilespmem:s12+$0x70] =	vst v3  }
0x6b: {  	v8 =	vbroadcast v1, $0x9;
	v3 =	vbroadcast v1, $0x8;
	[tilespmem:s12+$0x60] =	vst v2  }
0x6c: {  	v9 =	vbroadcast v1, $0x7;
	v2 =	vbroadcast v1, $0x6;
	[tilespmem:s12+$0x50] =	vst v5  }
0x6d: {  	v10 =	vbroadcast v1, $0x5;
	v5 =	vbroadcast v1, $0x4;
	[tilespmem:s12+$0x40] =	vst v4  }
0x6e: {  	v11 =	vbroadcast v1, $0x3;
	v4 =	vbroadcast v1, $0x2;
	[tilespmem:s12+$0x30] =	vst v7  }
0x6f: {  	v7 =	vbroadcast v1, $0x0;
	v1 =	vbroadcast v1, $0x1;
	[tilespmem:s12+$0x20] =	vst v6  }
0x70: {  	[tilespmem:s12+$0x10] =	vst v8  }
0x71: {  	[tilespmem:s12+$0x0] =	vst v3  }
0x72: {  	[tilespmem:s12+$0xFFFFFFF0] =	vst v9  }
0x73: {  	[tilespmem:s12+$0xFFFFFFE0] =	vst v2  }
0x74: {  	[tilespmem:s12+$0xFFFFFFD0] =	vst v10  }
0x75: {  	[tilespmem:s12+$0xFFFFFFC0] =	vst v5  }
.Ltmp1:
0x76: {  	[tilespmem:s12+$0xFFFFFFB0] =	vst v11;
	(pc) =	sbr.rel @p0 .LBB2_4-.Ltmp1, $4  }
0x77: {  	[tilespmem:s12+$0xFFFFFFA0] =	vst v4  }
0x78: {  	[tilespmem:s12+$0xFFFFFF90] =	vst v1  }
0x79: {  	s14 =	sshra.s32 s26, $0x2;
	[tilespmem:s12+$0xFFFFFF80] =	vst v7  }
0x7a: {  	s26 =	sadd.s32 $0x40, s26;
	v1 =	vld [tilespmem:s14+$0x17280]  }
0x7b: {  	v2 =	vld [tilespmem:s14+$0x17000];
	_ =	sdelay $0x4  }
0x7c: {  	v1 =	vadd.f32 v1, v2;
	_ =	sdelay $0x1  }
0x7d: {  	v1 =	vadd.f32 $1.000000000e+00, v1;
	_ =	sdelay $0x1  }
0x7e: {  	v2 =	vshra.s32 v1, $0x1;
	v1 =	vmul.f32 $5.000000000e-01, v1  }
0x7f: {  	v2 =	vsub.s32 $0x5F3759DF, v2  }
0x80: {  	v3 =	vmul.f32 v2, v1;
	_ =	sdelay $0x1  }
0x81: {  	v3 =	vmul.f32 v2, v3;
	_ =	sdelay $0x1  }
0x82: {  	v3 =	vsub.f32 $1.500000000e+00, v3;
	_ =	sdelay $0x1  }
0x83: {  	v2 =	vmul.f32 v2, v3;
	_ =	sdelay $0x1  }
0x84: {  	v3 =	vmul.f32 v2, v1;
	_ =	sdelay $0x1  }
0x85: {  	v3 =	vmul.f32 v3, v2;
	_ =	sdelay $0x1  }
0x86: {  	v3 =	vsub.f32 $1.500000000e+00, v3;
	_ =	sdelay $0x1  }
0x87: {  	v2 =	vmul.f32 v3, v2;
	_ =	sdelay $0x1  }
0x88: {  	v1 =	vmul.f32 v2, v1;
	_ =	sdelay $0x1  }
0x89: {  	v1 =	vmul.f32 v1, v2;
	_ =	sdelay $0x1  }
0x8a: {  	v1 =	vsub.f32 $1.500000000e+00, v1;
	_ =	sdelay $0x1  }
0x8b: {  	v1 =	vmul.f32 v1, v2;
	_ =	sdelay $0x1  }
0x8c: {  	v2 =	vbroadcast v1, $0xF  }
0x8d: {  	s12 =	sadd.s32 $0x100, s12;
	v3 =	vbroadcast v1, $0xE  }
0x8e: {  	v4 =	vbroadcast v1, $0xD;
	[tilespmem:s12+$0x70] =	vst v2  }
0x8f: {  	v60 =	vbroadcast v1, $0xA;
	[tilespmem:s12+$0x60] =	vst v3  }
0x90: {  	v61 =	vbroadcast v1, $0x7;
	[tilespmem:s12+$0x50] =	vst v4  }
0x91: {  	v62 =	vbroadcast v1, $0x4;
	[tilespmem:s12+$0x20] =	vst v60  }
0x92: {  	v63 =	vbroadcast v1, $0x1;
	[tilespmem:s12+$0xFFFFFFF0] =	vst v61  }
0x93: {  	v2 =	vbroadcast v1, $0xC;
	[tilespmem:s12+$0xFFFFFFC0] =	vst v62  }
0x94: {  	v3 =	vbroadcast v1, $0xB;
	[tilespmem:s12+$0xFFFFFF90] =	vst v63  }
0x95: {  	[tilespmem:s12+$0x40] =	vst v2;
	v2 =	vbroadcast v1, $0x9  }
0x96: {  	[tilespmem:s12+$0x30] =	vst v3;
	v3 =	vbroadcast v1, $0x8  }
0x97: {  	[tilespmem:s12+$0x10] =	vst v2;
	v2 =	vbroadcast v1, $0x6  }
0x98: {  	[tilespmem:s12+$0x0] =	vst v3;
	v3 =	vbroadcast v1, $0x5  }
0x99: {  	[tilespmem:s12+$0xFFFFFFE0] =	vst v2;
	v2 =	vbroadcast v1, $0x3  }
0x9a: {  	[tilespmem:s12+$0xFFFFFFD0] =	vst v3;
	v3 =	vbroadcast v1, $0x2  }
0x9b: {  	v1 =	vbroadcast v1, $0x0;
	[tilespmem:s12+$0xFFFFFFB0] =	vst v2  }
0x9c: {  	[tilespmem:s12+$0xFFFFFFA0] =	vst v3  }
0x9d: {  	s14 =	simm.s32 $0x0;
	s26 =	rddreg [dreg:$0x7];
	[tilespmem:s12+$0xFFFFFF80] =	vst v1  }
0x9e: {  	[tilespmem:s22], [sflag:$0x9] =	stream.linear.gather [hbm4b:s26+s14], $0x2800, $0x38;
	[tilespmem:$0x1ED00] =	vst v63  }
0x9f: {  	_ =	swait.ge [sflag:s19], $0x2800  }
0xa0: {  	[sflag:s19] =	ssyncset.done $0x0  }
0xa1: {  	s12 =	simm.s32 $0x0;
	[sflag:s19] =	ssyncadd.s32 $0xFFFFD800  }
0xa2: {  	s26 =	simm.s32 $0x40;
	v1 =	vld [tilespmem:s12+$0x17500]  }
.LBB2_6:
0xa3: {  	p0 =	sne.s32 s26, $0x9FC0;
	v2 =	vld [tilespmem:s12+$0x14800];
	_ =	sdelay $0x2  }
.Ltmp2:
0xa4: {  	(pc) =	sbr.rel @p0 .LBB2_6-.Ltmp2, $4  }
0xa5: {  	_ = 	snop  }
0xa6: {  	v2 =	vmul.f32 v1, v2  }
0xa7: {  	s14 =	sshra.s32 s26, $0x2  }
0xa8: {  	s26 =	sadd.s32 $0x40, s26;
	v1 =	vld [tilespmem:s14+$0x17500];
	[tilespmem:s12+$0x14800] =	vst v2;
	s12 =	smov.u32 s14  }
0xa9: {  	v2 =	vld [tilespmem:s12+$0x14800];
	_ =	sdelay $0x4  }
0xaa: {  	v1 =	vmul.f32 v1, v2;
	_ =	sdelay $0x1  }
0xab: {  	s26 =	simm.s32 $0x0;
	s14 =	rddreg [dreg:$0x8];
	[tilespmem:s12+$0x14800] =	vst v1  }
0xac: {  	[hbm4b:s14+s26] =	stream.linear.scatter [tilespmem:s22], [sflag:$0x9], $0x2800, $0x38;
	[tilespmem:$0x1ED00] =	vst v63  }
0xad: {  	_ =	swait.ge [sflag:s19], $0x2800  }
0xae: {  	[sflag:s19] =	ssyncset.done $0x0  }
0xaf: {  	[sflag:s19] =	ssyncadd.s32 $0xFFFFD800  }
0xb0: {  	[bflag:$0x0] =	sbarrier.arrive $0xFFFF  }
0xb1: {  	[tilespmem:s24], [sflag:$0x1] =	stream.indirect.gather [hbm4b:s11+s23], $0x10, s26, s23, $0xb8;
	[tilespmem:$0x1ED00] =	vst v63  }
0xb2: {  	_ = 	snop  }
0xb3: {  	[tilespmem:s25], [sflag:$0x2] =	stream.indirect.gather [hbm4b:s11+s23], $0x10, s23, s23, $0xb8;
	[tilespmem:$0x1ED00] =	vst v63  }
0xb4: {  	_ =	swait.ge [sflag:s16], $0x2000  }
0xb5: {  	[sflag:s16] =	ssyncset.done $0x0  }
0xb6: {  	[sflag:s16] =	ssyncadd.s32 $0xFFFFE000  }
0xb7: {  	[spmem:s2] =	stream.indirect.scatter.add.f32 [tilespmem:s24], [sflag:$0x5], $0x10, s17, s23, $0xb8;
	[tilespmem:$0x1ED00] =	vst v63  }
0xb8: {  	s14 =	simm.s32 $0x400  }
0xb9: {  	[tilespmem:s28], [sflag:$0x3] =	stream.indirect.gather [hbm4b:s11+s23], $0x10, s14, s23, $0xb8;
	[tilespmem:$0x1ED00] =	vst v63  }
0xba: {  	_ =	swait.ge [sflag:s29], $0x2000  }
0xbb: {  	[sflag:s29] =	ssyncset.done $0x0  }
0xbc: {  	[sflag:s29] =	ssyncadd.s32 $0xFFFFE000  }
0xbd: {  	[spmem:s2] =	stream.indirect.scatter.add.f32 [tilespmem:s25], [sflag:$0x6], $0x10, s30, s23, $0xb8;
	[tilespmem:$0x1ED00] =	vst v63  }
0xbe: {  	_ = 	snop  }
0xbf: {  	[tilespmem:s1], [sflag:$0x4] =	stream.indirect.gather [hbm4b:s11+s23], $0x10, s31, s23, $0xb8;
	[tilespmem:$0x1ED00] =	vst v63  }
0xc0: {  	_ =	swait.ge [sflag:s0], $0x2000  }
0xc1: {  	[sflag:s0] =	ssyncset.done $0x0  }
0xc2: {  	s26 =	simm.s32 $0x5400;
	[sflag:s0] =	ssyncadd.s32 $0xFFFFE000  }
0xc3: {  	[spmem:s2] =	stream.indirect.scatter.add.f32 [tilespmem:s28], [sflag:$0x7], $0x10, s26, s23, $0xb8;
	[tilespmem:$0x1ED00] =	vst v63  }
0xc4: {  	_ =	swait.ge [sflag:s3], $0x2000  }
0xc5: {  	[sflag:s3] =	ssyncset.done $0x0  }
0xc6: {  	s14 =	simm.s32 $0x800;
	[sflag:s3] =	ssyncadd.s32 $0xFFFFE000  }
0xc7: {  	[tilespmem:s24], [sflag:$0x1] =	stream.indirect.gather [hbm4b:s11+s23], $0x10, s14, s23, $0xb8;
	[tilespmem:$0x1ED00] =	vst v63  }
0xc8: {  	_ =	swait.ge [sflag:s20], $0x2000  }
0xc9: {  	[sflag:s20] =	ssyncset.done $0x0  }
0xca: {  	s26 =	simm.s32 $0x5600;
	[sflag:s20] =	ssyncadd.s32 $0xFFFFE000  }
0xcb: {  	[spmem:s2] =	stream.indirect.scatter.add.f32 [tilespmem:s1], [sflag:$0x8], $0x10, s26, s23, $0xb8;
	[tilespmem:$0x1ED00] =	vst v63  }
0xcc: {  	_ =	swait.ge [sflag:s21], $0x2000  }
0xcd: {  	[sflag:s21] =	ssyncset.done $0x0  }
0xce: {  	s14 =	simm.s32 $0xA00;
	[sflag:s21] =	ssyncadd.s32 $0xFFFFE000  }
0xcf: {  	[tilespmem:s25], [sflag:$0x2] =	stream.indirect.gather [hbm4b:s11+s23], $0x10, s14, s23, $0xb8;
	[tilespmem:$0x1ED00] =	vst v63  }
0xd0: {  	_ =	swait.ge [sflag:s16], $0x2000  }
0xd1: {  	[sflag:s16] =	ssyncset.done $0x0  }
0xd2: {  	s26 =	simm.s32 $0x5800;
	[sflag:s16] =	ssyncadd.s32 $0xFFFFE000  }
0xd3: {  	[spmem:s2] =	stream.indirect.scatter.add.f32 [tilespmem:s24], [sflag:$0x5], $0x10, s26, s23, $0xb8;
	[tilespmem:$0x1ED00] =	vst v63  }
0xd4: {  	_ =	swait.ge [sflag:s4], $0x2000  }
0xd5: {  	[sflag:s4] =	ssyncset.done $0x0  }
0xd6: {  	s14 =	simm.s32 $0xC00;
	[sflag:s4] =	ssyncadd.s32 $0xFFFFE000  }
0xd7: {  	[tilespmem:s28], [sflag:$0x3] =	stream.indirect.gather [hbm4b:s11+s23], $0x10, s14, s23, $0xb8;
	[tilespmem:$0x1ED00] =	vst v63  }
0xd8: {  	_ =	swait.ge [sflag:s29], $0x2000  }
0xd9: {  	[sflag:s29] =	ssyncset.done $0x0  }
0xda: {  	s26 =	simm.s32 $0x5A00;
	[sflag:s29] =	ssyncadd.s32 $0xFFFFE000  }
0xdb: {  	[spmem:s2] =	stream.indirect.scatter.add.f32 [tilespmem:s25], [sflag:$0x6], $0x10, s26, s23, $0xb8;
	[tilespmem:$0x1ED00] =	vst v63  }
0xdc: {  	_ =	swait.ge [sflag:s5], $0x2000  }
0xdd: {  	[sflag:s5] =	ssyncset.done $0x0  }
0xde: {  	s12 =	simm.s32 $0x2000;
	s14 =	simm.s32 $0xE00;
	[sflag:s5] =	ssyncadd.s32 $0xFFFFE000  }
.LBB2_8:
0xdf: {  	[tilespmem:s1], [sflag:$0x4] =	stream.indirect.gather [hbm4b:s11+s23], $0x10, s14, s23, $0xb8;
	[tilespmem:$0x1ED00] =	vst v63  }
0xe0: {  	s14 =	smov.u32 s12  }
0xe1: {  	p0 =	sne.s32 s12, $0x10000;
	s12 =	sadd.s32 $0x2000, s12;
	_ =	swait.ge [sflag:s0], $0x2000  }
0xe2: {  	s26 =	sshra.s32 s14, $0x2;
	[sflag:s0] =	ssyncset.done $0x0  }
0xe3: {  	s14 =	sadd.s32 $0x5400, s26;
	[sflag:s0] =	ssyncadd.s32 $0xFFFFE000  }
0xe4: {  	[spmem:s2] =	stream.indirect.scatter.add.f32 [tilespmem:s28], [sflag:$0x7], $0x10, s14, s23, $0xb8;
	[tilespmem:$0x1ED00] =	vst v63  }
0xe5: {  	_ =	swait.ge [sflag:s3], $0x2000  }
0xe6: {  	[sflag:s3] =	ssyncset.done $0x0  }
0xe7: {  	s14 =	sadd.s32 $0x800, s26;
	[sflag:s3] =	ssyncadd.s32 $0xFFFFE000  }
0xe8: {  	[tilespmem:s24], [sflag:$0x1] =	stream.indirect.gather [hbm4b:s11+s23], $0x10, s14, s23, $0xb8;
	[tilespmem:$0x1ED00] =	vst v63  }
0xe9: {  	_ =	swait.ge [sflag:s20], $0x2000  }
0xea: {  	[sflag:s20] =	ssyncset.done $0x0  }
0xeb: {  	s14 =	sadd.s32 $0x5600, s26;
	[sflag:s20] =	ssyncadd.s32 $0xFFFFE000  }
0xec: {  	[spmem:s2] =	stream.indirect.scatter.add.f32 [tilespmem:s1], [sflag:$0x8], $0x10, s14, s23, $0xb8;
	[tilespmem:$0x1ED00] =	vst v63  }
0xed: {  	_ =	swait.ge [sflag:s21], $0x2000  }
0xee: {  	[sflag:s21] =	ssyncset.done $0x0  }
0xef: {  	s14 =	sadd.s32 $0xA00, s26;
	[sflag:s21] =	ssyncadd.s32 $0xFFFFE000  }
0xf0: {  	[tilespmem:s25], [sflag:$0x2] =	stream.indirect.gather [hbm4b:s11+s23], $0x10, s14, s23, $0xb8;
	[tilespmem:$0x1ED00] =	vst v63  }
0xf1: {  	_ =	swait.ge [sflag:s16], $0x2000  }
0xf2: {  	[sflag:s16] =	ssyncset.done $0x0  }
0xf3: {  	s14 =	sadd.s32 $0x5800, s26;
	[sflag:s16] =	ssyncadd.s32 $0xFFFFE000  }
0xf4: {  	[spmem:s2] =	stream.indirect.scatter.add.f32 [tilespmem:s24], [sflag:$0x5], $0x10, s14, s23, $0xb8;
	[tilespmem:$0x1ED00] =	vst v63  }
0xf5: {  	_ =	swait.ge [sflag:s4], $0x2000  }
0xf6: {  	[sflag:s4] =	ssyncset.done $0x0  }
0xf7: {  	s14 =	sadd.s32 $0xC00, s26;
	[sflag:s4] =	ssyncadd.s32 $0xFFFFE000  }
0xf8: {  	[tilespmem:s28], [sflag:$0x3] =	stream.indirect.gather [hbm4b:s11+s23], $0x10, s14, s23, $0xb8;
	[tilespmem:$0x1ED00] =	vst v63  }
0xf9: {  	_ =	swait.ge [sflag:s29], $0x2000  }
0xfa: {  	[sflag:s29] =	ssyncset.done $0x0  }
.Ltmp3:
0xfb: {  	s14 =	sadd.s32 $0x5A00, s26;
	[sflag:s29] =	ssyncadd.s32 $0xFFFFE000;
	(pc) =	sbr.rel @p0 .LBB2_8-.Ltmp3, $4  }
0xfc: {  	[spmem:s2] =	stream.indirect.scatter.add.f32 [tilespmem:s25], [sflag:$0x6], $0x10, s14, s23, $0xb8;
	[tilespmem:$0x1ED00] =	vst v63  }
0xfd: {  	_ =	swait.ge [sflag:s5], $0x2000  }
0xfe: {  	[sflag:s5] =	ssyncset.done $0x0  }
0xff: {  	s14 =	sadd.s32 $0xE00, s26;
	[sflag:s5] =	ssyncadd.s32 $0xFFFFE000  }
0x100: {  	[tilespmem:s1], [sflag:$0x4] =	stream.indirect.gather [hbm4b:s11+s23], $0x10, s14, s23, $0xb8;
	[tilespmem:$0x1ED00] =	vst v63  }
0x101: {  	_ =	swait.ge [sflag:s0], $0x2000  }
0x102: {  	[sflag:s0] =	ssyncset.done $0x0  }
0x103: {  	[sflag:s0] =	ssyncadd.s32 $0xFFFFE000  }
0x104: {  	[spmem:s2] =	stream.indirect.scatter.add.f32 [tilespmem:s28], [sflag:$0x7], $0x10, s18, s23, $0xb8;
	[tilespmem:$0x1ED00] =	vst v63  }
0x105: {  	_ =	swait.ge [sflag:s3], $0x2000  }
0x106: {  	[sflag:s3] =	ssyncset.done $0x0  }
0x107: {  	[sflag:s3] =	ssyncadd.s32 $0xFFFFE000  }
0x108: {  	_ =	swait.ge [sflag:s20], $0x2000  }
0x109: {  	[sflag:s20] =	ssyncset.done $0x0  }
0x10a: {  	[sflag:s20] =	ssyncadd.s32 $0xFFFFE000  }
0x10b: {  	[spmem:s2] =	stream.indirect.scatter.add.f32 [tilespmem:s1], [sflag:$0x8], $0x10, s8, s23, $0xb8;
	[tilespmem:$0x1ED00] =	vst v63  }
0x10c: {  	_ =	swait.ge [sflag:s21], $0x2000  }
0x10d: {  	[sflag:s21] =	ssyncset.done $0x0  }
0x10e: {  	[sflag:s21] =	ssyncadd.s32 $0xFFFFE000  }
0x10f: {  	_ =	swait.ge [sflag:s4], $0x2000  }
0x110: {  	[sflag:s4] =	ssyncset.done $0x0  }
0x111: {  	[sflag:s4] =	ssyncadd.s32 $0xFFFFE000  }
0x112: {  	_ =	swait.ge [sflag:s5], $0x2000  }
0x113: {  	[sflag:s5] =	ssyncset.done $0x0  }
0x114: {  	[sflag:s5] =	ssyncadd.s32 $0xFFFFE000  }
0x115: {  	[bflag:$0x0] =	sbarrier.arrive $0xFFFF  }
0x116: {  	[tilespmem:s9], [sflag:$0x9] =	stream.linear.gather [spmem:s7], $0x2800, $0x38;
	[tilespmem:$0x1ED00] =	vst v63  }
0x117: {  	_ =	swait.ge [sflag:s19], $0x2800  }
0x118: {  	[sflag:s19] =	ssyncset.done $0x0  }
0x119: {  	s12 =	simm.s32 $0x0;
	[sflag:s19] =	ssyncadd.s32 $0xFFFFD800  }
0x11a: {  	s26 =	simm.s32 $0x40;
	v1 =	vld [tilespmem:s12+$0x12000]  }
.LBB2_10:
0x11b: {  	p0 =	sne.s32 s26, $0x9FC0;
	v2 =	vld [tilespmem:s12+$0x14800];
	_ =	sdelay $0x1  }
0x11c: {  	v3 =	vld [tilespmem:s12+$0x17500];
	_ =	sdelay $0x2  }
0x11d: {  	v1 =	vadd.f32 v2, v1;
	_ =	sdelay $0x1  }
0x11e: {  	v1 =	vmul.f32 v1, v3;
	_ =	sdelay $0x1  }
0x11f: {  	v1 =	vadd.f32 v1, v1;
	_ =	sdelay $0x1  }
0x120: {  	v1 =	vmul.f32 $1.442695020e+00, v1;
	_ =	sdelay $0x1  }
0x121: {  	(erf) = vpow2.f32 v1;
	_ =	sdelay $0x8  }
0x122: {  	v1 =	vpop (erf)  }
0x123: {  	v1 =	vadd.f32 $1.000000000e+00, v1;
	_ =	sdelay $0x1  }
0x124: {  	(erf) = vrcp.f32 v1;
	_ =	sdelay $0x8  }
0x125: {  	v1 =	vpop (erf)  }
0x126: {  	v1 =	vadd.f32 v1, v1;
	_ =	sdelay $0x1  }
.Ltmp4:
0x127: {  	v1 =	vsub.f32 $1.000000000e+00, v1;
	(pc) =	sbr.rel @p0 .LBB2_10-.Ltmp4, $4  }
0x128: {  	_ = 	snop  }
0x129: {  	v2 =	vmul.f32 v1, v3  }
0x12a: {  	s14 =	sshra.s32 s26, $0x2  }
0x12b: {  	s26 =	sadd.s32 $0x40, s26;
	v1 =	vld [tilespmem:s14+$0x12000];
	[tilespmem:s12+$0x14800] =	vst v2;
	s12 =	smov.u32 s14  }
0x12c: {  	v2 =	vld [tilespmem:s12+$0x14800];
	_ =	sdelay $0x1  }
0x12d: {  	v3 =	vld [tilespmem:s12+$0x17500];
	_ =	sdelay $0x2  }
0x12e: {  	v1 =	vadd.f32 v2, v1;
	_ =	sdelay $0x1  }
0x12f: {  	v1 =	vmul.f32 v1, v3;
	_ =	sdelay $0x1  }
0x130: {  	v1 =	vadd.f32 v1, v1;
	_ =	sdelay $0x1  }
0x131: {  	v1 =	vmul.f32 $1.442695020e+00, v1;
	_ =	sdelay $0x1  }
0x132: {  	(erf) = vpow2.f32 v1;
	_ =	sdelay $0x8  }
0x133: {  	v1 =	vpop (erf)  }
0x134: {  	v1 =	vadd.f32 $1.000000000e+00, v1;
	_ =	sdelay $0x1  }
0x135: {  	(erf) = vrcp.f32 v1;
	_ =	sdelay $0x8  }
0x136: {  	v1 =	vpop (erf)  }
0x137: {  	v1 =	vadd.f32 v1, v1;
	_ =	sdelay $0x1  }
0x138: {  	v1 =	vsub.f32 $1.000000000e+00, v1;
	_ =	sdelay $0x1  }
0x139: {  	v1 =	vmul.f32 v1, v3;
	_ =	sdelay $0x1  }
0x13a: {  	s14 =	rddreg [dreg:$0x9];
	[tilespmem:s12+$0x14800] =	vst v1;
	s12 =	simm.s32 $0x0  }
0x13b: {  	[hbm4b:s14+s12] =	stream.linear.scatter [tilespmem:s22], [sflag:$0x9], $0x2800, $0x38;
	[tilespmem:$0x1ED00] =	vst v63  }
0x13c: {  	_ =	swait.ge [sflag:s19], $0x2800  }
0x13d: {  	[sflag:s19] =	ssyncset.done $0x0  }
0x13e: {  	s26 =	simm.s32 $0x19D00;
	[sflag:s19] =	ssyncadd.s32 $0xFFFFD800  }
0x13f: {  	[spmem:s7] =	stream.linear.scatter [tilespmem:s26], [sflag:$0x9], $0x2800, $0x38;
	[tilespmem:$0x1ED00] =	vst v63  }
0x140: {  	_ =	swait.ge [sflag:s19], $0x2800  }
0x141: {  	[sflag:s19] =	ssyncset.done $0x0  }
0x142: {  	[sflag:s19] =	ssyncadd.s32 $0xFFFFD800  }
0x143: {  	[bflag:$0x0] =	sbarrier.arrive $0xFFFF  }
0x144: {  	[tilespmem:s24], [sflag:$0x1] =	stream.indirect.gather [hbm4b:s13+s23], $0x10, s12, s23, $0xb8;
	[tilespmem:$0x1ED00] =	vst v63  }
0x145: {  	_ = 	snop  }
0x146: {  	[tilespmem:s25], [sflag:$0x2] =	stream.indirect.gather [hbm4b:s13+s23], $0x10, s23, s23, $0xb8;
	[tilespmem:$0x1ED00] =	vst v63  }
0x147: {  	_ =	swait.ge [sflag:s16], $0x2000  }
0x148: {  	[sflag:s16] =	ssyncset.done $0x0  }
0x149: {  	[sflag:s16] =	ssyncadd.s32 $0xFFFFE000  }
0x14a: {  	[spmem:s2] =	stream.indirect.scatter.add.f32 [tilespmem:s24], [sflag:$0x5], $0x10, s17, s23, $0xb8;
	[tilespmem:$0x1ED00] =	vst v63  }
0x14b: {  	s14 =	simm.s32 $0x400  }
0x14c: {  	[tilespmem:s28], [sflag:$0x3] =	stream.indirect.gather [hbm4b:s13+s23], $0x10, s14, s23, $0xb8;
	[tilespmem:$0x1ED00] =	vst v63  }
0x14d: {  	_ =	swait.ge [sflag:s29], $0x2000  }
0x14e: {  	[sflag:s29] =	ssyncset.done $0x0  }
0x14f: {  	[sflag:s29] =	ssyncadd.s32 $0xFFFFE000  }
0x150: {  	[spmem:s2] =	stream.indirect.scatter.add.f32 [tilespmem:s25], [sflag:$0x6], $0x10, s30, s23, $0xb8;
	[tilespmem:$0x1ED00] =	vst v63  }
0x151: {  	_ = 	snop  }
0x152: {  	[tilespmem:s1], [sflag:$0x4] =	stream.indirect.gather [hbm4b:s13+s23], $0x10, s31, s23, $0xb8;
	[tilespmem:$0x1ED00] =	vst v63  }
0x153: {  	_ =	swait.ge [sflag:s0], $0x2000  }
0x154: {  	[sflag:s0] =	ssyncset.done $0x0  }
0x155: {  	s26 =	simm.s32 $0x5400;
	[sflag:s0] =	ssyncadd.s32 $0xFFFFE000  }
0x156: {  	[spmem:s2] =	stream.indirect.scatter.add.f32 [tilespmem:s28], [sflag:$0x7], $0x10, s26, s23, $0xb8;
	[tilespmem:$0x1ED00] =	vst v63  }
0x157: {  	_ =	swait.ge [sflag:s3], $0x2000  }
0x158: {  	[sflag:s3] =	ssyncset.done $0x0  }
0x159: {  	s14 =	simm.s32 $0x800;
	[sflag:s3] =	ssyncadd.s32 $0xFFFFE000  }
0x15a: {  	[tilespmem:s24], [sflag:$0x1] =	stream.indirect.gather [hbm4b:s13+s23], $0x10, s14, s23, $0xb8;
	[tilespmem:$0x1ED00] =	vst v63  }
0x15b: {  	_ =	swait.ge [sflag:s20], $0x2000  }
0x15c: {  	[sflag:s20] =	ssyncset.done $0x0  }
0x15d: {  	s26 =	simm.s32 $0x5600;
	[sflag:s20] =	ssyncadd.s32 $0xFFFFE000  }
0x15e: {  	[spmem:s2] =	stream.indirect.scatter.add.f32 [tilespmem:s1], [sflag:$0x8], $0x10, s26, s23, $0xb8;
	[tilespmem:$0x1ED00] =	vst v63  }
0x15f: {  	_ =	swait.ge [sflag:s21], $0x2000  }
0x160: {  	[sflag:s21] =	ssyncset.done $0x0  }
0x161: {  	s14 =	simm.s32 $0xA00;
	[sflag:s21] =	ssyncadd.s32 $0xFFFFE000  }
0x162: {  	[tilespmem:s25], [sflag:$0x2] =	stream.indirect.gather [hbm4b:s13+s23], $0x10, s14, s23, $0xb8;
	[tilespmem:$0x1ED00] =	vst v63  }
0x163: {  	_ =	swait.ge [sflag:s16], $0x2000  }
0x164: {  	[sflag:s16] =	ssyncset.done $0x0  }
0x165: {  	s26 =	simm.s32 $0x5800;
	[sflag:s16] =	ssyncadd.s32 $0xFFFFE000  }
0x166: {  	[spmem:s2] =	stream.indirect.scatter.add.f32 [tilespmem:s24], [sflag:$0x5], $0x10, s26, s23, $0xb8;
	[tilespmem:$0x1ED00] =	vst v63  }
0x167: {  	_ =	swait.ge [sflag:s4], $0x2000  }
0x168: {  	[sflag:s4] =	ssyncset.done $0x0  }
0x169: {  	s14 =	simm.s32 $0xC00;
	[sflag:s4] =	ssyncadd.s32 $0xFFFFE000  }
0x16a: {  	[tilespmem:s28], [sflag:$0x3] =	stream.indirect.gather [hbm4b:s13+s23], $0x10, s14, s23, $0xb8;
	[tilespmem:$0x1ED00] =	vst v63  }
0x16b: {  	_ =	swait.ge [sflag:s29], $0x2000  }
0x16c: {  	[sflag:s29] =	ssyncset.done $0x0  }
0x16d: {  	s26 =	simm.s32 $0x5A00;
	[sflag:s29] =	ssyncadd.s32 $0xFFFFE000  }
0x16e: {  	[spmem:s2] =	stream.indirect.scatter.add.f32 [tilespmem:s25], [sflag:$0x6], $0x10, s26, s23, $0xb8;
	[tilespmem:$0x1ED00] =	vst v63  }
0x16f: {  	_ =	swait.ge [sflag:s5], $0x2000  }
0x170: {  	[sflag:s5] =	ssyncset.done $0x0  }
0x171: {  	s12 =	simm.s32 $0x2000;
	s14 =	simm.s32 $0xE00;
	[sflag:s5] =	ssyncadd.s32 $0xFFFFE000  }
.LBB2_12:
0x172: {  	[tilespmem:s1], [sflag:$0x4] =	stream.indirect.gather [hbm4b:s13+s23], $0x10, s14, s23, $0xb8;
	[tilespmem:$0x1ED00] =	vst v63  }
0x173: {  	s14 =	smov.u32 s12  }
0x174: {  	p0 =	sne.s32 s12, $0x10000;
	s12 =	sadd.s32 $0x2000, s12;
	_ =	swait.ge [sflag:s0], $0x2000  }
0x175: {  	s26 =	sshra.s32 s14, $0x2;
	[sflag:s0] =	ssyncset.done $0x0  }
0x176: {  	s14 =	sadd.s32 $0x5400, s26;
	[sflag:s0] =	ssyncadd.s32 $0xFFFFE000  }
0x177: {  	[spmem:s2] =	stream.indirect.scatter.add.f32 [tilespmem:s28], [sflag:$0x7], $0x10, s14, s23, $0xb8;
	[tilespmem:$0x1ED00] =	vst v63  }
0x178: {  	_ =	swait.ge [sflag:s3], $0x2000  }
0x179: {  	[sflag:s3] =	ssyncset.done $0x0  }
0x17a: {  	s14 =	sadd.s32 $0x800, s26;
	[sflag:s3] =	ssyncadd.s32 $0xFFFFE000  }
0x17b: {  	[tilespmem:s24], [sflag:$0x1] =	stream.indirect.gather [hbm4b:s13+s23], $0x10, s14, s23, $0xb8;
	[tilespmem:$0x1ED00] =	vst v63  }
0x17c: {  	_ =	swait.ge [sflag:s20], $0x2000  }
0x17d: {  	[sflag:s20] =	ssyncset.done $0x0  }
0x17e: {  	s14 =	sadd.s32 $0x5600, s26;
	[sflag:s20] =	ssyncadd.s32 $0xFFFFE000  }
0x17f: {  	[spmem:s2] =	stream.indirect.scatter.add.f32 [tilespmem:s1], [sflag:$0x8], $0x10, s14, s23, $0xb8;
	[tilespmem:$0x1ED00] =	vst v63  }
0x180: {  	_ =	swait.ge [sflag:s21], $0x2000  }
0x181: {  	[sflag:s21] =	ssyncset.done $0x0  }
0x182: {  	s14 =	sadd.s32 $0xA00, s26;
	[sflag:s21] =	ssyncadd.s32 $0xFFFFE000  }
0x183: {  	[tilespmem:s25], [sflag:$0x2] =	stream.indirect.gather [hbm4b:s13+s23], $0x10, s14, s23, $0xb8;
	[tilespmem:$0x1ED00] =	vst v63  }
0x184: {  	_ =	swait.ge [sflag:s16], $0x2000  }
0x185: {  	[sflag:s16] =	ssyncset.done $0x0  }
0x186: {  	s14 =	sadd.s32 $0x5800, s26;
	[sflag:s16] =	ssyncadd.s32 $0xFFFFE000  }
0x187: {  	[spmem:s2] =	stream.indirect.scatter.add.f32 [tilespmem:s24], [sflag:$0x5], $0x10, s14, s23, $0xb8;
	[tilespmem:$0x1ED00] =	vst v63  }
0x188: {  	_ =	swait.ge [sflag:s4], $0x2000  }
0x189: {  	[sflag:s4] =	ssyncset.done $0x0  }
0x18a: {  	s14 =	sadd.s32 $0xC00, s26;
	[sflag:s4] =	ssyncadd.s32 $0xFFFFE000  }
0x18b: {  	[tilespmem:s28], [sflag:$0x3] =	stream.indirect.gather [hbm4b:s13+s23], $0x10, s14, s23, $0xb8;
	[tilespmem:$0x1ED00] =	vst v63  }
0x18c: {  	_ =	swait.ge [sflag:s29], $0x2000  }
0x18d: {  	[sflag:s29] =	ssyncset.done $0x0  }
.Ltmp5:
0x18e: {  	s14 =	sadd.s32 $0x5A00, s26;
	[sflag:s29] =	ssyncadd.s32 $0xFFFFE000;
	(pc) =	sbr.rel @p0 .LBB2_12-.Ltmp5, $4  }
0x18f: {  	[spmem:s2] =	stream.indirect.scatter.add.f32 [tilespmem:s25], [sflag:$0x6], $0x10, s14, s23, $0xb8;
	[tilespmem:$0x1ED00] =	vst v63  }
0x190: {  	_ =	swait.ge [sflag:s5], $0x2000  }
0x191: {  	[sflag:s5] =	ssyncset.done $0x0  }
0x192: {  	s14 =	sadd.s32 $0xE00, s26;
	[sflag:s5] =	ssyncadd.s32 $0xFFFFE000  }
0x193: {  	[tilespmem:s1], [sflag:$0x4] =	stream.indirect.gather [hbm4b:s13+s23], $0x10, s14, s23, $0xb8;
	[tilespmem:$0x1ED00] =	vst v63  }
0x194: {  	_ =	swait.ge [sflag:s0], $0x2000  }
0x195: {  	[sflag:s0] =	ssyncset.done $0x0  }
0x196: {  	[sflag:s0] =	ssyncadd.s32 $0xFFFFE000  }
0x197: {  	[spmem:s2] =	stream.indirect.scatter.add.f32 [tilespmem:s28], [sflag:$0x7], $0x10, s18, s23, $0xb8;
	[tilespmem:$0x1ED00] =	vst v63  }
0x198: {  	_ =	swait.ge [sflag:s3], $0x2000  }
0x199: {  	[sflag:s3] =	ssyncset.done $0x0  }
0x19a: {  	[sflag:s3] =	ssyncadd.s32 $0xFFFFE000  }
0x19b: {  	_ =	swait.ge [sflag:s20], $0x2000  }
0x19c: {  	[sflag:s20] =	ssyncset.done $0x0  }
0x19d: {  	[sflag:s20] =	ssyncadd.s32 $0xFFFFE000  }
0x19e: {  	[spmem:s2] =	stream.indirect.scatter.add.f32 [tilespmem:s1], [sflag:$0x8], $0x10, s8, s23, $0xb8;
	[tilespmem:$0x1ED00] =	vst v63  }
0x19f: {  	_ =	swait.ge [sflag:s21], $0x2000  }
0x1a0: {  	[sflag:s21] =	ssyncset.done $0x0  }
0x1a1: {  	[sflag:s21] =	ssyncadd.s32 $0xFFFFE000  }
0x1a2: {  	_ =	swait.ge [sflag:s4], $0x2000  }
0x1a3: {  	[sflag:s4] =	ssyncset.done $0x0  }
0x1a4: {  	[sflag:s4] =	ssyncadd.s32 $0xFFFFE000  }
0x1a5: {  	_ =	swait.ge [sflag:s5], $0x2000  }
0x1a6: {  	[sflag:s5] =	ssyncset.done $0x0  }
0x1a7: {  	[sflag:s5] =	ssyncadd.s32 $0xFFFFE000  }
0x1a8: {  	[bflag:$0x0] =	sbarrier.arrive $0xFFFF  }
0x1a9: {  	[tilespmem:s9], [sflag:$0x9] =	stream.linear.gather [spmem:s7], $0x2800, $0x38;
	[tilespmem:$0x1ED00] =	vst v63  }
0x1aa: {  	_ =	swait.ge [sflag:s19], $0x2800  }
0x1ab: {  	[sflag:s19] =	ssyncset.done $0x0  }
0x1ac: {  	s12 =	simm.s32 $0x0;
	[sflag:s19] =	ssyncadd.s32 $0xFFFFD800  }
0x1ad: {  	s26 =	simm.s32 $0x40;
	v1 =	vld [tilespmem:s12+$0x14800]  }
.LBB2_14:
0x1ae: {  	p0 =	sne.s32 s26, $0x9FC0;
	v2 =	vld [tilespmem:s12+$0x12000];
	_ =	sdelay $0x1  }
0x1af: {  	v3 =	vld [tilespmem:s12+$0x17500];
	_ =	sdelay $0x2  }
.Ltmp6:
0x1b0: {  	v1 =	vadd.f32 v1, v2;
	(pc) =	sbr.rel @p0 .LBB2_14-.Ltmp6, $4  }
0x1b1: {  	_ = 	snop  }
0x1b2: {  	v2 =	vmul.f32 v3, v1  }
0x1b3: {  	s14 =	sshra.s32 s26, $0x2  }
0x1b4: {  	s26 =	sadd.s32 $0x40, s26;
	v1 =	vld [tilespmem:s14+$0x14800];
	[tilespmem:s12+$0x12000] =	vst v2;
	s12 =	smov.u32 s14  }
0x1b5: {  	v2 =	vld [tilespmem:s12+$0x12000];
	_ =	sdelay $0x1  }
0x1b6: {  	v3 =	vld [tilespmem:s12+$0x17500];
	_ =	sdelay $0x2  }
0x1b7: {  	v1 =	vadd.f32 v1, v2;
	_ =	sdelay $0x1  }
0x1b8: {  	s10 =	sadd.s32 $0x1, s10;
	v1 =	vmul.f32 v3, v1  }
0x1b9: {  	p0 =	sne.s32 s10, s15  }
.Ltmp7:
0x1ba: {  	s26 =	simm.s32 $0x0;
	s14 =	rddreg [dreg:$0xa];
	[tilespmem:s12+$0x12000] =	vst v1;
	(pc) =	sbr.rel @p0 .LBB2_1-.Ltmp7, $4  }
0x1bb: {  	[hbm4b:s14+s26] =	stream.linear.scatter [tilespmem:s9], [sflag:$0x9], $0x2800, $0x38;
	[tilespmem:$0x1ED00] =	vst v63  }
0x1bc: {  	_ =	swait.ge [sflag:s19], $0x2800  }
0x1bd: {  	[sflag:s19] =	ssyncset.done $0x0  }
0x1be: {  	[sflag:s19] =	ssyncadd.s32 $0xFFFFD800  }
0x1bf: {  	_ =	sfence.sel $0x180000  }
0x1c0: {  	[bflag:$0x0] =	sbarrier.arrive $0xFFFF  }
0x1c1: {  	_ =	strace $0x9000004A  }
0x1c2: {  	s0 =	stileid.u32;
	[bflag:$0x2] =	sbarrier.arrive $0xFFFF  }
0x1c3: {  	p0 =	sne.s32 s0, $0x0;
	s0 =	rddreg [dreg:$0x3]  }
0x1c4: {  	s0 =	sadd.s32 @!p0 $0x100000, s0  }
0x1c5: {  	[sflag:s0] =	ssyncadd.tile.s32 @!p0 $0x1;
	_ =	shalt  }
.Lfunc_end2:
_tile_overlayer_lowered:
.L_overlay_start_2:
0x1c6: {  	(tag) =	ssettag $0x2  }
0x1c7: {  	s0 =	rddreg [dreg:$0x0];
	s2 =	stileid.u32  }
0x1c8: {  	s1 =	rddreg [dreg:$0x1];
	p0 =	sne.s32 s2, $0x0  }
0x1c9: {  	s3 =	rddreg [dreg:$0x2];
	[bflag:$0x3] =	sbarrier.arrive $0xFFFF;
	s2 =	simm.s32 @!p0 $0x1C09  }
0x1ca: {  	[timem:s3], [sflag:s2] =	dma.local @!p0 [hbm:s0], s1  }
0x1cb: {  	s0 =	simm.s32 @!p0 $0x9  }
0x1cc: {  	_ =	swait.ge @!p0 [sflag:s0], s1  }
0x1cd: {  	s1 =	ssub.s32 @!p0 $0x0, s1;
	[sflag:s0] =	ssyncset.done @!p0 $0x0  }
0x1ce: {  	[sflag:s0] =	ssyncadd.s32 @!p0 s1  }
0x1cf: {  	[bflag:$0x3] =	sbarrier.arrive $0xFFFF  }
0x1d0: {  	_ =	shalt  }

</sc_bundles>
